<compile_context>
chip_gen: v7x
topology: tpu7x:2x2x1
jax: 0.10.2.dev20260603
libtpu: 0.0.44.dev20260713+nightly
codegen_flags: <defaults>
</compile_context>

<pallas_src>
import jax
import jax.numpy as jnp
from jax import lax
from jax.experimental import pallas as pl
from jax.experimental.pallas import tpu as pltpu
from jax.experimental.pallas import tpu_sc as plsc

_NUM_SC_CORES = 2
_NUM_SC_SUBCORES = 16


def _tc_body(y_ref, x_ref, lt_ref, gt_ref, w_ref, b_ref, vtw_ref, vtb_ref,
             val_ref, comb_ref, ab_ref, ew_ref, bf_ref, vtwt_ref):
    b = pl.program_id(0)
    L, D = comb_ref.shape
    DY = y_ref.shape[2]
    DX, K = w_ref.shape
    F = DX * K
    G = val_ref.shape[1] // L

    @pl.when(b == 0)
    def _prep_weights():
        fidx = lax.broadcasted_iota(jnp.int32, (DX, F), 1)
        didx = lax.broadcasted_iota(jnp.int32, (DX, F), 0)
        e = (fidx // K == didx).astype(jnp.float32)
        wt = jnp.concatenate([w_ref[...]] * DX, axis=1)
        bt = jnp.concatenate([b_ref[...]] * DX, axis=1)
        ew_ref[...] = e * wt
        bf_ref[...] = jnp.sum(e * bt, axis=0, keepdims=True)
        eye = (lax.broadcasted_iota(jnp.int32, (D, D), 0)
               == lax.broadcasted_iota(jnp.int32, (D, D), 1)
               ).astype(jnp.float32)
        vtwt_ref[0:F + 1, :] = lax.dot_general(
            vtw_ref[...], eye, (((0,), (0,)), ((), ())),
            preferred_element_type=jnp.float32)

    def _compute_combined():
        xb = x_ref[0]
        xb = jnp.where(jnp.isnan(xb), 0.0, xb)
        xa = jnp.dot(xb, ew_ref[...],
                     preferred_element_type=jnp.float32) + bf_ref[...]
        ksel = (lax.broadcasted_iota(jnp.int32, (1, F), 1) % K) > 0
        feats = jnp.where(ksel, jnp.sin(xa), xa)
        tp = jnp.dot(feats, vtwt_ref[0:F, :],
                     preferred_element_type=jnp.float32)
        comb_ref[...] = (tp + lt_ref[...] + vtb_ref[...] + gt_ref[1:2, :])
        y2d = y_ref[0]
        nan2d = jnp.isnan(y2d)
        ab_ref[:, :DY] = jnp.where(nan2d, 0.0, y2d)
        ab_ref[:, DY:] = nan2d.astype(jnp.float32)

    _compute_combined()

    wy = vtwt_ref[F:F + 1, :]
    delta = gt_ref[0:1, :] - gt_ref[1:2, :]
    rows = lax.broadcasted_iota(jnp.int32, (2 * DY, 1), 0)
    ab = ab_ref[...]
    comb = comb_ref[...]
    for v in range(G):
        wsel = jnp.where(rows == v, wy,
                         jnp.where(rows == v + DY, delta, 0.0))
        prod = jnp.dot(ab, wsel, preferred_element_type=jnp.float32)
        val_ref[0, v * L:(v + 1) * L, :] = comb + prod


def _sc_body(st_ref, sp_ref, vi_ref, mk_ref, buf, vi_buf, mk_buf, sem):
    c = lax.axis_index("c")
    s = lax.axis_index("s")
    w = s * _NUM_SC_CORES + c
    B = sp_ref.shape[0]
    L, D = buf.shape

    nv = 16
    pltpu.sync_copy(st_ref.at[pl.ds(w, 1)], buf.at[pl.ds(0, 1)])
    row = [buf[0, pl.ds(j * nv, nv)] for j in range(D // nv)]
    wv = jnp.broadcast_to(w, (nv,))
    ones = jnp.ones((nv,), jnp.int32)
    chunk = 16

    def _fill(i, carry):
        r0 = i * chunk
        for r in range(chunk):
            for j in range(D // nv):
                buf[r0 + r, pl.ds(j * nv, nv)] = row[j]
        vi_buf[pl.ds(i * nv, nv)] = wv
        mk_buf[pl.ds(i * nv, nv)] = ones
        return carry

    lax.fori_loop(0, L // chunk, _fill, 0)

    copies = []
    for b in range(B):
        base = w * L
        copies.append(pltpu.async_copy(buf, sp_ref.at[b, pl.ds(base, L)], sem))
        copies.append(
            pltpu.async_copy(vi_buf, vi_ref.at[b, pl.ds(base, L)], sem))
        copies.append(
            pltpu.async_copy(mk_buf, mk_ref.at[b, pl.ds(base, L)], sem))
    for cp in copies:
        cp.wait()


def kernel(y, x, local_table, given_table, space_table, t2v_w, t2v_b,
           vt_w, vt_b):
    B, L, DY = y.shape
    DX = x.shape[-1]
    D = local_table.shape[-1]
    K = t2v_w.shape[-1]
    F = DX * K
    T = DY * L

    G = DY
    val = pl.pallas_call(
        _tc_body,
        grid=(B,),
        in_specs=[
            pl.BlockSpec((1, L, DY), lambda b: (b, 0, 0)),
            pl.BlockSpec((1, L, DX), lambda b: (b, 0, 0)),
            pl.BlockSpec((L, D), lambda b: (0, 0)),
            pl.BlockSpec((2, D), lambda b: (0, 0)),
            pl.BlockSpec((DX, K), lambda b: (0, 0)),
            pl.BlockSpec((DX, K), lambda b: (0, 0)),
            pl.BlockSpec((D, F + 1), lambda b: (0, 0)),
            pl.BlockSpec((1, D), lambda b: (0, 0)),
        ],
        out_specs=pl.BlockSpec((1, G * L, D), lambda b: (b, 0, 0)),
        out_shape=jax.ShapeDtypeStruct((B, T, D), jnp.float32),
        scratch_shapes=[pltpu.VMEM((L, D), jnp.float32),
                        pltpu.VMEM((L, 2 * DY), jnp.float32),
                        pltpu.VMEM((DX, F), jnp.float32),
                        pltpu.VMEM((1, F), jnp.float32),
                        pltpu.VMEM((F + 1, D), jnp.float32)],
        compiler_params=pltpu.CompilerParams(
            dimension_semantics=("arbitrary",)),
    )(y, x, local_table, given_table, t2v_w, t2v_b, vt_w,
      vt_b.reshape(1, D))

    sp, var_idx, mask = pl.kernel(
        _sc_body,
        out_type=[
            jax.ShapeDtypeStruct((B, T, D), jnp.float32),
            jax.ShapeDtypeStruct((B, T), jnp.int32),
            jax.ShapeDtypeStruct((B, T), jnp.int32),
        ],
        mesh=plsc.VectorSubcoreMesh(core_axis_name="c", subcore_axis_name="s"),
        scratch_types=[
            pltpu.VMEM((L, D), jnp.float32),
            pltpu.VMEM((L,), jnp.int32),
            pltpu.VMEM((L,), jnp.int32),
            pltpu.SemaphoreType.DMA,
        ],
    )(space_table)

    return (val, sp, var_idx, mask)

# --- scband reference (transcript-rebuilt; emitter-appended) ---
"""Pipeline reference for scband-embedding-55138790146510 (READ-ONLY COPY).

The authoritative reference and input builder live on the scoring server;
editing this copy changes nothing except your own understanding.
"""

import jax, jax.numpy as jnp
import numpy as np

B = 8
L = 512
D_Y = 32
D_X = 6
D_MODEL = 128
TIME_EMB_DIM = 6
MAX_SEQ_LEN = 512
TIME_DIM = TIME_EMB_DIM * D_X


def setup_inputs(seed: int = 0) -> dict:
    key = jax.random.key(seed)
    ks = jax.random.split(key, 9)
    inp = {}
    inp["y"] = jax.random.normal(ks[0], (B, L, D_Y), dtype=jnp.float32)
    inp["x"] = jax.random.normal(ks[1], (B, L, D_X), dtype=jnp.float32)
    inp["local_table"] = jax.random.normal(ks[2], (MAX_SEQ_LEN, D_MODEL), dtype=jnp.float32) * 0.02
    inp["given_table"] = jax.random.normal(ks[3], (2, D_MODEL), dtype=jnp.float32) * 0.02
    inp["space_table"] = jax.random.normal(ks[4], (D_Y, D_MODEL), dtype=jnp.float32) * 0.02
    inp["t2v_w"] = jax.random.normal(ks[5], (D_X, TIME_EMB_DIM), dtype=jnp.float32)
    inp["t2v_b"] = jax.random.normal(ks[6], (D_X, TIME_EMB_DIM), dtype=jnp.float32)
    fan_in = TIME_DIM + 1
    lim = 1.0 / np.sqrt(fan_in)
    inp["vt_w"] = jax.random.uniform(ks[7], (D_MODEL, fan_in), minval=-lim, maxval=lim, dtype=jnp.float32)
    inp["vt_b"] = jax.random.uniform(ks[8], (D_MODEL,), minval=-lim, maxval=lim, dtype=jnp.float32)
    return inp


def time2vec(x, w, b):
    # x: [B, T, input_dim]; w, b: [input_dim, k]
    # equivalent to torch.diag_embed(x) @ w + b
    xa = x[..., None] * w + b  # [B, T, input_dim, k]
    lin = xa[..., :1]
    per = jnp.sin(xa[..., 1:])
    out = jnp.concatenate([lin, per], axis=-1)
    return out.reshape(out.shape[0], out.shape[1], -1)  # [B, T, input_dim*k]


def reference(y, x, local_table, given_table, space_table, t2v_w, t2v_b, vt_w, vt_b):
    batch, length, dy = y.shape
    T = dy * length
    # local positional embedding: repeat(arange(L), 'l -> b (dy l)')
    local_pos = jnp.broadcast_to(jnp.tile(jnp.arange(length), dy), (batch, T))
    local_emb = jnp.take(local_table, local_pos, axis=0)
    # time features, repeated per variable
    x = jnp.nan_to_num(x)
    x_rep = jnp.tile(x, (1, dy, 1))  # 'b l dx -> b (dy l) dx'
    time_emb = time2vec(x_rep.astype(jnp.float32), t2v_w, t2v_b)
    true_null = jnp.isnan(y)
    y = jnp.nan_to_num(y)
    # Flatten: 'b l dy -> b (dy l) 1'
    y_orig = jnp.transpose(y, (0, 2, 1)).reshape(batch, T, 1)
    y_flat = y_orig  # data_drop is identity
    # make_mask with pad_value=nan: (y != nan).any(-1) -> all True
    mask = jnp.any(y_flat != jnp.float32(jnp.nan), axis=-1).astype(jnp.int32)
    val_time_inp = jnp.concatenate([time_emb, y_flat], axis=-1)
    val_time_emb = val_time_inp.astype(jnp.float32) @ vt_w.T + vt_b
    # given embedding (encoder path: all ones unless originally NaN)
    given = jnp.ones((batch, length, dy), jnp.int32)
    given = given * (~true_null).astype(jnp.int32)
    given = jnp.transpose(given, (0, 2, 1)).reshape(batch, T)
    given = given * (y_flat == y_orig).squeeze(-1).astype(jnp.int32)
    given_emb = jnp.take(given_table, given, axis=0)
    val_time_emb = local_emb + val_time_emb + given_emb
    # no downsample convs (downsample_convs=0)
    var_idx = jnp.broadcast_to(jnp.repeat(jnp.arange(dy), length), (batch, T))
    var_idx_true = var_idx
    space_emb = jnp.take(space_table, var_idx, axis=0)
    return (val_time_emb, space_emb, var_idx_true, mask)

if __name__ == "__main__":
    import jax
    _d = setup_inputs()
    print(jax.jit(kernel)(*tuple(_d.values())))

</pallas_src>

<mosaic_0001>
#map = affine_map<(d0, d1) -> (0, 0)>
#map1 = affine_map<(d0, d1) -> (0, 0, 0)>
module attributes {stable_mosaic.version = 14 : i64} {
  func.func @_sc_body(%arg0: i32, %arg1: i32, %arg2: memref<32x128xf32, #tpu.memory_space<hbm>>, %arg3: memref<8x16384x128xf32, #tpu.memory_space<hbm>>, %arg4: memref<8x16384xi32, #tpu.memory_space<hbm>>, %arg5: memref<8x16384xi32, #tpu.memory_space<hbm>>, %arg6: memref<512x128xf32, #tpu.memory_space<vmem>>, %arg7: memref<512xi32, #tpu.memory_space<vmem>>, %arg8: memref<512xi32, #tpu.memory_space<vmem>>, %arg9: memref<!tpu.dma_semaphore, #tpu.memory_space<semaphore_mem>>) attributes {dimension_semantics = [#tpu.dimension_semantics<core_parallel>, #tpu.dimension_semantics<subcore_parallel>], iteration_bounds = array<i64: 2, 16>, scalar_prefetch = 0 : i64, scratch_operands = 4 : i64, tpu.core_type = #tpu.core_type<sc_vector_subcore>, window_params = [{transform_indices = #map}, {transform_indices = #map1}, {transform_indices = #map}, {transform_indices = #map}]} {
    %mul3A = arith.constant 2 : i32
    %mul3A_0 = arith.muli %arg1, %mul3A : i32
    %add3A = arith.addi %mul3A_0, %arg0 : i32
    "tpu.region"() ({
      %run_scoped3A = tpu.sem_alloc : memref<!tpu.dma_semaphore, #tpu.memory_space<semaphore_mem>>
      %dma_start3A_333 = arith.constant 0 : i32
      %dma_start3A_334 = arith.constant 0 : i32
      %dma_start3A_335 = tpu.memref_slice %arg6[%dma_start3A_333, %dma_start3A_334] : memref<512x128xf32, #tpu.memory_space<vmem>> -> memref<1x128xf32, #tpu.memory_space<vmem>>
      %dma_start3A_336 = arith.constant 0 : i32
      %dma_start3A_337 = tpu.memref_slice %arg2[%add3A, %dma_start3A_336] : memref<32x128xf32, #tpu.memory_space<hbm>> -> memref<1x128xf32, #tpu.memory_space<hbm>>
      %dma_start3A_338 = arith.constant 0 : i32
      %dma_start3A_339 = arith.constant 0 : i32
      %dma_start3A_340 = tpu.memref_slice %arg6[%dma_start3A_338, %dma_start3A_339] : memref<512x128xf32, #tpu.memory_space<vmem>> -> memref<1x128xf32, #tpu.memory_space<vmem>>
      %dma_start3A_341 = arith.constant 0 : i32
      %dma_start3A_342 = tpu.memref_slice %arg2[%add3A, %dma_start3A_341] : memref<32x128xf32, #tpu.memory_space<hbm>> -> memref<1x128xf32, #tpu.memory_space<hbm>>
      tpu.enqueue_dma source(%dma_start3A_342 : memref<1x128xf32, #tpu.memory_space<hbm>>) target(%dma_start3A_340 : memref<1x128xf32, #tpu.memory_space<vmem>>) target_semaphore(%run_scoped3A : memref<!tpu.dma_semaphore, #tpu.memory_space<semaphore_mem>>)
      %dma_wait3A_343 = arith.constant 0 : i32
      %dma_wait3A_344 = arith.constant 0 : i32
      %dma_wait3A_345 = tpu.memref_slice %arg6[%dma_wait3A_343, %dma_wait3A_344] : memref<512x128xf32, #tpu.memory_space<vmem>> -> memref<1x128xf32, #tpu.memory_space<vmem>>
      %dma_wait3A_346 = arith.constant 0 : i32
      %dma_wait3A_347 = tpu.memref_slice %arg2[%add3A, %dma_wait3A_346] : memref<32x128xf32, #tpu.memory_space<hbm>> -> memref<1x128xf32, #tpu.memory_space<hbm>>
      %dma_wait3A_348 = arith.constant 0 : i32
      %dma_wait3A_349 = arith.constant 0 : i32
      %dma_wait3A_350 = tpu.memref_slice %arg6[%dma_wait3A_348, %dma_wait3A_349] : memref<512x128xf32, #tpu.memory_space<vmem>> -> memref<1x128xf32, #tpu.memory_space<vmem>>
      %dma_wait3A_351 = arith.constant 0 : i32
      %dma_wait3A_352 = tpu.memref_slice %arg2[%add3A, %dma_wait3A_351] : memref<32x128xf32, #tpu.memory_space<hbm>> -> memref<1x128xf32, #tpu.memory_space<hbm>>
      tpu.wait_dma2 semaphore(%run_scoped3A : memref<!tpu.dma_semaphore, #tpu.memory_space<semaphore_mem>>) src(%dma_wait3A_352 : memref<1x128xf32, #tpu.memory_space<hbm>>) dst(%dma_wait3A_350 : memref<1x128xf32, #tpu.memory_space<vmem>>)
      tpu.yield
    }) : () -> ()
    %get3A = arith.constant 0 : i32
    %get3A_1 = arith.index_cast %get3A : i32 to index
    %get3A_2 = arith.constant 0 : index
    %get3A_3 = tpu.vector_load %arg6[%get3A_1, %get3A_2] {strides = array<i32>} : memref<512x128xf32, #tpu.memory_space<vmem>>, vector<1x16xf32>,
    %get3A_4 = vector.shape_cast %get3A_3 : vector<1x16xf32> to vector<16xf32>
    %get3A_5 = arith.constant 0 : i32
    %get3A_6 = arith.index_cast %get3A_5 : i32 to index
    %get3A_7 = arith.constant 16 : index
    %get3A_8 = tpu.vector_load %arg6[%get3A_6, %get3A_7] {strides = array<i32>} : memref<512x128xf32, #tpu.memory_space<vmem>>, vector<1x16xf32>,
    %get3A_9 = vector.shape_cast %get3A_8 : vector<1x16xf32> to vector<16xf32>
    %get3A_10 = arith.constant 0 : i32
    %get3A_11 = arith.index_cast %get3A_10 : i32 to index
    %get3A_12 = arith.constant 32 : index
    %get3A_13 = tpu.vector_load %arg6[%get3A_11, %get3A_12] {strides = array<i32>} : memref<512x128xf32, #tpu.memory_space<vmem>>, vector<1x16xf32>,
    %get3A_14 = vector.shape_cast %get3A_13 : vector<1x16xf32> to vector<16xf32>
    %get3A_15 = arith.constant 0 : i32
    %get3A_16 = arith.index_cast %get3A_15 : i32 to index
    %get3A_17 = arith.constant 48 : index
    %get3A_18 = tpu.vector_load %arg6[%get3A_16, %get3A_17] {strides = array<i32>} : memref<512x128xf32, #tpu.memory_space<vmem>>, vector<1x16xf32>,
    %get3A_19 = vector.shape_cast %get3A_18 : vector<1x16xf32> to vector<16xf32>
    %get3A_20 = arith.constant 0 : i32
    %get3A_21 = arith.index_cast %get3A_20 : i32 to index
    %get3A_22 = arith.constant 64 : index
    %get3A_23 = tpu.vector_load %arg6[%get3A_21, %get3A_22] {strides = array<i32>} : memref<512x128xf32, #tpu.memory_space<vmem>>, vector<1x16xf32>,
    %get3A_24 = vector.shape_cast %get3A_23 : vector<1x16xf32> to vector<16xf32>
    %get3A_25 = arith.constant 0 : i32
    %get3A_26 = arith.index_cast %get3A_25 : i32 to index
    %get3A_27 = arith.constant 80 : index
    %get3A_28 = tpu.vector_load %arg6[%get3A_26, %get3A_27] {strides = array<i32>} : memref<512x128xf32, #tpu.memory_space<vmem>>, vector<1x16xf32>,
    %get3A_29 = vector.shape_cast %get3A_28 : vector<1x16xf32> to vector<16xf32>
    %get3A_30 = arith.constant 0 : i32
    %get3A_31 = arith.index_cast %get3A_30 : i32 to index
    %get3A_32 = arith.constant 96 : index
    %get3A_33 = tpu.vector_load %arg6[%get3A_31, %get3A_32] {strides = array<i32>} : memref<512x128xf32, #tpu.memory_space<vmem>>, vector<1x16xf32>,
    %get3A_34 = vector.shape_cast %get3A_33 : vector<1x16xf32> to vector<16xf32>
    %get3A_35 = arith.constant 0 : i32
    %get3A_36 = arith.index_cast %get3A_35 : i32 to index
    %get3A_37 = arith.constant 112 : index
    %get3A_38 = tpu.vector_load %arg6[%get3A_36, %get3A_37] {strides = array<i32>} : memref<512x128xf32, #tpu.memory_space<vmem>>, vector<1x16xf32>,
    %get3A_39 = vector.shape_cast %get3A_38 : vector<1x16xf32> to vector<16xf32>
    %broadcast_in_dim3A = vector.broadcast %add3A : i32 to vector<16xi32>
    %broadcast_in_dim3A_40 = arith.constant 1 : i32
    %broadcast_in_dim3A_41 = vector.broadcast %broadcast_in_dim3A_40 : i32 to vector<16xi32>
    %scan3A = arith.constant 0 : i32
    %scan3A_42 = arith.constant 0 : i32
    %scan3A_43 = arith.constant 32 : i32
    %scan3A_44 = arith.addi %scan3A_42, %scan3A_43 : i32
    %scan3A_45 = arith.constant 1 : i32
    scf.for %scan3A_333 = %scan3A_42 to %scan3A_44 step %scan3A_45  : i32 {
      %mul3A_334 = arith.constant 16 : i32
      %mul3A_335 = arith.muli %scan3A_333, %mul3A_334 : i32
      %add3A_336 = arith.constant 0 : i32
      %add3A_337 = arith.addi %mul3A_335, %add3A_336 : i32
      %swap3A = arith.index_cast %add3A_337 : i32 to index
      %swap3A_338 = arith.constant 0 : index
      %swap3A_339 = tpu.vector_load %arg6[%swap3A, %swap3A_338] {strides = array<i32>} : memref<512x128xf32, #tpu.memory_space<vmem>>, vector<1x16xf32>,
      %swap3A_340 = vector.shape_cast %swap3A_339 : vector<1x16xf32> to vector<16xf32>
      %swap3A_341 = vector.shape_cast %get3A_4 : vector<16xf32> to vector<1x16xf32>
      tpu.vector_store %arg6[%swap3A, %swap3A_338], %swap3A_341 {strides = array<i32>} : memref<512x128xf32, #tpu.memory_space<vmem>>, vector<1x16xf32>,
      %add3A_342 = arith.constant 0 : i32
      %add3A_343 = arith.addi %mul3A_335, %add3A_342 : i32
      %swap3A_344 = arith.index_cast %add3A_343 : i32 to index
      %swap3A_345 = arith.constant 16 : index
      %swap3A_346 = tpu.vector_load %arg6[%swap3A_344, %swap3A_345] {strides = array<i32>} : memref<512x128xf32, #tpu.memory_space<vmem>>, vector<1x16xf32>,
      %swap3A_347 = vector.shape_cast %swap3A_346 : vector<1x16xf32> to vector<16xf32>
      %swap3A_348 = vector.shape_cast %get3A_9 : vector<16xf32> to vector<1x16xf32>
      tpu.vector_store %arg6[%swap3A_344, %swap3A_345], %swap3A_348 {strides = array<i32>} : memref<512x128xf32, #tpu.memory_space<vmem>>, vector<1x16xf32>,
      %add3A_349 = arith.constant 0 : i32
      %add3A_350 = arith.addi %mul3A_335, %add3A_349 : i32
      %swap3A_351 = arith.index_cast %add3A_350 : i32 to index
      %swap3A_352 = arith.constant 32 : index
      %swap3A_353 = tpu.vector_load %arg6[%swap3A_351, %swap3A_352] {strides = array<i32>} : memref<512x128xf32, #tpu.memory_space<vmem>>, vector<1x16xf32>,
      %swap3A_354 = vector.shape_cast %swap3A_353 : vector<1x16xf32> to vector<16xf32>
      %swap3A_355 = vector.shape_cast %get3A_14 : vector<16xf32> to vector<1x16xf32>
      tpu.vector_store %arg6[%swap3A_351, %swap3A_352], %swap3A_355 {strides = array<i32>} : memref<512x128xf32, #tpu.memory_space<vmem>>, vector<1x16xf32>,
      %add3A_356 = arith.constant 0 : i32
      %add3A_357 = arith.addi %mul3A_335, %add3A_356 : i32
      %swap3A_358 = arith.index_cast %add3A_357 : i32 to index
      %swap3A_359 = arith.constant 48 : index
      %swap3A_360 = tpu.vector_load %arg6[%swap3A_358, %swap3A_359] {strides = array<i32>} : memref<512x128xf32, #tpu.memory_space<vmem>>, vector<1x16xf32>,
      %swap3A_361 = vector.shape_cast %swap3A_360 : vector<1x16xf32> to vector<16xf32>
      %swap3A_362 = vector.shape_cast %get3A_19 : vector<16xf32> to vector<1x16xf32>
      tpu.vector_store %arg6[%swap3A_358, %swap3A_359], %swap3A_362 {strides = array<i32>} : memref<512x128xf32, #tpu.memory_space<vmem>>, vector<1x16xf32>,
      %add3A_363 = arith.constant 0 : i32
      %add3A_364 = arith.addi %mul3A_335, %add3A_363 : i32
      %swap3A_365 = arith.index_cast %add3A_364 : i32 to index
      %swap3A_366 = arith.constant 64 : index
      %swap3A_367 = tpu.vector_load %arg6[%swap3A_365, %swap3A_366] {strides = array<i32>} : memref<512x128xf32, #tpu.memory_space<vmem>>, vector<1x16xf32>,
      %swap3A_368 = vector.shape_cast %swap3A_367 : vector<1x16xf32> to vector<16xf32>
      %swap3A_369 = vector.shape_cast %get3A_24 : vector<16xf32> to vector<1x16xf32>
      tpu.vector_store %arg6[%swap3A_365, %swap3A_366], %swap3A_369 {strides = array<i32>} : memref<512x128xf32, #tpu.memory_space<vmem>>, vector<1x16xf32>,
      %add3A_370 = arith.constant 0 : i32
      %add3A_371 = arith.addi %mul3A_335, %add3A_370 : i32
      %swap3A_372 = arith.index_cast %add3A_371 : i32 to index
      %swap3A_373 = arith.constant 80 : index
      %swap3A_374 = tpu.vector_load %arg6[%swap3A_372, %swap3A_373] {strides = array<i32>} : memref<512x128xf32, #tpu.memory_space<vmem>>, vector<1x16xf32>,
      %swap3A_375 = vector.shape_cast %swap3A_374 : vector<1x16xf32> to vector<16xf32>
      %swap3A_376 = vector.shape_cast %get3A_29 : vector<16xf32> to vector<1x16xf32>
      tpu.vector_store %arg6[%swap3A_372, %swap3A_373], %swap3A_376 {strides = array<i32>} : memref<512x128xf32, #tpu.memory_space<vmem>>, vector<1x16xf32>,
      %add3A_377 = arith.constant 0 : i32
      %add3A_378 = arith.addi %mul3A_335, %add3A_377 : i32
      %swap3A_379 = arith.index_cast %add3A_378 : i32 to index
      %swap3A_380 = arith.constant 96 : index
      %swap3A_381 = tpu.vector_load %arg6[%swap3A_379, %swap3A_380] {strides = array<i32>} : memref<512x128xf32, #tpu.memory_space<vmem>>, vector<1x16xf32>,
      %swap3A_382 = vector.shape_cast %swap3A_381 : vector<1x16xf32> to vector<16xf32>
      %swap3A_383 = vector.shape_cast %get3A_34 : vector<16xf32> to vector<1x16xf32>
      tpu.vector_store %arg6[%swap3A_379, %swap3A_380], %swap3A_383 {strides = array<i32>} : memref<512x128xf32, #tpu.memory_space<vmem>>, vector<1x16xf32>,
      %add3A_384 = arith.constant 0 : i32
      %add3A_385 = arith.addi %mul3A_335, %add3A_384 : i32
      %swap3A_386 = arith.index_cast %add3A_385 : i32 to index
      %swap3A_387 = arith.constant 112 : index
      %swap3A_388 = tpu.vector_load %arg6[%swap3A_386, %swap3A_387] {strides = array<i32>} : memref<512x128xf32, #tpu.memory_space<vmem>>, vector<1x16xf32>,
      %swap3A_389 = vector.shape_cast %swap3A_388 : vector<1x16xf32> to vector<16xf32>
      %swap3A_390 = vector.shape_cast %get3A_39 : vector<16xf32> to vector<1x16xf32>
      tpu.vector_store %arg6[%swap3A_386, %swap3A_387], %swap3A_390 {strides = array<i32>} : memref<512x128xf32, #tpu.memory_space<vmem>>, vector<1x16xf32>,
      %add3A_391 = arith.constant 1 : i32
      %add3A_392 = arith.addi %mul3A_335, %add3A_391 : i32
      %swap3A_393 = arith.index_cast %add3A_392 : i32 to index
      %swap3A_394 = arith.constant 0 : index
      %swap3A_395 = tpu.vector_load %arg6[%swap3A_393, %swap3A_394] {strides = array<i32>} : memref<512x128xf32, #tpu.memory_space<vmem>>, vector<1x16xf32>,
      %swap3A_396 = vector.shape_cast %swap3A_395 : vector<1x16xf32> to vector<16xf32>
      %swap3A_397 = vector.shape_cast %get3A_4 : vector<16xf32> to vector<1x16xf32>
      tpu.vector_store %arg6[%swap3A_393, %swap3A_394], %swap3A_397 {strides = array<i32>} : memref<512x128xf32, #tpu.memory_space<vmem>>, vector<1x16xf32>,
      %add3A_398 = arith.constant 1 : i32
      %add3A_399 = arith.addi %mul3A_335, %add3A_398 : i32
      %swap3A_400 = arith.index_cast %add3A_399 : i32 to index
      %swap3A_401 = arith.constant 16 : index
      %swap3A_402 = tpu.vector_load %arg6[%swap3A_400, %swap3A_401] {strides = array<i32>} : memref<512x128xf32, #tpu.memory_space<vmem>>, vector<1x16xf32>,
      %swap3A_403 = vector.shape_cast %swap3A_402 : vector<1x16xf32> to vector<16xf32>
      %swap3A_404 = vector.shape_cast %get3A_9 : vector<16xf32> to vector<1x16xf32>
      tpu.vector_store %arg6[%swap3A_400, %swap3A_401], %swap3A_404 {strides = array<i32>} : memref<512x128xf32, #tpu.memory_space<vmem>>, vector<1x16xf32>,
      %add3A_405 = arith.constant 1 : i32
      %add3A_406 = arith.addi %mul3A_335, %add3A_405 : i32
      %swap3A_407 = arith.index_cast %add3A_406 : i32 to index
      %swap3A_408 = arith.constant 32 : index
      %swap3A_409 = tpu.vector_load %arg6[%swap3A_407, %swap3A_408] {strides = array<i32>} : memref<512x128xf32, #tpu.memory_space<vmem>>, vector<1x16xf32>,
      %swap3A_410 = vector.shape_cast %swap3A_409 : vector<1x16xf32> to vector<16xf32>
      %swap3A_411 = vector.shape_cast %get3A_14 : vector<16xf32> to vector<1x16xf32>
      tpu.vector_store %arg6[%swap3A_407, %swap3A_408], %swap3A_411 {strides = array<i32>} : memref<512x128xf32, #tpu.memory_space<vmem>>, vector<1x16xf32>,
      %add3A_412 = arith.constant 1 : i32
      %add3A_413 = arith.addi %mul3A_335, %add3A_412 : i32
      %swap3A_414 = arith.index_cast %add3A_413 : i32 to index
      %swap3A_415 = arith.constant 48 : index
      %swap3A_416 = tpu.vector_load %arg6[%swap3A_414, %swap3A_415] {strides = array<i32>} : memref<512x128xf32, #tpu.memory_space<vmem>>, vector<1x16xf32>,
      %swap3A_417 = vector.shape_cast %swap3A_416 : vector<1x16xf32> to vector<16xf32>
      %swap3A_418 = vector.shape_cast %get3A_19 : vector<16xf32> to vector<1x16xf32>
      tpu.vector_store %arg6[%swap3A_414, %swap3A_415], %swap3A_418 {strides = array<i32>} : memref<512x128xf32, #tpu.memory_space<vmem>>, vector<1x16xf32>,
      %add3A_419 = arith.constant 1 : i32
      %add3A_420 = arith.addi %mul3A_335, %add3A_419 : i32
      %swap3A_421 = arith.index_cast %add3A_420 : i32 to index
      %swap3A_422 = arith.constant 64 : index
      %swap3A_423 = tpu.vector_load %arg6[%swap3A_421, %swap3A_422] {strides = array<i32>} : memref<512x128xf32, #tpu.memory_space<vmem>>, vector<1x16xf32>,
      %swap3A_424 = vector.shape_cast %swap3A_423 : vector<1x16xf32> to vector<16xf32>
      %swap3A_425 = vector.shape_cast %get3A_24 : vector<16xf32> to vector<1x16xf32>
      tpu.vector_store %arg6[%swap3A_421, %swap3A_422], %swap3A_425 {strides = array<i32>} : memref<512x128xf32, #tpu.memory_space<vmem>>, vector<1x16xf32>,
      %add3A_426 = arith.constant 1 : i32
      %add3A_427 = arith.addi %mul3A_335, %add3A_426 : i32
      %swap3A_428 = arith.index_cast %add3A_427 : i32 to index
      %swap3A_429 = arith.constant 80 : index
      %swap3A_430 = tpu.vector_load %arg6[%swap3A_428, %swap3A_429] {strides = array<i32>} : memref<512x128xf32, #tpu.memory_space<vmem>>, vector<1x16xf32>,
      %swap3A_431 = vector.shape_cast %swap3A_430 : vector<1x16xf32> to vector<16xf32>
      %swap3A_432 = vector.shape_cast %get3A_29 : vector<16xf32> to vector<1x16xf32>
      tpu.vector_store %arg6[%swap3A_428, %swap3A_429], %swap3A_432 {strides = array<i32>} : memref<512x128xf32, #tpu.memory_space<vmem>>, vector<1x16xf32>,
      %add3A_433 = arith.constant 1 : i32
      %add3A_434 = arith.addi %mul3A_335, %add3A_433 : i32
      %swap3A_435 = arith.index_cast %add3A_434 : i32 to index
      %swap3A_436 = arith.constant 96 : index
      %swap3A_437 = tpu.vector_load %arg6[%swap3A_435, %swap3A_436] {strides = array<i32>} : memref<512x128xf32, #tpu.memory_space<vmem>>, vector<1x16xf32>,
      %swap3A_438 = vector.shape_cast %swap3A_437 : vector<1x16xf32> to vector<16xf32>
      %swap3A_439 = vector.shape_cast %get3A_34 : vector<16xf32> to vector<1x16xf32>
      tpu.vector_store %arg6[%swap3A_435, %swap3A_436], %swap3A_439 {strides = array<i32>} : memref<512x128xf32, #tpu.memory_space<vmem>>, vector<1x16xf32>,
      %add3A_440 = arith.constant 1 : i32
      %add3A_441 = arith.addi %mul3A_335, %add3A_440 : i32
      %swap3A_442 = arith.index_cast %add3A_441 : i32 to index
      %swap3A_443 = arith.constant 112 : index
      %swap3A_444 = tpu.vector_load %arg6[%swap3A_442, %swap3A_443] {strides = array<i32>} : memref<512x128xf32, #tpu.memory_space<vmem>>, vector<1x16xf32>,
      %swap3A_445 = vector.shape_cast %swap3A_444 : vector<1x16xf32> to vector<16xf32>
      %swap3A_446 = vector.shape_cast %get3A_39 : vector<16xf32> to vector<1x16xf32>
      tpu.vector_store %arg6[%swap3A_442, %swap3A_443], %swap3A_446 {strides = array<i32>} : memref<512x128xf32, #tpu.memory_space<vmem>>, vector<1x16xf32>,
      %add3A_447 = arith.constant 2 : i32
      %add3A_448 = arith.addi %mul3A_335, %add3A_447 : i32
      %swap3A_449 = arith.index_cast %add3A_448 : i32 to index
      %swap3A_450 = arith.constant 0 : index
      %swap3A_451 = tpu.vector_load %arg6[%swap3A_449, %swap3A_450] {strides = array<i32>} : memref<512x128xf32, #tpu.memory_space<vmem>>, vector<1x16xf32>,
      %swap3A_452 = vector.shape_cast %swap3A_451 : vector<1x16xf32> to vector<16xf32>
      %swap3A_453 = vector.shape_cast %get3A_4 : vector<16xf32> to vector<1x16xf32>
      tpu.vector_store %arg6[%swap3A_449, %swap3A_450], %swap3A_453 {strides = array<i32>} : memref<512x128xf32, #tpu.memory_space<vmem>>, vector<1x16xf32>,
      %add3A_454 = arith.constant 2 : i32
      %add3A_455 = arith.addi %mul3A_335, %add3A_454 : i32
      %swap3A_456 = arith.index_cast %add3A_455 : i32 to index
      %swap3A_457 = arith.constant 16 : index
      %swap3A_458 = tpu.vector_load %arg6[%swap3A_456, %swap3A_457] {strides = array<i32>} : memref<512x128xf32, #tpu.memory_space<vmem>>, vector<1x16xf32>,
      %swap3A_459 = vector.shape_cast %swap3A_458 : vector<1x16xf32> to vector<16xf32>
      %swap3A_460 = vector.shape_cast %get3A_9 : vector<16xf32> to vector<1x16xf32>
      tpu.vector_store %arg6[%swap3A_456, %swap3A_457], %swap3A_460 {strides = array<i32>} : memref<512x128xf32, #tpu.memory_space<vmem>>, vector<1x16xf32>,
      %add3A_461 = arith.constant 2 : i32
      %add3A_462 = arith.addi %mul3A_335, %add3A_461 : i32
      %swap3A_463 = arith.index_cast %add3A_462 : i32 to index
      %swap3A_464 = arith.constant 32 : index
      %swap3A_465 = tpu.vector_load %arg6[%swap3A_463, %swap3A_464] {strides = array<i32>} : memref<512x128xf32, #tpu.memory_space<vmem>>, vector<1x16xf32>,
      %swap3A_466 = vector.shape_cast %swap3A_465 : vector<1x16xf32> to vector<16xf32>
      %swap3A_467 = vector.shape_cast %get3A_14 : vector<16xf32> to vector<1x16xf32>
      tpu.vector_store %arg6[%swap3A_463, %swap3A_464], %swap3A_467 {strides = array<i32>} : memref<512x128xf32, #tpu.memory_space<vmem>>, vector<1x16xf32>,
      %add3A_468 = arith.constant 2 : i32
      %add3A_469 = arith.addi %mul3A_335, %add3A_468 : i32
      %swap3A_470 = arith.index_cast %add3A_469 : i32 to index
      %swap3A_471 = arith.constant 48 : index
      %swap3A_472 = tpu.vector_load %arg6[%swap3A_470, %swap3A_471] {strides = array<i32>} : memref<512x128xf32, #tpu.memory_space<vmem>>, vector<1x16xf32>,
      %swap3A_473 = vector.shape_cast %swap3A_472 : vector<1x16xf32> to vector<16xf32>
      %swap3A_474 = vector.shape_cast %get3A_19 : vector<16xf32> to vector<1x16xf32>
      tpu.vector_store %arg6[%swap3A_470, %swap3A_471], %swap3A_474 {strides = array<i32>} : memref<512x128xf32, #tpu.memory_space<vmem>>, vector<1x16xf32>,
      %add3A_475 = arith.constant 2 : i32
      %add3A_476 = arith.addi %mul3A_335, %add3A_475 : i32
      %swap3A_477 = arith.index_cast %add3A_476 : i32 to index
      %swap3A_478 = arith.constant 64 : index
      %swap3A_479 = tpu.vector_load %arg6[%swap3A_477, %swap3A_478] {strides = array<i32>} : memref<512x128xf32, #tpu.memory_space<vmem>>, vector<1x16xf32>,
      %swap3A_480 = vector.shape_cast %swap3A_479 : vector<1x16xf32> to vector<16xf32>
      %swap3A_481 = vector.shape_cast %get3A_24 : vector<16xf32> to vector<1x16xf32>
      tpu.vector_store %arg6[%swap3A_477, %swap3A_478], %swap3A_481 {strides = array<i32>} : memref<512x128xf32, #tpu.memory_space<vmem>>, vector<1x16xf32>,
      %add3A_482 = arith.constant 2 : i32
      %add3A_483 = arith.addi %mul3A_335, %add3A_482 : i32
      %swap3A_484 = arith.index_cast %add3A_483 : i32 to index
      %swap3A_485 = arith.constant 80 : index
      %swap3A_486 = tpu.vector_load %arg6[%swap3A_484, %swap3A_485] {strides = array<i32>} : memref<512x128xf32, #tpu.memory_space<vmem>>, vector<1x16xf32>,
      %swap3A_487 = vector.shape_cast %swap3A_486 : vector<1x16xf32> to vector<16xf32>
      %swap3A_488 = vector.shape_cast %get3A_29 : vector<16xf32> to vector<1x16xf32>
      tpu.vector_store %arg6[%swap3A_484, %swap3A_485], %swap3A_488 {strides = array<i32>} : memref<512x128xf32, #tpu.memory_space<vmem>>, vector<1x16xf32>,
      %add3A_489 = arith.constant 2 : i32
      %add3A_490 = arith.addi %mul3A_335, %add3A_489 : i32
      %swap3A_491 = arith.index_cast %add3A_490 : i32 to index
      %swap3A_492 = arith.constant 96 : index
      %swap3A_493 = tpu.vector_load %arg6[%swap3A_491, %swap3A_492] {strides = array<i32>} : memref<512x128xf32, #tpu.memory_space<vmem>>, vector<1x16xf32>,
      %swap3A_494 = vector.shape_cast %swap3A_493 : vector<1x16xf32> to vector<16xf32>
      %swap3A_495 = vector.shape_cast %get3A_34 : vector<16xf32> to vector<1x16xf32>
      tpu.vector_store %arg6[%swap3A_491, %swap3A_492], %swap3A_495 {strides = array<i32>} : memref<512x128xf32, #tpu.memory_space<vmem>>, vector<1x16xf32>,
      %add3A_496 = arith.constant 2 : i32
      %add3A_497 = arith.addi %mul3A_335, %add3A_496 : i32
      %swap3A_498 = arith.index_cast %add3A_497 : i32 to index
      %swap3A_499 = arith.constant 112 : index
      %swap3A_500 = tpu.vector_load %arg6[%swap3A_498, %swap3A_499] {strides = array<i32>} : memref<512x128xf32, #tpu.memory_space<vmem>>, vector<1x16xf32>,
      %swap3A_501 = vector.shape_cast %swap3A_500 : vector<1x16xf32> to vector<16xf32>
      %swap3A_502 = vector.shape_cast %get3A_39 : vector<16xf32> to vector<1x16xf32>
      tpu.vector_store %arg6[%swap3A_498, %swap3A_499], %swap3A_502 {strides = array<i32>} : memref<512x128xf32, #tpu.memory_space<vmem>>, vector<1x16xf32>,
      %add3A_503 = arith.constant 3 : i32
      %add3A_504 = arith.addi %mul3A_335, %add3A_503 : i32
      %swap3A_505 = arith.index_cast %add3A_504 : i32 to index
      %swap3A_506 = arith.constant 0 : index
      %swap3A_507 = tpu.vector_load %arg6[%swap3A_505, %swap3A_506] {strides = array<i32>} : memref<512x128xf32, #tpu.memory_space<vmem>>, vector<1x16xf32>,
      %swap3A_508 = vector.shape_cast %swap3A_507 : vector<1x16xf32> to vector<16xf32>
      %swap3A_509 = vector.shape_cast %get3A_4 : vector<16xf32> to vector<1x16xf32>
      tpu.vector_store %arg6[%swap3A_505, %swap3A_506], %swap3A_509 {strides = array<i32>} : memref<512x128xf32, #tpu.memory_space<vmem>>, vector<1x16xf32>,
      %add3A_510 = arith.constant 3 : i32
      %add3A_511 = arith.addi %mul3A_335, %add3A_510 : i32
      %swap3A_512 = arith.index_cast %add3A_511 : i32 to index
      %swap3A_513 = arith.constant 16 : index
      %swap3A_514 = tpu.vector_load %arg6[%swap3A_512, %swap3A_513] {strides = array<i32>} : memref<512x128xf32, #tpu.memory_space<vmem>>, vector<1x16xf32>,
      %swap3A_515 = vector.shape_cast %swap3A_514 : vector<1x16xf32> to vector<16xf32>
      %swap3A_516 = vector.shape_cast %get3A_9 : vector<16xf32> to vector<1x16xf32>
      tpu.vector_store %arg6[%swap3A_512, %swap3A_513], %swap3A_516 {strides = array<i32>} : memref<512x128xf32, #tpu.memory_space<vmem>>, vector<1x16xf32>,
      %add3A_517 = arith.constant 3 : i32
      %add3A_518 = arith.addi %mul3A_335, %add3A_517 : i32
      %swap3A_519 = arith.index_cast %add3A_518 : i32 to index
      %swap3A_520 = arith.constant 32 : index
      %swap3A_521 = tpu.vector_load %arg6[%swap3A_519, %swap3A_520] {strides = array<i32>} : memref<512x128xf32, #tpu.memory_space<vmem>>, vector<1x16xf32>,
      %swap3A_522 = vector.shape_cast %swap3A_521 : vector<1x16xf32> to vector<16xf32>
      %swap3A_523 = vector.shape_cast %get3A_14 : vector<16xf32> to vector<1x16xf32>
      tpu.vector_store %arg6[%swap3A_519, %swap3A_520], %swap3A_523 {strides = array<i32>} : memref<512x128xf32, #tpu.memory_space<vmem>>, vector<1x16xf32>,
      %add3A_524 = arith.constant 3 : i32
      %add3A_525 = arith.addi %mul3A_335, %add3A_524 : i32
      %swap3A_526 = arith.index_cast %add3A_525 : i32 to index
      %swap3A_527 = arith.constant 48 : index
      %swap3A_528 = tpu.vector_load %arg6[%swap3A_526, %swap3A_527] {strides = array<i32>} : memref<512x128xf32, #tpu.memory_space<vmem>>, vector<1x16xf32>,
      %swap3A_529 = vector.shape_cast %swap3A_528 : vector<1x16xf32> to vector<16xf32>
      %swap3A_530 = vector.shape_cast %get3A_19 : vector<16xf32> to vector<1x16xf32>
      tpu.vector_store %arg6[%swap3A_526, %swap3A_527], %swap3A_530 {strides = array<i32>} : memref<512x128xf32, #tpu.memory_space<vmem>>, vector<1x16xf32>,
      %add3A_531 = arith.constant 3 : i32
      %add3A_532 = arith.addi %mul3A_335, %add3A_531 : i32
      %swap3A_533 = arith.index_cast %add3A_532 : i32 to index
      %swap3A_534 = arith.constant 64 : index
      %swap3A_535 = tpu.vector_load %arg6[%swap3A_533, %swap3A_534] {strides = array<i32>} : memref<512x128xf32, #tpu.memory_space<vmem>>, vector<1x16xf32>,
      %swap3A_536 = vector.shape_cast %swap3A_535 : vector<1x16xf32> to vector<16xf32>
      %swap3A_537 = vector.shape_cast %get3A_24 : vector<16xf32> to vector<1x16xf32>
      tpu.vector_store %arg6[%swap3A_533, %swap3A_534], %swap3A_537 {strides = array<i32>} : memref<512x128xf32, #tpu.memory_space<vmem>>, vector<1x16xf32>,
      %add3A_538 = arith.constant 3 : i32
      %add3A_539 = arith.addi %mul3A_335, %add3A_538 : i32
      %swap3A_540 = arith.index_cast %add3A_539 : i32 to index
      %swap3A_541 = arith.constant 80 : index
      %swap3A_542 = tpu.vector_load %arg6[%swap3A_540, %swap3A_541] {strides = array<i32>} : memref<512x128xf32, #tpu.memory_space<vmem>>, vector<1x16xf32>,
      %swap3A_543 = vector.shape_cast %swap3A_542 : vector<1x16xf32> to vector<16xf32>
      %swap3A_544 = vector.shape_cast %get3A_29 : vector<16xf32> to vector<1x16xf32>
      tpu.vector_store %arg6[%swap3A_540, %swap3A_541], %swap3A_544 {strides = array<i32>} : memref<512x128xf32, #tpu.memory_space<vmem>>, vector<1x16xf32>,
      %add3A_545 = arith.constant 3 : i32
      %add3A_546 = arith.addi %mul3A_335, %add3A_545 : i32
      %swap3A_547 = arith.index_cast %add3A_546 : i32 to index
      %swap3A_548 = arith.constant 96 : index
      %swap3A_549 = tpu.vector_load %arg6[%swap3A_547, %swap3A_548] {strides = array<i32>} : memref<512x128xf32, #tpu.memory_space<vmem>>, vector<1x16xf32>,
      %swap3A_550 = vector.shape_cast %swap3A_549 : vector<1x16xf32> to vector<16xf32>
      %swap3A_551 = vector.shape_cast %get3A_34 : vector<16xf32> to vector<1x16xf32>
      tpu.vector_store %arg6[%swap3A_547, %swap3A_548], %swap3A_551 {strides = array<i32>} : memref<512x128xf32, #tpu.memory_space<vmem>>, vector<1x16xf32>,
      %add3A_552 = arith.constant 3 : i32
      %add3A_553 = arith.addi %mul3A_335, %add3A_552 : i32
      %swap3A_554 = arith.index_cast %add3A_553 : i32 to index
      %swap3A_555 = arith.constant 112 : index
      %swap3A_556 = tpu.vector_load %arg6[%swap3A_554, %swap3A_555] {strides = array<i32>} : memref<512x128xf32, #tpu.memory_space<vmem>>, vector<1x16xf32>,
      %swap3A_557 = vector.shape_cast %swap3A_556 : vector<1x16xf32> to vector<16xf32>
      %swap3A_558 = vector.shape_cast %get3A_39 : vector<16xf32> to vector<1x16xf32>
      tpu.vector_store %arg6[%swap3A_554, %swap3A_555], %swap3A_558 {strides = array<i32>} : memref<512x128xf32, #tpu.memory_space<vmem>>, vector<1x16xf32>,
      %add3A_559 = arith.constant 4 : i32
      %add3A_560 = arith.addi %mul3A_335, %add3A_559 : i32
      %swap3A_561 = arith.index_cast %add3A_560 : i32 to index
      %swap3A_562 = arith.constant 0 : index
      %swap3A_563 = tpu.vector_load %arg6[%swap3A_561, %swap3A_562] {strides = array<i32>} : memref<512x128xf32, #tpu.memory_space<vmem>>, vector<1x16xf32>,
      %swap3A_564 = vector.shape_cast %swap3A_563 : vector<1x16xf32> to vector<16xf32>
      %swap3A_565 = vector.shape_cast %get3A_4 : vector<16xf32> to vector<1x16xf32>
      tpu.vector_store %arg6[%swap3A_561, %swap3A_562], %swap3A_565 {strides = array<i32>} : memref<512x128xf32, #tpu.memory_space<vmem>>, vector<1x16xf32>,
      %add3A_566 = arith.constant 4 : i32
      %add3A_567 = arith.addi %mul3A_335, %add3A_566 : i32
      %swap3A_568 = arith.index_cast %add3A_567 : i32 to index
      %swap3A_569 = arith.constant 16 : index
      %swap3A_570 = tpu.vector_load %arg6[%swap3A_568, %swap3A_569] {strides = array<i32>} : memref<512x128xf32, #tpu.memory_space<vmem>>, vector<1x16xf32>,
      %swap3A_571 = vector.shape_cast %swap3A_570 : vector<1x16xf32> to vector<16xf32>
      %swap3A_572 = vector.shape_cast %get3A_9 : vector<16xf32> to vector<1x16xf32>
      tpu.vector_store %arg6[%swap3A_568, %swap3A_569], %swap3A_572 {strides = array<i32>} : memref<512x128xf32, #tpu.memory_space<vmem>>, vector<1x16xf32>,
      %add3A_573 = arith.constant 4 : i32
      %add3A_574 = arith.addi %mul3A_335, %add3A_573 : i32
      %swap3A_575 = arith.index_cast %add3A_574 : i32 to index
      %swap3A_576 = arith.constant 32 : index
      %swap3A_577 = tpu.vector_load %arg6[%swap3A_575, %swap3A_576] {strides = array<i32>} : memref<512x128xf32, #tpu.memory_space<vmem>>, vector<1x16xf32>,
      %swap3A_578 = vector.shape_cast %swap3A_577 : vector<1x16xf32> to vector<16xf32>
      %swap3A_579 = vector.shape_cast %get3A_14 : vector<16xf32> to vector<1x16xf32>
      tpu.vector_store %arg6[%swap3A_575, %swap3A_576], %swap3A_579 {strides = array<i32>} : memref<512x128xf32, #tpu.memory_space<vmem>>, vector<1x16xf32>,
      %add3A_580 = arith.constant 4 : i32
      %add3A_581 = arith.addi %mul3A_335, %add3A_580 : i32
      %swap3A_582 = arith.index_cast %add3A_581 : i32 to index
      %swap3A_583 = arith.constant 48 : index
      %swap3A_584 = tpu.vector_load %arg6[%swap3A_582, %swap3A_583] {strides = array<i32>} : memref<512x128xf32, #tpu.memory_space<vmem>>, vector<1x16xf32>,
      %swap3A_585 = vector.shape_cast %swap3A_584 : vector<1x16xf32> to vector<16xf32>
      %swap3A_586 = vector.shape_cast %get3A_19 : vector<16xf32> to vector<1x16xf32>
      tpu.vector_store %arg6[%swap3A_582, %swap3A_583], %swap3A_586 {strides = array<i32>} : memref<512x128xf32, #tpu.memory_space<vmem>>, vector<1x16xf32>,
      %add3A_587 = arith.constant 4 : i32
      %add3A_588 = arith.addi %mul3A_335, %add3A_587 : i32
      %swap3A_589 = arith.index_cast %add3A_588 : i32 to index
      %swap3A_590 = arith.constant 64 : index
      %swap3A_591 = tpu.vector_load %arg6[%swap3A_589, %swap3A_590] {strides = array<i32>} : memref<512x128xf32, #tpu.memory_space<vmem>>, vector<1x16xf32>,
      %swap3A_592 = vector.shape_cast %swap3A_591 : vector<1x16xf32> to vector<16xf32>
      %swap3A_593 = vector.shape_cast %get3A_24 : vector<16xf32> to vector<1x16xf32>
      tpu.vector_store %arg6[%swap3A_589, %swap3A_590], %swap3A_593 {strides = array<i32>} : memref<512x128xf32, #tpu.memory_space<vmem>>, vector<1x16xf32>,
      %add3A_594 = arith.constant 4 : i32
      %add3A_595 = arith.addi %mul3A_335, %add3A_594 : i32
      %swap3A_596 = arith.index_cast %add3A_595 : i32 to index
      %swap3A_597 = arith.constant 80 : index
      %swap3A_598 = tpu.vector_load %arg6[%swap3A_596, %swap3A_597] {strides = array<i32>} : memref<512x128xf32, #tpu.memory_space<vmem>>, vector<1x16xf32>,
      %swap3A_599 = vector.shape_cast %swap3A_598 : vector<1x16xf32> to vector<16xf32>
      %swap3A_600 = vector.shape_cast %get3A_29 : vector<16xf32> to vector<1x16xf32>
      tpu.vector_store %arg6[%swap3A_596, %swap3A_597], %swap3A_600 {strides = array<i32>} : memref<512x128xf32, #tpu.memory_space<vmem>>, vector<1x16xf32>,
      %add3A_601 = arith.constant 4 : i32
      %add3A_602 = arith.addi %mul3A_335, %add3A_601 : i32
      %swap3A_603 = arith.index_cast %add3A_602 : i32 to index
      %swap3A_604 = arith.constant 96 : index
      %swap3A_605 = tpu.vector_load %arg6[%swap3A_603, %swap3A_604] {strides = array<i32>} : memref<512x128xf32, #tpu.memory_space<vmem>>, vector<1x16xf32>,
      %swap3A_606 = vector.shape_cast %swap3A_605 : vector<1x16xf32> to vector<16xf32>
      %swap3A_607 = vector.shape_cast %get3A_34 : vector<16xf32> to vector<1x16xf32>
      tpu.vector_store %arg6[%swap3A_603, %swap3A_604], %swap3A_607 {strides = array<i32>} : memref<512x128xf32, #tpu.memory_space<vmem>>, vector<1x16xf32>,
      %add3A_608 = arith.constant 4 : i32
      %add3A_609 = arith.addi %mul3A_335, %add3A_608 : i32
      %swap3A_610 = arith.index_cast %add3A_609 : i32 to index
      %swap3A_611 = arith.constant 112 : index
      %swap3A_612 = tpu.vector_load %arg6[%swap3A_610, %swap3A_611] {strides = array<i32>} : memref<512x128xf32, #tpu.memory_space<vmem>>, vector<1x16xf32>,
      %swap3A_613 = vector.shape_cast %swap3A_612 : vector<1x16xf32> to vector<16xf32>
      %swap3A_614 = vector.shape_cast %get3A_39 : vector<16xf32> to vector<1x16xf32>
      tpu.vector_store %arg6[%swap3A_610, %swap3A_611], %swap3A_614 {strides = array<i32>} : memref<512x128xf32, #tpu.memory_space<vmem>>, vector<1x16xf32>,
      %add3A_615 = arith.constant 5 : i32
      %add3A_616 = arith.addi %mul3A_335, %add3A_615 : i32
      %swap3A_617 = arith.index_cast %add3A_616 : i32 to index
      %swap3A_618 = arith.constant 0 : index
      %swap3A_619 = tpu.vector_load %arg6[%swap3A_617, %swap3A_618] {strides = array<i32>} : memref<512x128xf32, #tpu.memory_space<vmem>>, vector<1x16xf32>,
      %swap3A_620 = vector.shape_cast %swap3A_619 : vector<1x16xf32> to vector<16xf32>
      %swap3A_621 = vector.shape_cast %get3A_4 : vector<16xf32> to vector<1x16xf32>
      tpu.vector_store %arg6[%swap3A_617, %swap3A_618], %swap3A_621 {strides = array<i32>} : memref<512x128xf32, #tpu.memory_space<vmem>>, vector<1x16xf32>,
      %add3A_622 = arith.constant 5 : i32
      %add3A_623 = arith.addi %mul3A_335, %add3A_622 : i32
      %swap3A_624 = arith.index_cast %add3A_623 : i32 to index
      %swap3A_625 = arith.constant 16 : index
      %swap3A_626 = tpu.vector_load %arg6[%swap3A_624, %swap3A_625] {strides = array<i32>} : memref<512x128xf32, #tpu.memory_space<vmem>>, vector<1x16xf32>,
      %swap3A_627 = vector.shape_cast %swap3A_626 : vector<1x16xf32> to vector<16xf32>
      %swap3A_628 = vector.shape_cast %get3A_9 : vector<16xf32> to vector<1x16xf32>
      tpu.vector_store %arg6[%swap3A_624, %swap3A_625], %swap3A_628 {strides = array<i32>} : memref<512x128xf32, #tpu.memory_space<vmem>>, vector<1x16xf32>,
      %add3A_629 = arith.constant 5 : i32
      %add3A_630 = arith.addi %mul3A_335, %add3A_629 : i32
      %swap3A_631 = arith.index_cast %add3A_630 : i32 to index
      %swap3A_632 = arith.constant 32 : index
      %swap3A_633 = tpu.vector_load %arg6[%swap3A_631, %swap3A_632] {strides = array<i32>} : memref<512x128xf32, #tpu.memory_space<vmem>>, vector<1x16xf32>,
      %swap3A_634 = vector.shape_cast %swap3A_633 : vector<1x16xf32> to vector<16xf32>
      %swap3A_635 = vector.shape_cast %get3A_14 : vector<16xf32> to vector<1x16xf32>
      tpu.vector_store %arg6[%swap3A_631, %swap3A_632], %swap3A_635 {strides = array<i32>} : memref<512x128xf32, #tpu.memory_space<vmem>>, vector<1x16xf32>,
      %add3A_636 = arith.constant 5 : i32
      %add3A_637 = arith.addi %mul3A_335, %add3A_636 : i32
      %swap3A_638 = arith.index_cast %add3A_637 : i32 to index
      %swap3A_639 = arith.constant 48 : index
      %swap3A_640 = tpu.vector_load %arg6[%swap3A_638, %swap3A_639] {strides = array<i32>} : memref<512x128xf32, #tpu.memory_space<vmem>>, vector<1x16xf32>,
      %swap3A_641 = vector.shape_cast %swap3A_640 : vector<1x16xf32> to vector<16xf32>
      %swap3A_642 = vector.shape_cast %get3A_19 : vector<16xf32> to vector<1x16xf32>
      tpu.vector_store %arg6[%swap3A_638, %swap3A_639], %swap3A_642 {strides = array<i32>} : memref<512x128xf32, #tpu.memory_space<vmem>>, vector<1x16xf32>,
      %add3A_643 = arith.constant 5 : i32
      %add3A_644 = arith.addi %mul3A_335, %add3A_643 : i32
      %swap3A_645 = arith.index_cast %add3A_644 : i32 to index
      %swap3A_646 = arith.constant 64 : index
      %swap3A_647 = tpu.vector_load %arg6[%swap3A_645, %swap3A_646] {strides = array<i32>} : memref<512x128xf32, #tpu.memory_space<vmem>>, vector<1x16xf32>,
      %swap3A_648 = vector.shape_cast %swap3A_647 : vector<1x16xf32> to vector<16xf32>
      %swap3A_649 = vector.shape_cast %get3A_24 : vector<16xf32> to vector<1x16xf32>
      tpu.vector_store %arg6[%swap3A_645, %swap3A_646], %swap3A_649 {strides = array<i32>} : memref<512x128xf32, #tpu.memory_space<vmem>>, vector<1x16xf32>,
      %add3A_650 = arith.constant 5 : i32
      %add3A_651 = arith.addi %mul3A_335, %add3A_650 : i32
      %swap3A_652 = arith.index_cast %add3A_651 : i32 to index
      %swap3A_653 = arith.constant 80 : index
      %swap3A_654 = tpu.vector_load %arg6[%swap3A_652, %swap3A_653] {strides = array<i32>} : memref<512x128xf32, #tpu.memory_space<vmem>>, vector<1x16xf32>,
      %swap3A_655 = vector.shape_cast %swap3A_654 : vector<1x16xf32> to vector<16xf32>
      %swap3A_656 = vector.shape_cast %get3A_29 : vector<16xf32> to vector<1x16xf32>
      tpu.vector_store %arg6[%swap3A_652, %swap3A_653], %swap3A_656 {strides = array<i32>} : memref<512x128xf32, #tpu.memory_space<vmem>>, vector<1x16xf32>,
      %add3A_657 = arith.constant 5 : i32
      %add3A_658 = arith.addi %mul3A_335, %add3A_657 : i32
      %swap3A_659 = arith.index_cast %add3A_658 : i32 to index
      %swap3A_660 = arith.constant 96 : index
      %swap3A_661 = tpu.vector_load %arg6[%swap3A_659, %swap3A_660] {strides = array<i32>} : memref<512x128xf32, #tpu.memory_space<vmem>>, vector<1x16xf32>,
      %swap3A_662 = vector.shape_cast %swap3A_661 : vector<1x16xf32> to vector<16xf32>
      %swap3A_663 = vector.shape_cast %get3A_34 : vector<16xf32> to vector<1x16xf32>
      tpu.vector_store %arg6[%swap3A_659, %swap3A_660], %swap3A_663 {strides = array<i32>} : memref<512x128xf32, #tpu.memory_space<vmem>>, vector<1x16xf32>,
      %add3A_664 = arith.constant 5 : i32
      %add3A_665 = arith.addi %mul3A_335, %add3A_664 : i32
      %swap3A_666 = arith.index_cast %add3A_665 : i32 to index
      %swap3A_667 = arith.constant 112 : index
      %swap3A_668 = tpu.vector_load %arg6[%swap3A_666, %swap3A_667] {strides = array<i32>} : memref<512x128xf32, #tpu.memory_space<vmem>>, vector<1x16xf32>,
      %swap3A_669 = vector.shape_cast %swap3A_668 : vector<1x16xf32> to vector<16xf32>
      %swap3A_670 = vector.shape_cast %get3A_39 : vector<16xf32> to vector<1x16xf32>
      tpu.vector_store %arg6[%swap3A_666, %swap3A_667], %swap3A_670 {strides = array<i32>} : memref<512x128xf32, #tpu.memory_space<vmem>>, vector<1x16xf32>,
      %add3A_671 = arith.constant 6 : i32
      %add3A_672 = arith.addi %mul3A_335, %add3A_671 : i32
      %swap3A_673 = arith.index_cast %add3A_672 : i32 to index
      %swap3A_674 = arith.constant 0 : index
      %swap3A_675 = tpu.vector_load %arg6[%swap3A_673, %swap3A_674] {strides = array<i32>} : memref<512x128xf32, #tpu.memory_space<vmem>>, vector<1x16xf32>,
      %swap3A_676 = vector.shape_cast %swap3A_675 : vector<1x16xf32> to vector<16xf32>
      %swap3A_677 = vector.shape_cast %get3A_4 : vector<16xf32> to vector<1x16xf32>
      tpu.vector_store %arg6[%swap3A_673, %swap3A_674], %swap3A_677 {strides = array<i32>} : memref<512x128xf32, #tpu.memory_space<vmem>>, vector<1x16xf32>,
      %add3A_678 = arith.constant 6 : i32
      %add3A_679 = arith.addi %mul3A_335, %add3A_678 : i32
      %swap3A_680 = arith.index_cast %add3A_679 : i32 to index
      %swap3A_681 = arith.constant 16 : index
      %swap3A_682 = tpu.vector_load %arg6[%swap3A_680, %swap3A_681] {strides = array<i32>} : memref<512x128xf32, #tpu.memory_space<vmem>>, vector<1x16xf32>,
      %swap3A_683 = vector.shape_cast %swap3A_682 : vector<1x16xf32> to vector<16xf32>
      %swap3A_684 = vector.shape_cast %get3A_9 : vector<16xf32> to vector<1x16xf32>
      tpu.vector_store %arg6[%swap3A_680, %swap3A_681], %swap3A_684 {strides = array<i32>} : memref<512x128xf32, #tpu.memory_space<vmem>>, vector<1x16xf32>,
      %add3A_685 = arith.constant 6 : i32
      %add3A_686 = arith.addi %mul3A_335, %add3A_685 : i32
      %swap3A_687 = arith.index_cast %add3A_686 : i32 to index
      %swap3A_688 = arith.constant 32 : index
      %swap3A_689 = tpu.vector_load %arg6[%swap3A_687, %swap3A_688] {strides = array<i32>} : memref<512x128xf32, #tpu.memory_space<vmem>>, vector<1x16xf32>,
      %swap3A_690 = vector.shape_cast %swap3A_689 : vector<1x16xf32> to vector<16xf32>
      %swap3A_691 = vector.shape_cast %get3A_14 : vector<16xf32> to vector<1x16xf32>
      tpu.vector_store %arg6[%swap3A_687, %swap3A_688], %swap3A_691 {strides = array<i32>} : memref<512x128xf32, #tpu.memory_space<vmem>>, vector<1x16xf32>,
      %add3A_692 = arith.constant 6 : i32
      %add3A_693 = arith.addi %mul3A_335, %add3A_692 : i32
      %swap3A_694 = arith.index_cast %add3A_693 : i32 to index
      %swap3A_695 = arith.constant 48 : index
      %swap3A_696 = tpu.vector_load %arg6[%swap3A_694, %swap3A_695] {strides = array<i32>} : memref<512x128xf32, #tpu.memory_space<vmem>>, vector<1x16xf32>,
      %swap3A_697 = vector.shape_cast %swap3A_696 : vector<1x16xf32> to vector<16xf32>
      %swap3A_698 = vector.shape_cast %get3A_19 : vector<16xf32> to vector<1x16xf32>
      tpu.vector_store %arg6[%swap3A_694, %swap3A_695], %swap3A_698 {strides = array<i32>} : memref<512x128xf32, #tpu.memory_space<vmem>>, vector<1x16xf32>,
      %add3A_699 = arith.constant 6 : i32
      %add3A_700 = arith.addi %mul3A_335, %add3A_699 : i32
      %swap3A_701 = arith.index_cast %add3A_700 : i32 to index
      %swap3A_702 = arith.constant 64 : index
      %swap3A_703 = tpu.vector_load %arg6[%swap3A_701, %swap3A_702] {strides = array<i32>} : memref<512x128xf32, #tpu.memory_space<vmem>>, vector<1x16xf32>,
      %swap3A_704 = vector.shape_cast %swap3A_703 : vector<1x16xf32> to vector<16xf32>
      %swap3A_705 = vector.shape_cast %get3A_24 : vector<16xf32> to vector<1x16xf32>
      tpu.vector_store %arg6[%swap3A_701, %swap3A_702], %swap3A_705 {strides = array<i32>} : memref<512x128xf32, #tpu.memory_space<vmem>>, vector<1x16xf32>,
      %add3A_706 = arith.constant 6 : i32
      %add3A_707 = arith.addi %mul3A_335, %add3A_706 : i32
      %swap3A_708 = arith.index_cast %add3A_707 : i32 to index
      %swap3A_709 = arith.constant 80 : index
      %swap3A_710 = tpu.vector_load %arg6[%swap3A_708, %swap3A_709] {strides = array<i32>} : memref<512x128xf32, #tpu.memory_space<vmem>>, vector<1x16xf32>,
      %swap3A_711 = vector.shape_cast %swap3A_710 : vector<1x16xf32> to vector<16xf32>
      %swap3A_712 = vector.shape_cast %get3A_29 : vector<16xf32> to vector<1x16xf32>
      tpu.vector_store %arg6[%swap3A_708, %swap3A_709], %swap3A_712 {strides = array<i32>} : memref<512x128xf32, #tpu.memory_space<vmem>>, vector<1x16xf32>,
      %add3A_713 = arith.constant 6 : i32
      %add3A_714 = arith.addi %mul3A_335, %add3A_713 : i32
      %swap3A_715 = arith.index_cast %add3A_714 : i32 to index
      %swap3A_716 = arith.constant 96 : index
      %swap3A_717 = tpu.vector_load %arg6[%swap3A_715, %swap3A_716] {strides = array<i32>} : memref<512x128xf32, #tpu.memory_space<vmem>>, vector<1x16xf32>,
      %swap3A_718 = vector.shape_cast %swap3A_717 : vector<1x16xf32> to vector<16xf32>
      %swap3A_719 = vector.shape_cast %get3A_34 : vector<16xf32> to vector<1x16xf32>
      tpu.vector_store %arg6[%swap3A_715, %swap3A_716], %swap3A_719 {strides = array<i32>} : memref<512x128xf32, #tpu.memory_space<vmem>>, vector<1x16xf32>,
      %add3A_720 = arith.constant 6 : i32
      %add3A_721 = arith.addi %mul3A_335, %add3A_720 : i32
      %swap3A_722 = arith.index_cast %add3A_721 : i32 to index
      %swap3A_723 = arith.constant 112 : index
      %swap3A_724 = tpu.vector_load %arg6[%swap3A_722, %swap3A_723] {strides = array<i32>} : memref<512x128xf32, #tpu.memory_space<vmem>>, vector<1x16xf32>,
      %swap3A_725 = vector.shape_cast %swap3A_724 : vector<1x16xf32> to vector<16xf32>
      %swap3A_726 = vector.shape_cast %get3A_39 : vector<16xf32> to vector<1x16xf32>
      tpu.vector_store %arg6[%swap3A_722, %swap3A_723], %swap3A_726 {strides = array<i32>} : memref<512x128xf32, #tpu.memory_space<vmem>>, vector<1x16xf32>,
      %add3A_727 = arith.constant 7 : i32
      %add3A_728 = arith.addi %mul3A_335, %add3A_727 : i32
      %swap3A_729 = arith.index_cast %add3A_728 : i32 to index
      %swap3A_730 = arith.constant 0 : index
      %swap3A_731 = tpu.vector_load %arg6[%swap3A_729, %swap3A_730] {strides = array<i32>} : memref<512x128xf32, #tpu.memory_space<vmem>>, vector<1x16xf32>,
      %swap3A_732 = vector.shape_cast %swap3A_731 : vector<1x16xf32> to vector<16xf32>
      %swap3A_733 = vector.shape_cast %get3A_4 : vector<16xf32> to vector<1x16xf32>
      tpu.vector_store %arg6[%swap3A_729, %swap3A_730], %swap3A_733 {strides = array<i32>} : memref<512x128xf32, #tpu.memory_space<vmem>>, vector<1x16xf32>,
      %add3A_734 = arith.constant 7 : i32
      %add3A_735 = arith.addi %mul3A_335, %add3A_734 : i32
      %swap3A_736 = arith.index_cast %add3A_735 : i32 to index
      %swap3A_737 = arith.constant 16 : index
      %swap3A_738 = tpu.vector_load %arg6[%swap3A_736, %swap3A_737] {strides = array<i32>} : memref<512x128xf32, #tpu.memory_space<vmem>>, vector<1x16xf32>,
      %swap3A_739 = vector.shape_cast %swap3A_738 : vector<1x16xf32> to vector<16xf32>
      %swap3A_740 = vector.shape_cast %get3A_9 : vector<16xf32> to vector<1x16xf32>
      tpu.vector_store %arg6[%swap3A_736, %swap3A_737], %swap3A_740 {strides = array<i32>} : memref<512x128xf32, #tpu.memory_space<vmem>>, vector<1x16xf32>,
      %add3A_741 = arith.constant 7 : i32
      %add3A_742 = arith.addi %mul3A_335, %add3A_741 : i32
      %swap3A_743 = arith.index_cast %add3A_742 : i32 to index
      %swap3A_744 = arith.constant 32 : index
      %swap3A_745 = tpu.vector_load %arg6[%swap3A_743, %swap3A_744] {strides = array<i32>} : memref<512x128xf32, #tpu.memory_space<vmem>>, vector<1x16xf32>,
      %swap3A_746 = vector.shape_cast %swap3A_745 : vector<1x16xf32> to vector<16xf32>
      %swap3A_747 = vector.shape_cast %get3A_14 : vector<16xf32> to vector<1x16xf32>
      tpu.vector_store %arg6[%swap3A_743, %swap3A_744], %swap3A_747 {strides = array<i32>} : memref<512x128xf32, #tpu.memory_space<vmem>>, vector<1x16xf32>,
      %add3A_748 = arith.constant 7 : i32
      %add3A_749 = arith.addi %mul3A_335, %add3A_748 : i32
      %swap3A_750 = arith.index_cast %add3A_749 : i32 to index
      %swap3A_751 = arith.constant 48 : index
      %swap3A_752 = tpu.vector_load %arg6[%swap3A_750, %swap3A_751] {strides = array<i32>} : memref<512x128xf32, #tpu.memory_space<vmem>>, vector<1x16xf32>,
      %swap3A_753 = vector.shape_cast %swap3A_752 : vector<1x16xf32> to vector<16xf32>
      %swap3A_754 = vector.shape_cast %get3A_19 : vector<16xf32> to vector<1x16xf32>
      tpu.vector_store %arg6[%swap3A_750, %swap3A_751], %swap3A_754 {strides = array<i32>} : memref<512x128xf32, #tpu.memory_space<vmem>>, vector<1x16xf32>,
      %add3A_755 = arith.constant 7 : i32
      %add3A_756 = arith.addi %mul3A_335, %add3A_755 : i32
      %swap3A_757 = arith.index_cast %add3A_756 : i32 to index
      %swap3A_758 = arith.constant 64 : index
      %swap3A_759 = tpu.vector_load %arg6[%swap3A_757, %swap3A_758] {strides = array<i32>} : memref<512x128xf32, #tpu.memory_space<vmem>>, vector<1x16xf32>,
      %swap3A_760 = vector.shape_cast %swap3A_759 : vector<1x16xf32> to vector<16xf32>
      %swap3A_761 = vector.shape_cast %get3A_24 : vector<16xf32> to vector<1x16xf32>
      tpu.vector_store %arg6[%swap3A_757, %swap3A_758], %swap3A_761 {strides = array<i32>} : memref<512x128xf32, #tpu.memory_space<vmem>>, vector<1x16xf32>,
      %add3A_762 = arith.constant 7 : i32
      %add3A_763 = arith.addi %mul3A_335, %add3A_762 : i32
      %swap3A_764 = arith.index_cast %add3A_763 : i32 to index
      %swap3A_765 = arith.constant 80 : index
      %swap3A_766 = tpu.vector_load %arg6[%swap3A_764, %swap3A_765] {strides = array<i32>} : memref<512x128xf32, #tpu.memory_space<vmem>>, vector<1x16xf32>,
      %swap3A_767 = vector.shape_cast %swap3A_766 : vector<1x16xf32> to vector<16xf32>
      %swap3A_768 = vector.shape_cast %get3A_29 : vector<16xf32> to vector<1x16xf32>
      tpu.vector_store %arg6[%swap3A_764, %swap3A_765], %swap3A_768 {strides = array<i32>} : memref<512x128xf32, #tpu.memory_space<vmem>>, vector<1x16xf32>,
      %add3A_769 = arith.constant 7 : i32
      %add3A_770 = arith.addi %mul3A_335, %add3A_769 : i32
      %swap3A_771 = arith.index_cast %add3A_770 : i32 to index
      %swap3A_772 = arith.constant 96 : index
      %swap3A_773 = tpu.vector_load %arg6[%swap3A_771, %swap3A_772] {strides = array<i32>} : memref<512x128xf32, #tpu.memory_space<vmem>>, vector<1x16xf32>,
      %swap3A_774 = vector.shape_cast %swap3A_773 : vector<1x16xf32> to vector<16xf32>
      %swap3A_775 = vector.shape_cast %get3A_34 : vector<16xf32> to vector<1x16xf32>
      tpu.vector_store %arg6[%swap3A_771, %swap3A_772], %swap3A_775 {strides = array<i32>} : memref<512x128xf32, #tpu.memory_space<vmem>>, vector<1x16xf32>,
      %add3A_776 = arith.constant 7 : i32
      %add3A_777 = arith.addi %mul3A_335, %add3A_776 : i32
      %swap3A_778 = arith.index_cast %add3A_777 : i32 to index
      %swap3A_779 = arith.constant 112 : index
      %swap3A_780 = tpu.vector_load %arg6[%swap3A_778, %swap3A_779] {strides = array<i32>} : memref<512x128xf32, #tpu.memory_space<vmem>>, vector<1x16xf32>,
      %swap3A_781 = vector.shape_cast %swap3A_780 : vector<1x16xf32> to vector<16xf32>
      %swap3A_782 = vector.shape_cast %get3A_39 : vector<16xf32> to vector<1x16xf32>
      tpu.vector_store %arg6[%swap3A_778, %swap3A_779], %swap3A_782 {strides = array<i32>} : memref<512x128xf32, #tpu.memory_space<vmem>>, vector<1x16xf32>,
      %add3A_783 = arith.constant 8 : i32
      %add3A_784 = arith.addi %mul3A_335, %add3A_783 : i32
      %swap3A_785 = arith.index_cast %add3A_784 : i32 to index
      %swap3A_786 = arith.constant 0 : index
      %swap3A_787 = tpu.vector_load %arg6[%swap3A_785, %swap3A_786] {strides = array<i32>} : memref<512x128xf32, #tpu.memory_space<vmem>>, vector<1x16xf32>,
      %swap3A_788 = vector.shape_cast %swap3A_787 : vector<1x16xf32> to vector<16xf32>
      %swap3A_789 = vector.shape_cast %get3A_4 : vector<16xf32> to vector<1x16xf32>
      tpu.vector_store %arg6[%swap3A_785, %swap3A_786], %swap3A_789 {strides = array<i32>} : memref<512x128xf32, #tpu.memory_space<vmem>>, vector<1x16xf32>,
      %add3A_790 = arith.constant 8 : i32
      %add3A_791 = arith.addi %mul3A_335, %add3A_790 : i32
      %swap3A_792 = arith.index_cast %add3A_791 : i32 to index
      %swap3A_793 = arith.constant 16 : index
      %swap3A_794 = tpu.vector_load %arg6[%swap3A_792, %swap3A_793] {strides = array<i32>} : memref<512x128xf32, #tpu.memory_space<vmem>>, vector<1x16xf32>,
      %swap3A_795 = vector.shape_cast %swap3A_794 : vector<1x16xf32> to vector<16xf32>
      %swap3A_796 = vector.shape_cast %get3A_9 : vector<16xf32> to vector<1x16xf32>
      tpu.vector_store %arg6[%swap3A_792, %swap3A_793], %swap3A_796 {strides = array<i32>} : memref<512x128xf32, #tpu.memory_space<vmem>>, vector<1x16xf32>,
      %add3A_797 = arith.constant 8 : i32
      %add3A_798 = arith.addi %mul3A_335, %add3A_797 : i32
      %swap3A_799 = arith.index_cast %add3A_798 : i32 to index
      %swap3A_800 = arith.constant 32 : index
      %swap3A_801 = tpu.vector_load %arg6[%swap3A_799, %swap3A_800] {strides = array<i32>} : memref<512x128xf32, #tpu.memory_space<vmem>>, vector<1x16xf32>,
      %swap3A_802 = vector.shape_cast %swap3A_801 : vector<1x16xf32> to vector<16xf32>
      %swap3A_803 = vector.shape_cast %get3A_14 : vector<16xf32> to vector<1x16xf32>
      tpu.vector_store %arg6[%swap3A_799, %swap3A_800], %swap3A_803 {strides = array<i32>} : memref<512x128xf32, #tpu.memory_space<vmem>>, vector<1x16xf32>,
      %add3A_804 = arith.constant 8 : i32
      %add3A_805 = arith.addi %mul3A_335, %add3A_804 : i32
      %swap3A_806 = arith.index_cast %add3A_805 : i32 to index
      %swap3A_807 = arith.constant 48 : index
      %swap3A_808 = tpu.vector_load %arg6[%swap3A_806, %swap3A_807] {strides = array<i32>} : memref<512x128xf32, #tpu.memory_space<vmem>>, vector<1x16xf32>,
      %swap3A_809 = vector.shape_cast %swap3A_808 : vector<1x16xf32> to vector<16xf32>
      %swap3A_810 = vector.shape_cast %get3A_19 : vector<16xf32> to vector<1x16xf32>
      tpu.vector_store %arg6[%swap3A_806, %swap3A_807], %swap3A_810 {strides = array<i32>} : memref<512x128xf32, #tpu.memory_space<vmem>>, vector<1x16xf32>,
      %add3A_811 = arith.constant 8 : i32
      %add3A_812 = arith.addi %mul3A_335, %add3A_811 : i32
      %swap3A_813 = arith.index_cast %add3A_812 : i32 to index
      %swap3A_814 = arith.constant 64 : index
      %swap3A_815 = tpu.vector_load %arg6[%swap3A_813, %swap3A_814] {strides = array<i32>} : memref<512x128xf32, #tpu.memory_space<vmem>>, vector<1x16xf32>,
      %swap3A_816 = vector.shape_cast %swap3A_815 : vector<1x16xf32> to vector<16xf32>
      %swap3A_817 = vector.shape_cast %get3A_24 : vector<16xf32> to vector<1x16xf32>
      tpu.vector_store %arg6[%swap3A_813, %swap3A_814], %swap3A_817 {strides = array<i32>} : memref<512x128xf32, #tpu.memory_space<vmem>>, vector<1x16xf32>,
      %add3A_818 = arith.constant 8 : i32
      %add3A_819 = arith.addi %mul3A_335, %add3A_818 : i32
      %swap3A_820 = arith.index_cast %add3A_819 : i32 to index
      %swap3A_821 = arith.constant 80 : index
      %swap3A_822 = tpu.vector_load %arg6[%swap3A_820, %swap3A_821] {strides = array<i32>} : memref<512x128xf32, #tpu.memory_space<vmem>>, vector<1x16xf32>,
      %swap3A_823 = vector.shape_cast %swap3A_822 : vector<1x16xf32> to vector<16xf32>
      %swap3A_824 = vector.shape_cast %get3A_29 : vector<16xf32> to vector<1x16xf32>
      tpu.vector_store %arg6[%swap3A_820, %swap3A_821], %swap3A_824 {strides = array<i32>} : memref<512x128xf32, #tpu.memory_space<vmem>>, vector<1x16xf32>,
      %add3A_825 = arith.constant 8 : i32
      %add3A_826 = arith.addi %mul3A_335, %add3A_825 : i32
      %swap3A_827 = arith.index_cast %add3A_826 : i32 to index
      %swap3A_828 = arith.constant 96 : index
      %swap3A_829 = tpu.vector_load %arg6[%swap3A_827, %swap3A_828] {strides = array<i32>} : memref<512x128xf32, #tpu.memory_space<vmem>>, vector<1x16xf32>,
      %swap3A_830 = vector.shape_cast %swap3A_829 : vector<1x16xf32> to vector<16xf32>
      %swap3A_831 = vector.shape_cast %get3A_34 : vector<16xf32> to vector<1x16xf32>
      tpu.vector_store %arg6[%swap3A_827, %swap3A_828], %swap3A_831 {strides = array<i32>} : memref<512x128xf32, #tpu.memory_space<vmem>>, vector<1x16xf32>,
      %add3A_832 = arith.constant 8 : i32
      %add3A_833 = arith.addi %mul3A_335, %add3A_832 : i32
      %swap3A_834 = arith.index_cast %add3A_833 : i32 to index
      %swap3A_835 = arith.constant 112 : index
      %swap3A_836 = tpu.vector_load %arg6[%swap3A_834, %swap3A_835] {strides = array<i32>} : memref<512x128xf32, #tpu.memory_space<vmem>>, vector<1x16xf32>,
      %swap3A_837 = vector.shape_cast %swap3A_836 : vector<1x16xf32> to vector<16xf32>
      %swap3A_838 = vector.shape_cast %get3A_39 : vector<16xf32> to vector<1x16xf32>
      tpu.vector_store %arg6[%swap3A_834, %swap3A_835], %swap3A_838 {strides = array<i32>} : memref<512x128xf32, #tpu.memory_space<vmem>>, vector<1x16xf32>,
      %add3A_839 = arith.constant 9 : i32
      %add3A_840 = arith.addi %mul3A_335, %add3A_839 : i32
      %swap3A_841 = arith.index_cast %add3A_840 : i32 to index
      %swap3A_842 = arith.constant 0 : index
      %swap3A_843 = tpu.vector_load %arg6[%swap3A_841, %swap3A_842] {strides = array<i32>} : memref<512x128xf32, #tpu.memory_space<vmem>>, vector<1x16xf32>,
      %swap3A_844 = vector.shape_cast %swap3A_843 : vector<1x16xf32> to vector<16xf32>
      %swap3A_845 = vector.shape_cast %get3A_4 : vector<16xf32> to vector<1x16xf32>
      tpu.vector_store %arg6[%swap3A_841, %swap3A_842], %swap3A_845 {strides = array<i32>} : memref<512x128xf32, #tpu.memory_space<vmem>>, vector<1x16xf32>,
      %add3A_846 = arith.constant 9 : i32
      %add3A_847 = arith.addi %mul3A_335, %add3A_846 : i32
      %swap3A_848 = arith.index_cast %add3A_847 : i32 to index
      %swap3A_849 = arith.constant 16 : index
      %swap3A_850 = tpu.vector_load %arg6[%swap3A_848, %swap3A_849] {strides = array<i32>} : memref<512x128xf32, #tpu.memory_space<vmem>>, vector<1x16xf32>,
      %swap3A_851 = vector.shape_cast %swap3A_850 : vector<1x16xf32> to vector<16xf32>
      %swap3A_852 = vector.shape_cast %get3A_9 : vector<16xf32> to vector<1x16xf32>
      tpu.vector_store %arg6[%swap3A_848, %swap3A_849], %swap3A_852 {strides = array<i32>} : memref<512x128xf32, #tpu.memory_space<vmem>>, vector<1x16xf32>,
      %add3A_853 = arith.constant 9 : i32
      %add3A_854 = arith.addi %mul3A_335, %add3A_853 : i32
      %swap3A_855 = arith.index_cast %add3A_854 : i32 to index
      %swap3A_856 = arith.constant 32 : index
      %swap3A_857 = tpu.vector_load %arg6[%swap3A_855, %swap3A_856] {strides = array<i32>} : memref<512x128xf32, #tpu.memory_space<vmem>>, vector<1x16xf32>,
      %swap3A_858 = vector.shape_cast %swap3A_857 : vector<1x16xf32> to vector<16xf32>
      %swap3A_859 = vector.shape_cast %get3A_14 : vector<16xf32> to vector<1x16xf32>
      tpu.vector_store %arg6[%swap3A_855, %swap3A_856], %swap3A_859 {strides = array<i32>} : memref<512x128xf32, #tpu.memory_space<vmem>>, vector<1x16xf32>,
      %add3A_860 = arith.constant 9 : i32
      %add3A_861 = arith.addi %mul3A_335, %add3A_860 : i32
      %swap3A_862 = arith.index_cast %add3A_861 : i32 to index
      %swap3A_863 = arith.constant 48 : index
      %swap3A_864 = tpu.vector_load %arg6[%swap3A_862, %swap3A_863] {strides = array<i32>} : memref<512x128xf32, #tpu.memory_space<vmem>>, vector<1x16xf32>,
      %swap3A_865 = vector.shape_cast %swap3A_864 : vector<1x16xf32> to vector<16xf32>
      %swap3A_866 = vector.shape_cast %get3A_19 : vector<16xf32> to vector<1x16xf32>
      tpu.vector_store %arg6[%swap3A_862, %swap3A_863], %swap3A_866 {strides = array<i32>} : memref<512x128xf32, #tpu.memory_space<vmem>>, vector<1x16xf32>,
      %add3A_867 = arith.constant 9 : i32
      %add3A_868 = arith.addi %mul3A_335, %add3A_867 : i32
      %swap3A_869 = arith.index_cast %add3A_868 : i32 to index
      %swap3A_870 = arith.constant 64 : index
      %swap3A_871 = tpu.vector_load %arg6[%swap3A_869, %swap3A_870] {strides = array<i32>} : memref<512x128xf32, #tpu.memory_space<vmem>>, vector<1x16xf32>,
      %swap3A_872 = vector.shape_cast %swap3A_871 : vector<1x16xf32> to vector<16xf32>
      %swap3A_873 = vector.shape_cast %get3A_24 : vector<16xf32> to vector<1x16xf32>
      tpu.vector_store %arg6[%swap3A_869, %swap3A_870], %swap3A_873 {strides = array<i32>} : memref<512x128xf32, #tpu.memory_space<vmem>>, vector<1x16xf32>,
      %add3A_874 = arith.constant 9 : i32
      %add3A_875 = arith.addi %mul3A_335, %add3A_874 : i32
      %swap3A_876 = arith.index_cast %add3A_875 : i32 to index
      %swap3A_877 = arith.constant 80 : index
      %swap3A_878 = tpu.vector_load %arg6[%swap3A_876, %swap3A_877] {strides = array<i32>} : memref<512x128xf32, #tpu.memory_space<vmem>>, vector<1x16xf32>,
      %swap3A_879 = vector.shape_cast %swap3A_878 : vector<1x16xf32> to vector<16xf32>
      %swap3A_880 = vector.shape_cast %get3A_29 : vector<16xf32> to vector<1x16xf32>
      tpu.vector_store %arg6[%swap3A_876, %swap3A_877], %swap3A_880 {strides = array<i32>} : memref<512x128xf32, #tpu.memory_space<vmem>>, vector<1x16xf32>,
      %add3A_881 = arith.constant 9 : i32
      %add3A_882 = arith.addi %mul3A_335, %add3A_881 : i32
      %swap3A_883 = arith.index_cast %add3A_882 : i32 to index
      %swap3A_884 = arith.constant 96 : index
      %swap3A_885 = tpu.vector_load %arg6[%swap3A_883, %swap3A_884] {strides = array<i32>} : memref<512x128xf32, #tpu.memory_space<vmem>>, vector<1x16xf32>,
      %swap3A_886 = vector.shape_cast %swap3A_885 : vector<1x16xf32> to vector<16xf32>
      %swap3A_887 = vector.shape_cast %get3A_34 : vector<16xf32> to vector<1x16xf32>
      tpu.vector_store %arg6[%swap3A_883, %swap3A_884], %swap3A_887 {strides = array<i32>} : memref<512x128xf32, #tpu.memory_space<vmem>>, vector<1x16xf32>,
      %add3A_888 = arith.constant 9 : i32
      %add3A_889 = arith.addi %mul3A_335, %add3A_888 : i32
      %swap3A_890 = arith.index_cast %add3A_889 : i32 to index
      %swap3A_891 = arith.constant 112 : index
      %swap3A_892 = tpu.vector_load %arg6[%swap3A_890, %swap3A_891] {strides = array<i32>} : memref<512x128xf32, #tpu.memory_space<vmem>>, vector<1x16xf32>,
      %swap3A_893 = vector.shape_cast %swap3A_892 : vector<1x16xf32> to vector<16xf32>
      %swap3A_894 = vector.shape_cast %get3A_39 : vector<16xf32> to vector<1x16xf32>
      tpu.vector_store %arg6[%swap3A_890, %swap3A_891], %swap3A_894 {strides = array<i32>} : memref<512x128xf32, #tpu.memory_space<vmem>>, vector<1x16xf32>,
      %add3A_895 = arith.constant 10 : i32
      %add3A_896 = arith.addi %mul3A_335, %add3A_895 : i32
      %swap3A_897 = arith.index_cast %add3A_896 : i32 to index
      %swap3A_898 = arith.constant 0 : index
      %swap3A_899 = tpu.vector_load %arg6[%swap3A_897, %swap3A_898] {strides = array<i32>} : memref<512x128xf32, #tpu.memory_space<vmem>>, vector<1x16xf32>,
      %swap3A_900 = vector.shape_cast %swap3A_899 : vector<1x16xf32> to vector<16xf32>
      %swap3A_901 = vector.shape_cast %get3A_4 : vector<16xf32> to vector<1x16xf32>
      tpu.vector_store %arg6[%swap3A_897, %swap3A_898], %swap3A_901 {strides = array<i32>} : memref<512x128xf32, #tpu.memory_space<vmem>>, vector<1x16xf32>,
      %add3A_902 = arith.constant 10 : i32
      %add3A_903 = arith.addi %mul3A_335, %add3A_902 : i32
      %swap3A_904 = arith.index_cast %add3A_903 : i32 to index
      %swap3A_905 = arith.constant 16 : index
      %swap3A_906 = tpu.vector_load %arg6[%swap3A_904, %swap3A_905] {strides = array<i32>} : memref<512x128xf32, #tpu.memory_space<vmem>>, vector<1x16xf32>,
      %swap3A_907 = vector.shape_cast %swap3A_906 : vector<1x16xf32> to vector<16xf32>
      %swap3A_908 = vector.shape_cast %get3A_9 : vector<16xf32> to vector<1x16xf32>
      tpu.vector_store %arg6[%swap3A_904, %swap3A_905], %swap3A_908 {strides = array<i32>} : memref<512x128xf32, #tpu.memory_space<vmem>>, vector<1x16xf32>,
      %add3A_909 = arith.constant 10 : i32
      %add3A_910 = arith.addi %mul3A_335, %add3A_909 : i32
      %swap3A_911 = arith.index_cast %add3A_910 : i32 to index
      %swap3A_912 = arith.constant 32 : index
      %swap3A_913 = tpu.vector_load %arg6[%swap3A_911, %swap3A_912] {strides = array<i32>} : memref<512x128xf32, #tpu.memory_space<vmem>>, vector<1x16xf32>,
      %swap3A_914 = vector.shape_cast %swap3A_913 : vector<1x16xf32> to vector<16xf32>
      %swap3A_915 = vector.shape_cast %get3A_14 : vector<16xf32> to vector<1x16xf32>
      tpu.vector_store %arg6[%swap3A_911, %swap3A_912], %swap3A_915 {strides = array<i32>} : memref<512x128xf32, #tpu.memory_space<vmem>>, vector<1x16xf32>,
      %add3A_916 = arith.constant 10 : i32
      %add3A_917 = arith.addi %mul3A_335, %add3A_916 : i32
      %swap3A_918 = arith.index_cast %add3A_917 : i32 to index
      %swap3A_919 = arith.constant 48 : index
      %swap3A_920 = tpu.vector_load %arg6[%swap3A_918, %swap3A_919] {strides = array<i32>} : memref<512x128xf32, #tpu.memory_space<vmem>>, vector<1x16xf32>,
      %swap3A_921 = vector.shape_cast %swap3A_920 : vector<1x16xf32> to vector<16xf32>
      %swap3A_922 = vector.shape_cast %get3A_19 : vector<16xf32> to vector<1x16xf32>
      tpu.vector_store %arg6[%swap3A_918, %swap3A_919], %swap3A_922 {strides = array<i32>} : memref<512x128xf32, #tpu.memory_space<vmem>>, vector<1x16xf32>,
      %add3A_923 = arith.constant 10 : i32
      %add3A_924 = arith.addi %mul3A_335, %add3A_923 : i32
      %swap3A_925 = arith.index_cast %add3A_924 : i32 to index
      %swap3A_926 = arith.constant 64 : index
      %swap3A_927 = tpu.vector_load %arg6[%swap3A_925, %swap3A_926] {strides = array<i32>} : memref<512x128xf32, #tpu.memory_space<vmem>>, vector<1x16xf32>,
      %swap3A_928 = vector.shape_cast %swap3A_927 : vector<1x16xf32> to vector<16xf32>
      %swap3A_929 = vector.shape_cast %get3A_24 : vector<16xf32> to vector<1x16xf32>
      tpu.vector_store %arg6[%swap3A_925, %swap3A_926], %swap3A_929 {strides = array<i32>} : memref<512x128xf32, #tpu.memory_space<vmem>>, vector<1x16xf32>,
      %add3A_930 = arith.constant 10 : i32
      %add3A_931 = arith.addi %mul3A_335, %add3A_930 : i32
      %swap3A_932 = arith.index_cast %add3A_931 : i32 to index
      %swap3A_933 = arith.constant 80 : index
      %swap3A_934 = tpu.vector_load %arg6[%swap3A_932, %swap3A_933] {strides = array<i32>} : memref<512x128xf32, #tpu.memory_space<vmem>>, vector<1x16xf32>,
      %swap3A_935 = vector.shape_cast %swap3A_934 : vector<1x16xf32> to vector<16xf32>
      %swap3A_936 = vector.shape_cast %get3A_29 : vector<16xf32> to vector<1x16xf32>
      tpu.vector_store %arg6[%swap3A_932, %swap3A_933], %swap3A_936 {strides = array<i32>} : memref<512x128xf32, #tpu.memory_space<vmem>>, vector<1x16xf32>,
      %add3A_937 = arith.constant 10 : i32
      %add3A_938 = arith.addi %mul3A_335, %add3A_937 : i32
      %swap3A_939 = arith.index_cast %add3A_938 : i32 to index
      %swap3A_940 = arith.constant 96 : index
      %swap3A_941 = tpu.vector_load %arg6[%swap3A_939, %swap3A_940] {strides = array<i32>} : memref<512x128xf32, #tpu.memory_space<vmem>>, vector<1x16xf32>,
      %swap3A_942 = vector.shape_cast %swap3A_941 : vector<1x16xf32> to vector<16xf32>
      %swap3A_943 = vector.shape_cast %get3A_34 : vector<16xf32> to vector<1x16xf32>
      tpu.vector_store %arg6[%swap3A_939, %swap3A_940], %swap3A_943 {strides = array<i32>} : memref<512x128xf32, #tpu.memory_space<vmem>>, vector<1x16xf32>,
      %add3A_944 = arith.constant 10 : i32
      %add3A_945 = arith.addi %mul3A_335, %add3A_944 : i32
      %swap3A_946 = arith.index_cast %add3A_945 : i32 to index
      %swap3A_947 = arith.constant 112 : index
      %swap3A_948 = tpu.vector_load %arg6[%swap3A_946, %swap3A_947] {strides = array<i32>} : memref<512x128xf32, #tpu.memory_space<vmem>>, vector<1x16xf32>,
      %swap3A_949 = vector.shape_cast %swap3A_948 : vector<1x16xf32> to vector<16xf32>
      %swap3A_950 = vector.shape_cast %get3A_39 : vector<16xf32> to vector<1x16xf32>
      tpu.vector_store %arg6[%swap3A_946, %swap3A_947], %swap3A_950 {strides = array<i32>} : memref<512x128xf32, #tpu.memory_space<vmem>>, vector<1x16xf32>,
      %add3A_951 = arith.constant 11 : i32
      %add3A_952 = arith.addi %mul3A_335, %add3A_951 : i32
      %swap3A_953 = arith.index_cast %add3A_952 : i32 to index
      %swap3A_954 = arith.constant 0 : index
      %swap3A_955 = tpu.vector_load %arg6[%swap3A_953, %swap3A_954] {strides = array<i32>} : memref<512x128xf32, #tpu.memory_space<vmem>>, vector<1x16xf32>,
      %swap3A_956 = vector.shape_cast %swap3A_955 : vector<1x16xf32> to vector<16xf32>
      %swap3A_957 = vector.shape_cast %get3A_4 : vector<16xf32> to vector<1x16xf32>
      tpu.vector_store %arg6[%swap3A_953, %swap3A_954], %swap3A_957 {strides = array<i32>} : memref<512x128xf32, #tpu.memory_space<vmem>>, vector<1x16xf32>,
      %add3A_958 = arith.constant 11 : i32
      %add3A_959 = arith.addi %mul3A_335, %add3A_958 : i32
      %swap3A_960 = arith.index_cast %add3A_959 : i32 to index
      %swap3A_961 = arith.constant 16 : index
      %swap3A_962 = tpu.vector_load %arg6[%swap3A_960, %swap3A_961] {strides = array<i32>} : memref<512x128xf32, #tpu.memory_space<vmem>>, vector<1x16xf32>,
      %swap3A_963 = vector.shape_cast %swap3A_962 : vector<1x16xf32> to vector<16xf32>
      %swap3A_964 = vector.shape_cast %get3A_9 : vector<16xf32> to vector<1x16xf32>
      tpu.vector_store %arg6[%swap3A_960, %swap3A_961], %swap3A_964 {strides = array<i32>} : memref<512x128xf32, #tpu.memory_space<vmem>>, vector<1x16xf32>,
      %add3A_965 = arith.constant 11 : i32
      %add3A_966 = arith.addi %mul3A_335, %add3A_965 : i32
      %swap3A_967 = arith.index_cast %add3A_966 : i32 to index
      %swap3A_968 = arith.constant 32 : index
      %swap3A_969 = tpu.vector_load %arg6[%swap3A_967, %swap3A_968] {strides = array<i32>} : memref<512x128xf32, #tpu.memory_space<vmem>>, vector<1x16xf32>,
      %swap3A_970 = vector.shape_cast %swap3A_969 : vector<1x16xf32> to vector<16xf32>
      %swap3A_971 = vector.shape_cast %get3A_14 : vector<16xf32> to vector<1x16xf32>
      tpu.vector_store %arg6[%swap3A_967, %swap3A_968], %swap3A_971 {strides = array<i32>} : memref<512x128xf32, #tpu.memory_space<vmem>>, vector<1x16xf32>,
      %add3A_972 = arith.constant 11 : i32
      %add3A_973 = arith.addi %mul3A_335, %add3A_972 : i32
      %swap3A_974 = arith.index_cast %add3A_973 : i32 to index
      %swap3A_975 = arith.constant 48 : index
      %swap3A_976 = tpu.vector_load %arg6[%swap3A_974, %swap3A_975] {strides = array<i32>} : memref<512x128xf32, #tpu.memory_space<vmem>>, vector<1x16xf32>,
      %swap3A_977 = vector.shape_cast %swap3A_976 : vector<1x16xf32> to vector<16xf32>
      %swap3A_978 = vector.shape_cast %get3A_19 : vector<16xf32> to vector<1x16xf32>
      tpu.vector_store %arg6[%swap3A_974, %swap3A_975], %swap3A_978 {strides = array<i32>} : memref<512x128xf32, #tpu.memory_space<vmem>>, vector<1x16xf32>,
      %add3A_979 = arith.constant 11 : i32
      %add3A_980 = arith.addi %mul3A_335, %add3A_979 : i32
      %swap3A_981 = arith.index_cast %add3A_980 : i32 to index
      %swap3A_982 = arith.constant 64 : index
      %swap3A_983 = tpu.vector_load %arg6[%swap3A_981, %swap3A_982] {strides = array<i32>} : memref<512x128xf32, #tpu.memory_space<vmem>>, vector<1x16xf32>,
      %swap3A_984 = vector.shape_cast %swap3A_983 : vector<1x16xf32> to vector<16xf32>
      %swap3A_985 = vector.shape_cast %get3A_24 : vector<16xf32> to vector<1x16xf32>
      tpu.vector_store %arg6[%swap3A_981, %swap3A_982], %swap3A_985 {strides = array<i32>} : memref<512x128xf32, #tpu.memory_space<vmem>>, vector<1x16xf32>,
      %add3A_986 = arith.constant 11 : i32
      %add3A_987 = arith.addi %mul3A_335, %add3A_986 : i32
      %swap3A_988 = arith.index_cast %add3A_987 : i32 to index
      %swap3A_989 = arith.constant 80 : index
      %swap3A_990 = tpu.vector_load %arg6[%swap3A_988, %swap3A_989] {strides = array<i32>} : memref<512x128xf32, #tpu.memory_space<vmem>>, vector<1x16xf32>,
      %swap3A_991 = vector.shape_cast %swap3A_990 : vector<1x16xf32> to vector<16xf32>
      %swap3A_992 = vector.shape_cast %get3A_29 : vector<16xf32> to vector<1x16xf32>
      tpu.vector_store %arg6[%swap3A_988, %swap3A_989], %swap3A_992 {strides = array<i32>} : memref<512x128xf32, #tpu.memory_space<vmem>>, vector<1x16xf32>,
      %add3A_993 = arith.constant 11 : i32
      %add3A_994 = arith.addi %mul3A_335, %add3A_993 : i32
      %swap3A_995 = arith.index_cast %add3A_994 : i32 to index
      %swap3A_996 = arith.constant 96 : index
      %swap3A_997 = tpu.vector_load %arg6[%swap3A_995, %swap3A_996] {strides = array<i32>} : memref<512x128xf32, #tpu.memory_space<vmem>>, vector<1x16xf32>,
      %swap3A_998 = vector.shape_cast %swap3A_997 : vector<1x16xf32> to vector<16xf32>
      %swap3A_999 = vector.shape_cast %get3A_34 : vector<16xf32> to vector<1x16xf32>
      tpu.vector_store %arg6[%swap3A_995, %swap3A_996], %swap3A_999 {strides = array<i32>} : memref<512x128xf32, #tpu.memory_space<vmem>>, vector<1x16xf32>,
      %add3A_1000 = arith.constant 11 : i32
      %add3A_1001 = arith.addi %mul3A_335, %add3A_1000 : i32
      %swap3A_1002 = arith.index_cast %add3A_1001 : i32 to index
      %swap3A_1003 = arith.constant 112 : index
      %swap3A_1004 = tpu.vector_load %arg6[%swap3A_1002, %swap3A_1003] {strides = array<i32>} : memref<512x128xf32, #tpu.memory_space<vmem>>, vector<1x16xf32>,
      %swap3A_1005 = vector.shape_cast %swap3A_1004 : vector<1x16xf32> to vector<16xf32>
      %swap3A_1006 = vector.shape_cast %get3A_39 : vector<16xf32> to vector<1x16xf32>
      tpu.vector_store %arg6[%swap3A_1002, %swap3A_1003], %swap3A_1006 {strides = array<i32>} : memref<512x128xf32, #tpu.memory_space<vmem>>, vector<1x16xf32>,
      %add3A_1007 = arith.constant 12 : i32
      %add3A_1008 = arith.addi %mul3A_335, %add3A_1007 : i32
      %swap3A_1009 = arith.index_cast %add3A_1008 : i32 to index
      %swap3A_1010 = arith.constant 0 : index
      %swap3A_1011 = tpu.vector_load %arg6[%swap3A_1009, %swap3A_1010] {strides = array<i32>} : memref<512x128xf32, #tpu.memory_space<vmem>>, vector<1x16xf32>,
      %swap3A_1012 = vector.shape_cast %swap3A_1011 : vector<1x16xf32> to vector<16xf32>
      %swap3A_1013 = vector.shape_cast %get3A_4 : vector<16xf32> to vector<1x16xf32>
      tpu.vector_store %arg6[%swap3A_1009, %swap3A_1010], %swap3A_1013 {strides = array<i32>} : memref<512x128xf32, #tpu.memory_space<vmem>>, vector<1x16xf32>,
      %add3A_1014 = arith.constant 12 : i32
      %add3A_1015 = arith.addi %mul3A_335, %add3A_1014 : i32
      %swap3A_1016 = arith.index_cast %add3A_1015 : i32 to index
      %swap3A_1017 = arith.constant 16 : index
      %swap3A_1018 = tpu.vector_load %arg6[%swap3A_1016, %swap3A_1017] {strides = array<i32>} : memref<512x128xf32, #tpu.memory_space<vmem>>, vector<1x16xf32>,
      %swap3A_1019 = vector.shape_cast %swap3A_1018 : vector<1x16xf32> to vector<16xf32>
      %swap3A_1020 = vector.shape_cast %get3A_9 : vector<16xf32> to vector<1x16xf32>
      tpu.vector_store %arg6[%swap3A_1016, %swap3A_1017], %swap3A_1020 {strides = array<i32>} : memref<512x128xf32, #tpu.memory_space<vmem>>, vector<1x16xf32>,
      %add3A_1021 = arith.constant 12 : i32
      %add3A_1022 = arith.addi %mul3A_335, %add3A_1021 : i32
      %swap3A_1023 = arith.index_cast %add3A_1022 : i32 to index
      %swap3A_1024 = arith.constant 32 : index
      %swap3A_1025 = tpu.vector_load %arg6[%swap3A_1023, %swap3A_1024] {strides = array<i32>} : memref<512x128xf32, #tpu.memory_space<vmem>>, vector<1x16xf32>,
      %swap3A_1026 = vector.shape_cast %swap3A_1025 : vector<1x16xf32> to vector<16xf32>
      %swap3A_1027 = vector.shape_cast %get3A_14 : vector<16xf32> to vector<1x16xf32>
      tpu.vector_store %arg6[%swap3A_1023, %swap3A_1024], %swap3A_1027 {strides = array<i32>} : memref<512x128xf32, #tpu.memory_space<vmem>>, vector<1x16xf32>,
      %add3A_1028 = arith.constant 12 : i32
      %add3A_1029 = arith.addi %mul3A_335, %add3A_1028 : i32
      %swap3A_1030 = arith.index_cast %add3A_1029 : i32 to index
      %swap3A_1031 = arith.constant 48 : index
      %swap3A_1032 = tpu.vector_load %arg6[%swap3A_1030, %swap3A_1031] {strides = array<i32>} : memref<512x128xf32, #tpu.memory_space<vmem>>, vector<1x16xf32>,
      %swap3A_1033 = vector.shape_cast %swap3A_1032 : vector<1x16xf32> to vector<16xf32>
      %swap3A_1034 = vector.shape_cast %get3A_19 : vector<16xf32> to vector<1x16xf32>
      tpu.vector_store %arg6[%swap3A_1030, %swap3A_1031], %swap3A_1034 {strides = array<i32>} : memref<512x128xf32, #tpu.memory_space<vmem>>, vector<1x16xf32>,
      %add3A_1035 = arith.constant 12 : i32
      %add3A_1036 = arith.addi %mul3A_335, %add3A_1035 : i32
      %swap3A_1037 = arith.index_cast %add3A_1036 : i32 to index
      %swap3A_1038 = arith.constant 64 : index
      %swap3A_1039 = tpu.vector_load %arg6[%swap3A_1037, %swap3A_1038] {strides = array<i32>} : memref<512x128xf32, #tpu.memory_space<vmem>>, vector<1x16xf32>,
      %swap3A_1040 = vector.shape_cast %swap3A_1039 : vector<1x16xf32> to vector<16xf32>
      %swap3A_1041 = vector.shape_cast %get3A_24 : vector<16xf32> to vector<1x16xf32>
      tpu.vector_store %arg6[%swap3A_1037, %swap3A_1038], %swap3A_1041 {strides = array<i32>} : memref<512x128xf32, #tpu.memory_space<vmem>>, vector<1x16xf32>,
      %add3A_1042 = arith.constant 12 : i32
      %add3A_1043 = arith.addi %mul3A_335, %add3A_1042 : i32
      %swap3A_1044 = arith.index_cast %add3A_1043 : i32 to index
      %swap3A_1045 = arith.constant 80 : index
      %swap3A_1046 = tpu.vector_load %arg6[%swap3A_1044, %swap3A_1045] {strides = array<i32>} : memref<512x128xf32, #tpu.memory_space<vmem>>, vector<1x16xf32>,
      %swap3A_1047 = vector.shape_cast %swap3A_1046 : vector<1x16xf32> to vector<16xf32>
      %swap3A_1048 = vector.shape_cast %get3A_29 : vector<16xf32> to vector<1x16xf32>
      tpu.vector_store %arg6[%swap3A_1044, %swap3A_1045], %swap3A_1048 {strides = array<i32>} : memref<512x128xf32, #tpu.memory_space<vmem>>, vector<1x16xf32>,
      %add3A_1049 = arith.constant 12 : i32
      %add3A_1050 = arith.addi %mul3A_335, %add3A_1049 : i32
      %swap3A_1051 = arith.index_cast %add3A_1050 : i32 to index
      %swap3A_1052 = arith.constant 96 : index
      %swap3A_1053 = tpu.vector_load %arg6[%swap3A_1051, %swap3A_1052] {strides = array<i32>} : memref<512x128xf32, #tpu.memory_space<vmem>>, vector<1x16xf32>,
      %swap3A_1054 = vector.shape_cast %swap3A_1053 : vector<1x16xf32> to vector<16xf32>
      %swap3A_1055 = vector.shape_cast %get3A_34 : vector<16xf32> to vector<1x16xf32>
      tpu.vector_store %arg6[%swap3A_1051, %swap3A_1052], %swap3A_1055 {strides = array<i32>} : memref<512x128xf32, #tpu.memory_space<vmem>>, vector<1x16xf32>,
      %add3A_1056 = arith.constant 12 : i32
      %add3A_1057 = arith.addi %mul3A_335, %add3A_1056 : i32
      %swap3A_1058 = arith.index_cast %add3A_1057 : i32 to index
      %swap3A_1059 = arith.constant 112 : index
      %swap3A_1060 = tpu.vector_load %arg6[%swap3A_1058, %swap3A_1059] {strides = array<i32>} : memref<512x128xf32, #tpu.memory_space<vmem>>, vector<1x16xf32>,
      %swap3A_1061 = vector.shape_cast %swap3A_1060 : vector<1x16xf32> to vector<16xf32>
      %swap3A_1062 = vector.shape_cast %get3A_39 : vector<16xf32> to vector<1x16xf32>
      tpu.vector_store %arg6[%swap3A_1058, %swap3A_1059], %swap3A_1062 {strides = array<i32>} : memref<512x128xf32, #tpu.memory_space<vmem>>, vector<1x16xf32>,
      %add3A_1063 = arith.constant 13 : i32
      %add3A_1064 = arith.addi %mul3A_335, %add3A_1063 : i32
      %swap3A_1065 = arith.index_cast %add3A_1064 : i32 to index
      %swap3A_1066 = arith.constant 0 : index
      %swap3A_1067 = tpu.vector_load %arg6[%swap3A_1065, %swap3A_1066] {strides = array<i32>} : memref<512x128xf32, #tpu.memory_space<vmem>>, vector<1x16xf32>,
      %swap3A_1068 = vector.shape_cast %swap3A_1067 : vector<1x16xf32> to vector<16xf32>
      %swap3A_1069 = vector.shape_cast %get3A_4 : vector<16xf32> to vector<1x16xf32>
      tpu.vector_store %arg6[%swap3A_1065, %swap3A_1066], %swap3A_1069 {strides = array<i32>} : memref<512x128xf32, #tpu.memory_space<vmem>>, vector<1x16xf32>,
      %add3A_1070 = arith.constant 13 : i32
      %add3A_1071 = arith.addi %mul3A_335, %add3A_1070 : i32
      %swap3A_1072 = arith.index_cast %add3A_1071 : i32 to index
      %swap3A_1073 = arith.constant 16 : index
      %swap3A_1074 = tpu.vector_load %arg6[%swap3A_1072, %swap3A_1073] {strides = array<i32>} : memref<512x128xf32, #tpu.memory_space<vmem>>, vector<1x16xf32>,
      %swap3A_1075 = vector.shape_cast %swap3A_1074 : vector<1x16xf32> to vector<16xf32>
      %swap3A_1076 = vector.shape_cast %get3A_9 : vector<16xf32> to vector<1x16xf32>
      tpu.vector_store %arg6[%swap3A_1072, %swap3A_1073], %swap3A_1076 {strides = array<i32>} : memref<512x128xf32, #tpu.memory_space<vmem>>, vector<1x16xf32>,
      %add3A_1077 = arith.constant 13 : i32
      %add3A_1078 = arith.addi %mul3A_335, %add3A_1077 : i32
      %swap3A_1079 = arith.index_cast %add3A_1078 : i32 to index
      %swap3A_1080 = arith.constant 32 : index
      %swap3A_1081 = tpu.vector_load %arg6[%swap3A_1079, %swap3A_1080] {strides = array<i32>} : memref<512x128xf32, #tpu.memory_space<vmem>>, vector<1x16xf32>,
      %swap3A_1082 = vector.shape_cast %swap3A_1081 : vector<1x16xf32> to vector<16xf32>
      %swap3A_1083 = vector.shape_cast %get3A_14 : vector<16xf32> to vector<1x16xf32>
      tpu.vector_store %arg6[%swap3A_1079, %swap3A_1080], %swap3A_1083 {strides = array<i32>} : memref<512x128xf32, #tpu.memory_space<vmem>>, vector<1x16xf32>,
      %add3A_1084 = arith.constant 13 : i32
      %add3A_1085 = arith.addi %mul3A_335, %add3A_1084 : i32
      %swap3A_1086 = arith.index_cast %add3A_1085 : i32 to index
      %swap3A_1087 = arith.constant 48 : index
      %swap3A_1088 = tpu.vector_load %arg6[%swap3A_1086, %swap3A_1087] {strides = array<i32>} : memref<512x128xf32, #tpu.memory_space<vmem>>, vector<1x16xf32>,
      %swap3A_1089 = vector.shape_cast %swap3A_1088 : vector<1x16xf32> to vector<16xf32>
      %swap3A_1090 = vector.shape_cast %get3A_19 : vector<16xf32> to vector<1x16xf32>
      tpu.vector_store %arg6[%swap3A_1086, %swap3A_1087], %swap3A_1090 {strides = array<i32>} : memref<512x128xf32, #tpu.memory_space<vmem>>, vector<1x16xf32>,
      %add3A_1091 = arith.constant 13 : i32
      %add3A_1092 = arith.addi %mul3A_335, %add3A_1091 : i32
      %swap3A_1093 = arith.index_cast %add3A_1092 : i32 to index
      %swap3A_1094 = arith.constant 64 : index
      %swap3A_1095 = tpu.vector_load %arg6[%swap3A_1093, %swap3A_1094] {strides = array<i32>} : memref<512x128xf32, #tpu.memory_space<vmem>>, vector<1x16xf32>,
      %swap3A_1096 = vector.shape_cast %swap3A_1095 : vector<1x16xf32> to vector<16xf32>
      %swap3A_1097 = vector.shape_cast %get3A_24 : vector<16xf32> to vector<1x16xf32>
      tpu.vector_store %arg6[%swap3A_1093, %swap3A_1094], %swap3A_1097 {strides = array<i32>} : memref<512x128xf32, #tpu.memory_space<vmem>>, vector<1x16xf32>,
      %add3A_1098 = arith.constant 13 : i32
      %add3A_1099 = arith.addi %mul3A_335, %add3A_1098 : i32
      %swap3A_1100 = arith.index_cast %add3A_1099 : i32 to index
      %swap3A_1101 = arith.constant 80 : index
      %swap3A_1102 = tpu.vector_load %arg6[%swap3A_1100, %swap3A_1101] {strides = array<i32>} : memref<512x128xf32, #tpu.memory_space<vmem>>, vector<1x16xf32>,
      %swap3A_1103 = vector.shape_cast %swap3A_1102 : vector<1x16xf32> to vector<16xf32>
      %swap3A_1104 = vector.shape_cast %get3A_29 : vector<16xf32> to vector<1x16xf32>
      tpu.vector_store %arg6[%swap3A_1100, %swap3A_1101], %swap3A_1104 {strides = array<i32>} : memref<512x128xf32, #tpu.memory_space<vmem>>, vector<1x16xf32>,
      %add3A_1105 = arith.constant 13 : i32
      %add3A_1106 = arith.addi %mul3A_335, %add3A_1105 : i32
      %swap3A_1107 = arith.index_cast %add3A_1106 : i32 to index
      %swap3A_1108 = arith.constant 96 : index
      %swap3A_1109 = tpu.vector_load %arg6[%swap3A_1107, %swap3A_1108] {strides = array<i32>} : memref<512x128xf32, #tpu.memory_space<vmem>>, vector<1x16xf32>,
      %swap3A_1110 = vector.shape_cast %swap3A_1109 : vector<1x16xf32> to vector<16xf32>
      %swap3A_1111 = vector.shape_cast %get3A_34 : vector<16xf32> to vector<1x16xf32>
      tpu.vector_store %arg6[%swap3A_1107, %swap3A_1108], %swap3A_1111 {strides = array<i32>} : memref<512x128xf32, #tpu.memory_space<vmem>>, vector<1x16xf32>,
      %add3A_1112 = arith.constant 13 : i32
      %add3A_1113 = arith.addi %mul3A_335, %add3A_1112 : i32
      %swap3A_1114 = arith.index_cast %add3A_1113 : i32 to index
      %swap3A_1115 = arith.constant 112 : index
      %swap3A_1116 = tpu.vector_load %arg6[%swap3A_1114, %swap3A_1115] {strides = array<i32>} : memref<512x128xf32, #tpu.memory_space<vmem>>, vector<1x16xf32>,
      %swap3A_1117 = vector.shape_cast %swap3A_1116 : vector<1x16xf32> to vector<16xf32>
      %swap3A_1118 = vector.shape_cast %get3A_39 : vector<16xf32> to vector<1x16xf32>
      tpu.vector_store %arg6[%swap3A_1114, %swap3A_1115], %swap3A_1118 {strides = array<i32>} : memref<512x128xf32, #tpu.memory_space<vmem>>, vector<1x16xf32>,
      %add3A_1119 = arith.constant 14 : i32
      %add3A_1120 = arith.addi %mul3A_335, %add3A_1119 : i32
      %swap3A_1121 = arith.index_cast %add3A_1120 : i32 to index
      %swap3A_1122 = arith.constant 0 : index
      %swap3A_1123 = tpu.vector_load %arg6[%swap3A_1121, %swap3A_1122] {strides = array<i32>} : memref<512x128xf32, #tpu.memory_space<vmem>>, vector<1x16xf32>,
      %swap3A_1124 = vector.shape_cast %swap3A_1123 : vector<1x16xf32> to vector<16xf32>
      %swap3A_1125 = vector.shape_cast %get3A_4 : vector<16xf32> to vector<1x16xf32>
      tpu.vector_store %arg6[%swap3A_1121, %swap3A_1122], %swap3A_1125 {strides = array<i32>} : memref<512x128xf32, #tpu.memory_space<vmem>>, vector<1x16xf32>,
      %add3A_1126 = arith.constant 14 : i32
      %add3A_1127 = arith.addi %mul3A_335, %add3A_1126 : i32
      %swap3A_1128 = arith.index_cast %add3A_1127 : i32 to index
      %swap3A_1129 = arith.constant 16 : index
      %swap3A_1130 = tpu.vector_load %arg6[%swap3A_1128, %swap3A_1129] {strides = array<i32>} : memref<512x128xf32, #tpu.memory_space<vmem>>, vector<1x16xf32>,
      %swap3A_1131 = vector.shape_cast %swap3A_1130 : vector<1x16xf32> to vector<16xf32>
      %swap3A_1132 = vector.shape_cast %get3A_9 : vector<16xf32> to vector<1x16xf32>
      tpu.vector_store %arg6[%swap3A_1128, %swap3A_1129], %swap3A_1132 {strides = array<i32>} : memref<512x128xf32, #tpu.memory_space<vmem>>, vector<1x16xf32>,
      %add3A_1133 = arith.constant 14 : i32
      %add3A_1134 = arith.addi %mul3A_335, %add3A_1133 : i32
      %swap3A_1135 = arith.index_cast %add3A_1134 : i32 to index
      %swap3A_1136 = arith.constant 32 : index
      %swap3A_1137 = tpu.vector_load %arg6[%swap3A_1135, %swap3A_1136] {strides = array<i32>} : memref<512x128xf32, #tpu.memory_space<vmem>>, vector<1x16xf32>,
      %swap3A_1138 = vector.shape_cast %swap3A_1137 : vector<1x16xf32> to vector<16xf32>
      %swap3A_1139 = vector.shape_cast %get3A_14 : vector<16xf32> to vector<1x16xf32>
      tpu.vector_store %arg6[%swap3A_1135, %swap3A_1136], %swap3A_1139 {strides = array<i32>} : memref<512x128xf32, #tpu.memory_space<vmem>>, vector<1x16xf32>,
      %add3A_1140 = arith.constant 14 : i32
      %add3A_1141 = arith.addi %mul3A_335, %add3A_1140 : i32
      %swap3A_1142 = arith.index_cast %add3A_1141 : i32 to index
      %swap3A_1143 = arith.constant 48 : index
      %swap3A_1144 = tpu.vector_load %arg6[%swap3A_1142, %swap3A_1143] {strides = array<i32>} : memref<512x128xf32, #tpu.memory_space<vmem>>, vector<1x16xf32>,
      %swap3A_1145 = vector.shape_cast %swap3A_1144 : vector<1x16xf32> to vector<16xf32>
      %swap3A_1146 = vector.shape_cast %get3A_19 : vector<16xf32> to vector<1x16xf32>
      tpu.vector_store %arg6[%swap3A_1142, %swap3A_1143], %swap3A_1146 {strides = array<i32>} : memref<512x128xf32, #tpu.memory_space<vmem>>, vector<1x16xf32>,
      %add3A_1147 = arith.constant 14 : i32
      %add3A_1148 = arith.addi %mul3A_335, %add3A_1147 : i32
      %swap3A_1149 = arith.index_cast %add3A_1148 : i32 to index
      %swap3A_1150 = arith.constant 64 : index
      %swap3A_1151 = tpu.vector_load %arg6[%swap3A_1149, %swap3A_1150] {strides = array<i32>} : memref<512x128xf32, #tpu.memory_space<vmem>>, vector<1x16xf32>,
      %swap3A_1152 = vector.shape_cast %swap3A_1151 : vector<1x16xf32> to vector<16xf32>
      %swap3A_1153 = vector.shape_cast %get3A_24 : vector<16xf32> to vector<1x16xf32>
      tpu.vector_store %arg6[%swap3A_1149, %swap3A_1150], %swap3A_1153 {strides = array<i32>} : memref<512x128xf32, #tpu.memory_space<vmem>>, vector<1x16xf32>,
      %add3A_1154 = arith.constant 14 : i32
      %add3A_1155 = arith.addi %mul3A_335, %add3A_1154 : i32
      %swap3A_1156 = arith.index_cast %add3A_1155 : i32 to index
      %swap3A_1157 = arith.constant 80 : index
      %swap3A_1158 = tpu.vector_load %arg6[%swap3A_1156, %swap3A_1157] {strides = array<i32>} : memref<512x128xf32, #tpu.memory_space<vmem>>, vector<1x16xf32>,
      %swap3A_1159 = vector.shape_cast %swap3A_1158 : vector<1x16xf32> to vector<16xf32>
      %swap3A_1160 = vector.shape_cast %get3A_29 : vector<16xf32> to vector<1x16xf32>
      tpu.vector_store %arg6[%swap3A_1156, %swap3A_1157], %swap3A_1160 {strides = array<i32>} : memref<512x128xf32, #tpu.memory_space<vmem>>, vector<1x16xf32>,
      %add3A_1161 = arith.constant 14 : i32
      %add3A_1162 = arith.addi %mul3A_335, %add3A_1161 : i32
      %swap3A_1163 = arith.index_cast %add3A_1162 : i32 to index
      %swap3A_1164 = arith.constant 96 : index
      %swap3A_1165 = tpu.vector_load %arg6[%swap3A_1163, %swap3A_1164] {strides = array<i32>} : memref<512x128xf32, #tpu.memory_space<vmem>>, vector<1x16xf32>,
      %swap3A_1166 = vector.shape_cast %swap3A_1165 : vector<1x16xf32> to vector<16xf32>
      %swap3A_1167 = vector.shape_cast %get3A_34 : vector<16xf32> to vector<1x16xf32>
      tpu.vector_store %arg6[%swap3A_1163, %swap3A_1164], %swap3A_1167 {strides = array<i32>} : memref<512x128xf32, #tpu.memory_space<vmem>>, vector<1x16xf32>,
      %add3A_1168 = arith.constant 14 : i32
      %add3A_1169 = arith.addi %mul3A_335, %add3A_1168 : i32
      %swap3A_1170 = arith.index_cast %add3A_1169 : i32 to index
      %swap3A_1171 = arith.constant 112 : index
      %swap3A_1172 = tpu.vector_load %arg6[%swap3A_1170, %swap3A_1171] {strides = array<i32>} : memref<512x128xf32, #tpu.memory_space<vmem>>, vector<1x16xf32>,
      %swap3A_1173 = vector.shape_cast %swap3A_1172 : vector<1x16xf32> to vector<16xf32>
      %swap3A_1174 = vector.shape_cast %get3A_39 : vector<16xf32> to vector<1x16xf32>
      tpu.vector_store %arg6[%swap3A_1170, %swap3A_1171], %swap3A_1174 {strides = array<i32>} : memref<512x128xf32, #tpu.memory_space<vmem>>, vector<1x16xf32>,
      %add3A_1175 = arith.constant 15 : i32
      %add3A_1176 = arith.addi %mul3A_335, %add3A_1175 : i32
      %swap3A_1177 = arith.index_cast %add3A_1176 : i32 to index
      %swap3A_1178 = arith.constant 0 : index
      %swap3A_1179 = tpu.vector_load %arg6[%swap3A_1177, %swap3A_1178] {strides = array<i32>} : memref<512x128xf32, #tpu.memory_space<vmem>>, vector<1x16xf32>,
      %swap3A_1180 = vector.shape_cast %swap3A_1179 : vector<1x16xf32> to vector<16xf32>
      %swap3A_1181 = vector.shape_cast %get3A_4 : vector<16xf32> to vector<1x16xf32>
      tpu.vector_store %arg6[%swap3A_1177, %swap3A_1178], %swap3A_1181 {strides = array<i32>} : memref<512x128xf32, #tpu.memory_space<vmem>>, vector<1x16xf32>,
      %add3A_1182 = arith.constant 15 : i32
      %add3A_1183 = arith.addi %mul3A_335, %add3A_1182 : i32
      %swap3A_1184 = arith.index_cast %add3A_1183 : i32 to index
      %swap3A_1185 = arith.constant 16 : index
      %swap3A_1186 = tpu.vector_load %arg6[%swap3A_1184, %swap3A_1185] {strides = array<i32>} : memref<512x128xf32, #tpu.memory_space<vmem>>, vector<1x16xf32>,
      %swap3A_1187 = vector.shape_cast %swap3A_1186 : vector<1x16xf32> to vector<16xf32>
      %swap3A_1188 = vector.shape_cast %get3A_9 : vector<16xf32> to vector<1x16xf32>
      tpu.vector_store %arg6[%swap3A_1184, %swap3A_1185], %swap3A_1188 {strides = array<i32>} : memref<512x128xf32, #tpu.memory_space<vmem>>, vector<1x16xf32>,
      %add3A_1189 = arith.constant 15 : i32
      %add3A_1190 = arith.addi %mul3A_335, %add3A_1189 : i32
      %swap3A_1191 = arith.index_cast %add3A_1190 : i32 to index
      %swap3A_1192 = arith.constant 32 : index
      %swap3A_1193 = tpu.vector_load %arg6[%swap3A_1191, %swap3A_1192] {strides = array<i32>} : memref<512x128xf32, #tpu.memory_space<vmem>>, vector<1x16xf32>,
      %swap3A_1194 = vector.shape_cast %swap3A_1193 : vector<1x16xf32> to vector<16xf32>
      %swap3A_1195 = vector.shape_cast %get3A_14 : vector<16xf32> to vector<1x16xf32>
      tpu.vector_store %arg6[%swap3A_1191, %swap3A_1192], %swap3A_1195 {strides = array<i32>} : memref<512x128xf32, #tpu.memory_space<vmem>>, vector<1x16xf32>,
      %add3A_1196 = arith.constant 15 : i32
      %add3A_1197 = arith.addi %mul3A_335, %add3A_1196 : i32
      %swap3A_1198 = arith.index_cast %add3A_1197 : i32 to index
      %swap3A_1199 = arith.constant 48 : index
      %swap3A_1200 = tpu.vector_load %arg6[%swap3A_1198, %swap3A_1199] {strides = array<i32>} : memref<512x128xf32, #tpu.memory_space<vmem>>, vector<1x16xf32>,
      %swap3A_1201 = vector.shape_cast %swap3A_1200 : vector<1x16xf32> to vector<16xf32>
      %swap3A_1202 = vector.shape_cast %get3A_19 : vector<16xf32> to vector<1x16xf32>
      tpu.vector_store %arg6[%swap3A_1198, %swap3A_1199], %swap3A_1202 {strides = array<i32>} : memref<512x128xf32, #tpu.memory_space<vmem>>, vector<1x16xf32>,
      %add3A_1203 = arith.constant 15 : i32
      %add3A_1204 = arith.addi %mul3A_335, %add3A_1203 : i32
      %swap3A_1205 = arith.index_cast %add3A_1204 : i32 to index
      %swap3A_1206 = arith.constant 64 : index
      %swap3A_1207 = tpu.vector_load %arg6[%swap3A_1205, %swap3A_1206] {strides = array<i32>} : memref<512x128xf32, #tpu.memory_space<vmem>>, vector<1x16xf32>,
      %swap3A_1208 = vector.shape_cast %swap3A_1207 : vector<1x16xf32> to vector<16xf32>
      %swap3A_1209 = vector.shape_cast %get3A_24 : vector<16xf32> to vector<1x16xf32>
      tpu.vector_store %arg6[%swap3A_1205, %swap3A_1206], %swap3A_1209 {strides = array<i32>} : memref<512x128xf32, #tpu.memory_space<vmem>>, vector<1x16xf32>,
      %add3A_1210 = arith.constant 15 : i32
      %add3A_1211 = arith.addi %mul3A_335, %add3A_1210 : i32
      %swap3A_1212 = arith.index_cast %add3A_1211 : i32 to index
      %swap3A_1213 = arith.constant 80 : index
      %swap3A_1214 = tpu.vector_load %arg6[%swap3A_1212, %swap3A_1213] {strides = array<i32>} : memref<512x128xf32, #tpu.memory_space<vmem>>, vector<1x16xf32>,
      %swap3A_1215 = vector.shape_cast %swap3A_1214 : vector<1x16xf32> to vector<16xf32>
      %swap3A_1216 = vector.shape_cast %get3A_29 : vector<16xf32> to vector<1x16xf32>
      tpu.vector_store %arg6[%swap3A_1212, %swap3A_1213], %swap3A_1216 {strides = array<i32>} : memref<512x128xf32, #tpu.memory_space<vmem>>, vector<1x16xf32>,
      %add3A_1217 = arith.constant 15 : i32
      %add3A_1218 = arith.addi %mul3A_335, %add3A_1217 : i32
      %swap3A_1219 = arith.index_cast %add3A_1218 : i32 to index
      %swap3A_1220 = arith.constant 96 : index
      %swap3A_1221 = tpu.vector_load %arg6[%swap3A_1219, %swap3A_1220] {strides = array<i32>} : memref<512x128xf32, #tpu.memory_space<vmem>>, vector<1x16xf32>,
      %swap3A_1222 = vector.shape_cast %swap3A_1221 : vector<1x16xf32> to vector<16xf32>
      %swap3A_1223 = vector.shape_cast %get3A_34 : vector<16xf32> to vector<1x16xf32>
      tpu.vector_store %arg6[%swap3A_1219, %swap3A_1220], %swap3A_1223 {strides = array<i32>} : memref<512x128xf32, #tpu.memory_space<vmem>>, vector<1x16xf32>,
      %add3A_1224 = arith.constant 15 : i32
      %add3A_1225 = arith.addi %mul3A_335, %add3A_1224 : i32
      %swap3A_1226 = arith.index_cast %add3A_1225 : i32 to index
      %swap3A_1227 = arith.constant 112 : index
      %swap3A_1228 = tpu.vector_load %arg6[%swap3A_1226, %swap3A_1227] {strides = array<i32>} : memref<512x128xf32, #tpu.memory_space<vmem>>, vector<1x16xf32>,
      %swap3A_1229 = vector.shape_cast %swap3A_1228 : vector<1x16xf32> to vector<16xf32>
      %swap3A_1230 = vector.shape_cast %get3A_39 : vector<16xf32> to vector<1x16xf32>
      tpu.vector_store %arg6[%swap3A_1226, %swap3A_1227], %swap3A_1230 {strides = array<i32>} : memref<512x128xf32, #tpu.memory_space<vmem>>, vector<1x16xf32>,
      %mul3A_1231 = arith.constant 16 : i32
      %mul3A_1232 = arith.muli %scan3A_333, %mul3A_1231 : i32
      %swap3A_1233 = arith.index_cast %mul3A_1232 : i32 to index
      %swap3A_1234 = tpu.vector_load %arg7[%swap3A_1233] {strides = array<i32>} : memref<512xi32, #tpu.memory_space<vmem>>, vector<16xi32>,
      %swap3A_1235 = vector.shape_cast %swap3A_1234 : vector<16xi32> to vector<16xi32>
      %swap3A_1236 = vector.shape_cast %broadcast_in_dim3A : vector<16xi32> to vector<16xi32>
      tpu.vector_store %arg7[%swap3A_1233], %swap3A_1236 {strides = array<i32>} : memref<512xi32, #tpu.memory_space<vmem>>, vector<16xi32>,
      %mul3A_1237 = arith.constant 16 : i32
      %mul3A_1238 = arith.muli %scan3A_333, %mul3A_1237 : i32
      %swap3A_1239 = arith.index_cast %mul3A_1238 : i32 to index
      %swap3A_1240 = tpu.vector_load %arg8[%swap3A_1239] {strides = array<i32>} : memref<512xi32, #tpu.memory_space<vmem>>, vector<16xi32>,
      %swap3A_1241 = vector.shape_cast %swap3A_1240 : vector<16xi32> to vector<16xi32>
      %swap3A_1242 = vector.shape_cast %broadcast_in_dim3A_41 : vector<16xi32> to vector<16xi32>
      tpu.vector_store %arg8[%swap3A_1239], %swap3A_1242 {strides = array<i32>} : memref<512xi32, #tpu.memory_space<vmem>>, vector<16xi32>,
    }
    %scan3A_46 = arith.constant 32 : i32
    %mul3A_47 = arith.constant 512 : i32
    %mul3A_48 = arith.muli %add3A, %mul3A_47 : i32
    %dma_start3A = arith.constant 0 : i32
    %dma_start3A_49 = arith.constant 0 : i32
    %dma_start3A_50 = tpu.memref_slice %arg3[%dma_start3A, %mul3A_48, %dma_start3A_49] : memref<8x16384x128xf32, #tpu.memory_space<hbm>> -> memref<1x512x128xf32, #tpu.memory_space<hbm>>
    %dma_start3A_51 = tpu.memref_squeeze %dma_start3A_50 : memref<1x512x128xf32, #tpu.memory_space<hbm>> -> memref<512x128xf32, #tpu.memory_space<hbm>>
    %dma_start3A_52 = arith.constant 0 : i32
    %dma_start3A_53 = tpu.memref_slice %arg3[%dma_start3A, %mul3A_48, %dma_start3A_52] : memref<8x16384x128xf32, #tpu.memory_space<hbm>> -> memref<1x512x128xf32, #tpu.memory_space<hbm>>
    %dma_start3A_54 = tpu.memref_squeeze %dma_start3A_53 : memref<1x512x128xf32, #tpu.memory_space<hbm>> -> memref<512x128xf32, #tpu.memory_space<hbm>>
    tpu.enqueue_dma source(%arg6 : memref<512x128xf32, #tpu.memory_space<vmem>>) target(%dma_start3A_54 : memref<512x128xf32, #tpu.memory_space<hbm>>) target_semaphore(%arg9 : memref<!tpu.dma_semaphore, #tpu.memory_space<semaphore_mem>>)
    %dma_start3A_55 = arith.constant 0 : i32
    %dma_start3A_56 = tpu.memref_slice %arg4[%dma_start3A_55, %mul3A_48] : memref<8x16384xi32, #tpu.memory_space<hbm>> -> memref<1x512xi32, #tpu.memory_space<hbm>>
    %dma_start3A_57 = tpu.memref_squeeze %dma_start3A_56 : memref<1x512xi32, #tpu.memory_space<hbm>> -> memref<512xi32, #tpu.memory_space<hbm>>
    %dma_start3A_58 = tpu.memref_slice %arg4[%dma_start3A_55, %mul3A_48] : memref<8x16384xi32, #tpu.memory_space<hbm>> -> memref<1x512xi32, #tpu.memory_space<hbm>>
    %dma_start3A_59 = tpu.memref_squeeze %dma_start3A_58 : memref<1x512xi32, #tpu.memory_space<hbm>> -> memref<512xi32, #tpu.memory_space<hbm>>
    tpu.enqueue_dma source(%arg7 : memref<512xi32, #tpu.memory_space<vmem>>) target(%dma_start3A_59 : memref<512xi32, #tpu.memory_space<hbm>>) target_semaphore(%arg9 : memref<!tpu.dma_semaphore, #tpu.memory_space<semaphore_mem>>)
    %dma_start3A_60 = arith.constant 0 : i32
    %dma_start3A_61 = tpu.memref_slice %arg5[%dma_start3A_60, %mul3A_48] : memref<8x16384xi32, #tpu.memory_space<hbm>> -> memref<1x512xi32, #tpu.memory_space<hbm>>
    %dma_start3A_62 = tpu.memref_squeeze %dma_start3A_61 : memref<1x512xi32, #tpu.memory_space<hbm>> -> memref<512xi32, #tpu.memory_space<hbm>>
    %dma_start3A_63 = tpu.memref_slice %arg5[%dma_start3A_60, %mul3A_48] : memref<8x16384xi32, #tpu.memory_space<hbm>> -> memref<1x512xi32, #tpu.memory_space<hbm>>
    %dma_start3A_64 = tpu.memref_squeeze %dma_start3A_63 : memref<1x512xi32, #tpu.memory_space<hbm>> -> memref<512xi32, #tpu.memory_space<hbm>>
    tpu.enqueue_dma source(%arg8 : memref<512xi32, #tpu.memory_space<vmem>>) target(%dma_start3A_64 : memref<512xi32, #tpu.memory_space<hbm>>) target_semaphore(%arg9 : memref<!tpu.dma_semaphore, #tpu.memory_space<semaphore_mem>>)
    %mul3A_65 = arith.constant 512 : i32
    %mul3A_66 = arith.muli %add3A, %mul3A_65 : i32
    %dma_start3A_67 = arith.constant 1 : i32
    %dma_start3A_68 = arith.constant 0 : i32
    %dma_start3A_69 = tpu.memref_slice %arg3[%dma_start3A_67, %mul3A_66, %dma_start3A_68] : memref<8x16384x128xf32, #tpu.memory_space<hbm>> -> memref<1x512x128xf32, #tpu.memory_space<hbm>>
    %dma_start3A_70 = tpu.memref_squeeze %dma_start3A_69 : memref<1x512x128xf32, #tpu.memory_space<hbm>> -> memref<512x128xf32, #tpu.memory_space<hbm>>
    %dma_start3A_71 = arith.constant 0 : i32
    %dma_start3A_72 = tpu.memref_slice %arg3[%dma_start3A_67, %mul3A_66, %dma_start3A_71] : memref<8x16384x128xf32, #tpu.memory_space<hbm>> -> memref<1x512x128xf32, #tpu.memory_space<hbm>>
    %dma_start3A_73 = tpu.memref_squeeze %dma_start3A_72 : memref<1x512x128xf32, #tpu.memory_space<hbm>> -> memref<512x128xf32, #tpu.memory_space<hbm>>
    tpu.enqueue_dma source(%arg6 : memref<512x128xf32, #tpu.memory_space<vmem>>) target(%dma_start3A_73 : memref<512x128xf32, #tpu.memory_space<hbm>>) target_semaphore(%arg9 : memref<!tpu.dma_semaphore, #tpu.memory_space<semaphore_mem>>)
    %dma_start3A_74 = arith.constant 1 : i32
    %dma_start3A_75 = tpu.memref_slice %arg4[%dma_start3A_74, %mul3A_66] : memref<8x16384xi32, #tpu.memory_space<hbm>> -> memref<1x512xi32, #tpu.memory_space<hbm>>
    %dma_start3A_76 = tpu.memref_squeeze %dma_start3A_75 : memref<1x512xi32, #tpu.memory_space<hbm>> -> memref<512xi32, #tpu.memory_space<hbm>>
    %dma_start3A_77 = tpu.memref_slice %arg4[%dma_start3A_74, %mul3A_66] : memref<8x16384xi32, #tpu.memory_space<hbm>> -> memref<1x512xi32, #tpu.memory_space<hbm>>
    %dma_start3A_78 = tpu.memref_squeeze %dma_start3A_77 : memref<1x512xi32, #tpu.memory_space<hbm>> -> memref<512xi32, #tpu.memory_space<hbm>>
    tpu.enqueue_dma source(%arg7 : memref<512xi32, #tpu.memory_space<vmem>>) target(%dma_start3A_78 : memref<512xi32, #tpu.memory_space<hbm>>) target_semaphore(%arg9 : memref<!tpu.dma_semaphore, #tpu.memory_space<semaphore_mem>>)
    %dma_start3A_79 = arith.constant 1 : i32
    %dma_start3A_80 = tpu.memref_slice %arg5[%dma_start3A_79, %mul3A_66] : memref<8x16384xi32, #tpu.memory_space<hbm>> -> memref<1x512xi32, #tpu.memory_space<hbm>>
    %dma_start3A_81 = tpu.memref_squeeze %dma_start3A_80 : memref<1x512xi32, #tpu.memory_space<hbm>> -> memref<512xi32, #tpu.memory_space<hbm>>
    %dma_start3A_82 = tpu.memref_slice %arg5[%dma_start3A_79, %mul3A_66] : memref<8x16384xi32, #tpu.memory_space<hbm>> -> memref<1x512xi32, #tpu.memory_space<hbm>>
    %dma_start3A_83 = tpu.memref_squeeze %dma_start3A_82 : memref<1x512xi32, #tpu.memory_space<hbm>> -> memref<512xi32, #tpu.memory_space<hbm>>
    tpu.enqueue_dma source(%arg8 : memref<512xi32, #tpu.memory_space<vmem>>) target(%dma_start3A_83 : memref<512xi32, #tpu.memory_space<hbm>>) target_semaphore(%arg9 : memref<!tpu.dma_semaphore, #tpu.memory_space<semaphore_mem>>)
    %mul3A_84 = arith.constant 512 : i32
    %mul3A_85 = arith.muli %add3A, %mul3A_84 : i32
    %dma_start3A_86 = arith.constant 2 : i32
    %dma_start3A_87 = arith.constant 0 : i32
    %dma_start3A_88 = tpu.memref_slice %arg3[%dma_start3A_86, %mul3A_85, %dma_start3A_87] : memref<8x16384x128xf32, #tpu.memory_space<hbm>> -> memref<1x512x128xf32, #tpu.memory_space<hbm>>
    %dma_start3A_89 = tpu.memref_squeeze %dma_start3A_88 : memref<1x512x128xf32, #tpu.memory_space<hbm>> -> memref<512x128xf32, #tpu.memory_space<hbm>>
    %dma_start3A_90 = arith.constant 0 : i32
    %dma_start3A_91 = tpu.memref_slice %arg3[%dma_start3A_86, %mul3A_85, %dma_start3A_90] : memref<8x16384x128xf32, #tpu.memory_space<hbm>> -> memref<1x512x128xf32, #tpu.memory_space<hbm>>
    %dma_start3A_92 = tpu.memref_squeeze %dma_start3A_91 : memref<1x512x128xf32, #tpu.memory_space<hbm>> -> memref<512x128xf32, #tpu.memory_space<hbm>>
    tpu.enqueue_dma source(%arg6 : memref<512x128xf32, #tpu.memory_space<vmem>>) target(%dma_start3A_92 : memref<512x128xf32, #tpu.memory_space<hbm>>) target_semaphore(%arg9 : memref<!tpu.dma_semaphore, #tpu.memory_space<semaphore_mem>>)
    %dma_start3A_93 = arith.constant 2 : i32
    %dma_start3A_94 = tpu.memref_slice %arg4[%dma_start3A_93, %mul3A_85] : memref<8x16384xi32, #tpu.memory_space<hbm>> -> memref<1x512xi32, #tpu.memory_space<hbm>>
    %dma_start3A_95 = tpu.memref_squeeze %dma_start3A_94 : memref<1x512xi32, #tpu.memory_space<hbm>> -> memref<512xi32, #tpu.memory_space<hbm>>
    %dma_start3A_96 = tpu.memref_slice %arg4[%dma_start3A_93, %mul3A_85] : memref<8x16384xi32, #tpu.memory_space<hbm>> -> memref<1x512xi32, #tpu.memory_space<hbm>>
    %dma_start3A_97 = tpu.memref_squeeze %dma_start3A_96 : memref<1x512xi32, #tpu.memory_space<hbm>> -> memref<512xi32, #tpu.memory_space<hbm>>
    tpu.enqueue_dma source(%arg7 : memref<512xi32, #tpu.memory_space<vmem>>) target(%dma_start3A_97 : memref<512xi32, #tpu.memory_space<hbm>>) target_semaphore(%arg9 : memref<!tpu.dma_semaphore, #tpu.memory_space<semaphore_mem>>)
    %dma_start3A_98 = arith.constant 2 : i32
    %dma_start3A_99 = tpu.memref_slice %arg5[%dma_start3A_98, %mul3A_85] : memref<8x16384xi32, #tpu.memory_space<hbm>> -> memref<1x512xi32, #tpu.memory_space<hbm>>
    %dma_start3A_100 = tpu.memref_squeeze %dma_start3A_99 : memref<1x512xi32, #tpu.memory_space<hbm>> -> memref<512xi32, #tpu.memory_space<hbm>>
    %dma_start3A_101 = tpu.memref_slice %arg5[%dma_start3A_98, %mul3A_85] : memref<8x16384xi32, #tpu.memory_space<hbm>> -> memref<1x512xi32, #tpu.memory_space<hbm>>
    %dma_start3A_102 = tpu.memref_squeeze %dma_start3A_101 : memref<1x512xi32, #tpu.memory_space<hbm>> -> memref<512xi32, #tpu.memory_space<hbm>>
    tpu.enqueue_dma source(%arg8 : memref<512xi32, #tpu.memory_space<vmem>>) target(%dma_start3A_102 : memref<512xi32, #tpu.memory_space<hbm>>) target_semaphore(%arg9 : memref<!tpu.dma_semaphore, #tpu.memory_space<semaphore_mem>>)
    %mul3A_103 = arith.constant 512 : i32
    %mul3A_104 = arith.muli %add3A, %mul3A_103 : i32
    %dma_start3A_105 = arith.constant 3 : i32
    %dma_start3A_106 = arith.constant 0 : i32
    %dma_start3A_107 = tpu.memref_slice %arg3[%dma_start3A_105, %mul3A_104, %dma_start3A_106] : memref<8x16384x128xf32, #tpu.memory_space<hbm>> -> memref<1x512x128xf32, #tpu.memory_space<hbm>>
    %dma_start3A_108 = tpu.memref_squeeze %dma_start3A_107 : memref<1x512x128xf32, #tpu.memory_space<hbm>> -> memref<512x128xf32, #tpu.memory_space<hbm>>
    %dma_start3A_109 = arith.constant 0 : i32
    %dma_start3A_110 = tpu.memref_slice %arg3[%dma_start3A_105, %mul3A_104, %dma_start3A_109] : memref<8x16384x128xf32, #tpu.memory_space<hbm>> -> memref<1x512x128xf32, #tpu.memory_space<hbm>>
    %dma_start3A_111 = tpu.memref_squeeze %dma_start3A_110 : memref<1x512x128xf32, #tpu.memory_space<hbm>> -> memref<512x128xf32, #tpu.memory_space<hbm>>
    tpu.enqueue_dma source(%arg6 : memref<512x128xf32, #tpu.memory_space<vmem>>) target(%dma_start3A_111 : memref<512x128xf32, #tpu.memory_space<hbm>>) target_semaphore(%arg9 : memref<!tpu.dma_semaphore, #tpu.memory_space<semaphore_mem>>)
    %dma_start3A_112 = arith.constant 3 : i32
    %dma_start3A_113 = tpu.memref_slice %arg4[%dma_start3A_112, %mul3A_104] : memref<8x16384xi32, #tpu.memory_space<hbm>> -> memref<1x512xi32, #tpu.memory_space<hbm>>
    %dma_start3A_114 = tpu.memref_squeeze %dma_start3A_113 : memref<1x512xi32, #tpu.memory_space<hbm>> -> memref<512xi32, #tpu.memory_space<hbm>>
    %dma_start3A_115 = tpu.memref_slice %arg4[%dma_start3A_112, %mul3A_104] : memref<8x16384xi32, #tpu.memory_space<hbm>> -> memref<1x512xi32, #tpu.memory_space<hbm>>
    %dma_start3A_116 = tpu.memref_squeeze %dma_start3A_115 : memref<1x512xi32, #tpu.memory_space<hbm>> -> memref<512xi32, #tpu.memory_space<hbm>>
    tpu.enqueue_dma source(%arg7 : memref<512xi32, #tpu.memory_space<vmem>>) target(%dma_start3A_116 : memref<512xi32, #tpu.memory_space<hbm>>) target_semaphore(%arg9 : memref<!tpu.dma_semaphore, #tpu.memory_space<semaphore_mem>>)
    %dma_start3A_117 = arith.constant 3 : i32
    %dma_start3A_118 = tpu.memref_slice %arg5[%dma_start3A_117, %mul3A_104] : memref<8x16384xi32, #tpu.memory_space<hbm>> -> memref<1x512xi32, #tpu.memory_space<hbm>>
    %dma_start3A_119 = tpu.memref_squeeze %dma_start3A_118 : memref<1x512xi32, #tpu.memory_space<hbm>> -> memref<512xi32, #tpu.memory_space<hbm>>
    %dma_start3A_120 = tpu.memref_slice %arg5[%dma_start3A_117, %mul3A_104] : memref<8x16384xi32, #tpu.memory_space<hbm>> -> memref<1x512xi32, #tpu.memory_space<hbm>>
    %dma_start3A_121 = tpu.memref_squeeze %dma_start3A_120 : memref<1x512xi32, #tpu.memory_space<hbm>> -> memref<512xi32, #tpu.memory_space<hbm>>
    tpu.enqueue_dma source(%arg8 : memref<512xi32, #tpu.memory_space<vmem>>) target(%dma_start3A_121 : memref<512xi32, #tpu.memory_space<hbm>>) target_semaphore(%arg9 : memref<!tpu.dma_semaphore, #tpu.memory_space<semaphore_mem>>)
    %mul3A_122 = arith.constant 512 : i32
    %mul3A_123 = arith.muli %add3A, %mul3A_122 : i32
    %dma_start3A_124 = arith.constant 4 : i32
    %dma_start3A_125 = arith.constant 0 : i32
    %dma_start3A_126 = tpu.memref_slice %arg3[%dma_start3A_124, %mul3A_123, %dma_start3A_125] : memref<8x16384x128xf32, #tpu.memory_space<hbm>> -> memref<1x512x128xf32, #tpu.memory_space<hbm>>
    %dma_start3A_127 = tpu.memref_squeeze %dma_start3A_126 : memref<1x512x128xf32, #tpu.memory_space<hbm>> -> memref<512x128xf32, #tpu.memory_space<hbm>>
    %dma_start3A_128 = arith.constant 0 : i32
    %dma_start3A_129 = tpu.memref_slice %arg3[%dma_start3A_124, %mul3A_123, %dma_start3A_128] : memref<8x16384x128xf32, #tpu.memory_space<hbm>> -> memref<1x512x128xf32, #tpu.memory_space<hbm>>
    %dma_start3A_130 = tpu.memref_squeeze %dma_start3A_129 : memref<1x512x128xf32, #tpu.memory_space<hbm>> -> memref<512x128xf32, #tpu.memory_space<hbm>>
    tpu.enqueue_dma source(%arg6 : memref<512x128xf32, #tpu.memory_space<vmem>>) target(%dma_start3A_130 : memref<512x128xf32, #tpu.memory_space<hbm>>) target_semaphore(%arg9 : memref<!tpu.dma_semaphore, #tpu.memory_space<semaphore_mem>>)
    %dma_start3A_131 = arith.constant 4 : i32
    %dma_start3A_132 = tpu.memref_slice %arg4[%dma_start3A_131, %mul3A_123] : memref<8x16384xi32, #tpu.memory_space<hbm>> -> memref<1x512xi32, #tpu.memory_space<hbm>>
    %dma_start3A_133 = tpu.memref_squeeze %dma_start3A_132 : memref<1x512xi32, #tpu.memory_space<hbm>> -> memref<512xi32, #tpu.memory_space<hbm>>
    %dma_start3A_134 = tpu.memref_slice %arg4[%dma_start3A_131, %mul3A_123] : memref<8x16384xi32, #tpu.memory_space<hbm>> -> memref<1x512xi32, #tpu.memory_space<hbm>>
    %dma_start3A_135 = tpu.memref_squeeze %dma_start3A_134 : memref<1x512xi32, #tpu.memory_space<hbm>> -> memref<512xi32, #tpu.memory_space<hbm>>
    tpu.enqueue_dma source(%arg7 : memref<512xi32, #tpu.memory_space<vmem>>) target(%dma_start3A_135 : memref<512xi32, #tpu.memory_space<hbm>>) target_semaphore(%arg9 : memref<!tpu.dma_semaphore, #tpu.memory_space<semaphore_mem>>)
    %dma_start3A_136 = arith.constant 4 : i32
    %dma_start3A_137 = tpu.memref_slice %arg5[%dma_start3A_136, %mul3A_123] : memref<8x16384xi32, #tpu.memory_space<hbm>> -> memref<1x512xi32, #tpu.memory_space<hbm>>
    %dma_start3A_138 = tpu.memref_squeeze %dma_start3A_137 : memref<1x512xi32, #tpu.memory_space<hbm>> -> memref<512xi32, #tpu.memory_space<hbm>>
    %dma_start3A_139 = tpu.memref_slice %arg5[%dma_start3A_136, %mul3A_123] : memref<8x16384xi32, #tpu.memory_space<hbm>> -> memref<1x512xi32, #tpu.memory_space<hbm>>
    %dma_start3A_140 = tpu.memref_squeeze %dma_start3A_139 : memref<1x512xi32, #tpu.memory_space<hbm>> -> memref<512xi32, #tpu.memory_space<hbm>>
    tpu.enqueue_dma source(%arg8 : memref<512xi32, #tpu.memory_space<vmem>>) target(%dma_start3A_140 : memref<512xi32, #tpu.memory_space<hbm>>) target_semaphore(%arg9 : memref<!tpu.dma_semaphore, #tpu.memory_space<semaphore_mem>>)
    %mul3A_141 = arith.constant 512 : i32
    %mul3A_142 = arith.muli %add3A, %mul3A_141 : i32
    %dma_start3A_143 = arith.constant 5 : i32
    %dma_start3A_144 = arith.constant 0 : i32
    %dma_start3A_145 = tpu.memref_slice %arg3[%dma_start3A_143, %mul3A_142, %dma_start3A_144] : memref<8x16384x128xf32, #tpu.memory_space<hbm>> -> memref<1x512x128xf32, #tpu.memory_space<hbm>>
    %dma_start3A_146 = tpu.memref_squeeze %dma_start3A_145 : memref<1x512x128xf32, #tpu.memory_space<hbm>> -> memref<512x128xf32, #tpu.memory_space<hbm>>
    %dma_start3A_147 = arith.constant 0 : i32
    %dma_start3A_148 = tpu.memref_slice %arg3[%dma_start3A_143, %mul3A_142, %dma_start3A_147] : memref<8x16384x128xf32, #tpu.memory_space<hbm>> -> memref<1x512x128xf32, #tpu.memory_space<hbm>>
    %dma_start3A_149 = tpu.memref_squeeze %dma_start3A_148 : memref<1x512x128xf32, #tpu.memory_space<hbm>> -> memref<512x128xf32, #tpu.memory_space<hbm>>
    tpu.enqueue_dma source(%arg6 : memref<512x128xf32, #tpu.memory_space<vmem>>) target(%dma_start3A_149 : memref<512x128xf32, #tpu.memory_space<hbm>>) target_semaphore(%arg9 : memref<!tpu.dma_semaphore, #tpu.memory_space<semaphore_mem>>)
    %dma_start3A_150 = arith.constant 5 : i32
    %dma_start3A_151 = tpu.memref_slice %arg4[%dma_start3A_150, %mul3A_142] : memref<8x16384xi32, #tpu.memory_space<hbm>> -> memref<1x512xi32, #tpu.memory_space<hbm>>
    %dma_start3A_152 = tpu.memref_squeeze %dma_start3A_151 : memref<1x512xi32, #tpu.memory_space<hbm>> -> memref<512xi32, #tpu.memory_space<hbm>>
    %dma_start3A_153 = tpu.memref_slice %arg4[%dma_start3A_150, %mul3A_142] : memref<8x16384xi32, #tpu.memory_space<hbm>> -> memref<1x512xi32, #tpu.memory_space<hbm>>
    %dma_start3A_154 = tpu.memref_squeeze %dma_start3A_153 : memref<1x512xi32, #tpu.memory_space<hbm>> -> memref<512xi32, #tpu.memory_space<hbm>>
    tpu.enqueue_dma source(%arg7 : memref<512xi32, #tpu.memory_space<vmem>>) target(%dma_start3A_154 : memref<512xi32, #tpu.memory_space<hbm>>) target_semaphore(%arg9 : memref<!tpu.dma_semaphore, #tpu.memory_space<semaphore_mem>>)
    %dma_start3A_155 = arith.constant 5 : i32
    %dma_start3A_156 = tpu.memref_slice %arg5[%dma_start3A_155, %mul3A_142] : memref<8x16384xi32, #tpu.memory_space<hbm>> -> memref<1x512xi32, #tpu.memory_space<hbm>>
    %dma_start3A_157 = tpu.memref_squeeze %dma_start3A_156 : memref<1x512xi32, #tpu.memory_space<hbm>> -> memref<512xi32, #tpu.memory_space<hbm>>
    %dma_start3A_158 = tpu.memref_slice %arg5[%dma_start3A_155, %mul3A_142] : memref<8x16384xi32, #tpu.memory_space<hbm>> -> memref<1x512xi32, #tpu.memory_space<hbm>>
    %dma_start3A_159 = tpu.memref_squeeze %dma_start3A_158 : memref<1x512xi32, #tpu.memory_space<hbm>> -> memref<512xi32, #tpu.memory_space<hbm>>
    tpu.enqueue_dma source(%arg8 : memref<512xi32, #tpu.memory_space<vmem>>) target(%dma_start3A_159 : memref<512xi32, #tpu.memory_space<hbm>>) target_semaphore(%arg9 : memref<!tpu.dma_semaphore, #tpu.memory_space<semaphore_mem>>)
    %mul3A_160 = arith.constant 512 : i32
    %mul3A_161 = arith.muli %add3A, %mul3A_160 : i32
    %dma_start3A_162 = arith.constant 6 : i32
    %dma_start3A_163 = arith.constant 0 : i32
    %dma_start3A_164 = tpu.memref_slice %arg3[%dma_start3A_162, %mul3A_161, %dma_start3A_163] : memref<8x16384x128xf32, #tpu.memory_space<hbm>> -> memref<1x512x128xf32, #tpu.memory_space<hbm>>
    %dma_start3A_165 = tpu.memref_squeeze %dma_start3A_164 : memref<1x512x128xf32, #tpu.memory_space<hbm>> -> memref<512x128xf32, #tpu.memory_space<hbm>>
    %dma_start3A_166 = arith.constant 0 : i32
    %dma_start3A_167 = tpu.memref_slice %arg3[%dma_start3A_162, %mul3A_161, %dma_start3A_166] : memref<8x16384x128xf32, #tpu.memory_space<hbm>> -> memref<1x512x128xf32, #tpu.memory_space<hbm>>
    %dma_start3A_168 = tpu.memref_squeeze %dma_start3A_167 : memref<1x512x128xf32, #tpu.memory_space<hbm>> -> memref<512x128xf32, #tpu.memory_space<hbm>>
    tpu.enqueue_dma source(%arg6 : memref<512x128xf32, #tpu.memory_space<vmem>>) target(%dma_start3A_168 : memref<512x128xf32, #tpu.memory_space<hbm>>) target_semaphore(%arg9 : memref<!tpu.dma_semaphore, #tpu.memory_space<semaphore_mem>>)
    %dma_start3A_169 = arith.constant 6 : i32
    %dma_start3A_170 = tpu.memref_slice %arg4[%dma_start3A_169, %mul3A_161] : memref<8x16384xi32, #tpu.memory_space<hbm>> -> memref<1x512xi32, #tpu.memory_space<hbm>>
    %dma_start3A_171 = tpu.memref_squeeze %dma_start3A_170 : memref<1x512xi32, #tpu.memory_space<hbm>> -> memref<512xi32, #tpu.memory_space<hbm>>
    %dma_start3A_172 = tpu.memref_slice %arg4[%dma_start3A_169, %mul3A_161] : memref<8x16384xi32, #tpu.memory_space<hbm>> -> memref<1x512xi32, #tpu.memory_space<hbm>>
    %dma_start3A_173 = tpu.memref_squeeze %dma_start3A_172 : memref<1x512xi32, #tpu.memory_space<hbm>> -> memref<512xi32, #tpu.memory_space<hbm>>
    tpu.enqueue_dma source(%arg7 : memref<512xi32, #tpu.memory_space<vmem>>) target(%dma_start3A_173 : memref<512xi32, #tpu.memory_space<hbm>>) target_semaphore(%arg9 : memref<!tpu.dma_semaphore, #tpu.memory_space<semaphore_mem>>)
    %dma_start3A_174 = arith.constant 6 : i32
    %dma_start3A_175 = tpu.memref_slice %arg5[%dma_start3A_174, %mul3A_161] : memref<8x16384xi32, #tpu.memory_space<hbm>> -> memref<1x512xi32, #tpu.memory_space<hbm>>
    %dma_start3A_176 = tpu.memref_squeeze %dma_start3A_175 : memref<1x512xi32, #tpu.memory_space<hbm>> -> memref<512xi32, #tpu.memory_space<hbm>>
    %dma_start3A_177 = tpu.memref_slice %arg5[%dma_start3A_174, %mul3A_161] : memref<8x16384xi32, #tpu.memory_space<hbm>> -> memref<1x512xi32, #tpu.memory_space<hbm>>
    %dma_start3A_178 = tpu.memref_squeeze %dma_start3A_177 : memref<1x512xi32, #tpu.memory_space<hbm>> -> memref<512xi32, #tpu.memory_space<hbm>>
    tpu.enqueue_dma source(%arg8 : memref<512xi32, #tpu.memory_space<vmem>>) target(%dma_start3A_178 : memref<512xi32, #tpu.memory_space<hbm>>) target_semaphore(%arg9 : memref<!tpu.dma_semaphore, #tpu.memory_space<semaphore_mem>>)
    %mul3A_179 = arith.constant 512 : i32
    %mul3A_180 = arith.muli %add3A, %mul3A_179 : i32
    %dma_start3A_181 = arith.constant 7 : i32
    %dma_start3A_182 = arith.constant 0 : i32
    %dma_start3A_183 = tpu.memref_slice %arg3[%dma_start3A_181, %mul3A_180, %dma_start3A_182] : memref<8x16384x128xf32, #tpu.memory_space<hbm>> -> memref<1x512x128xf32, #tpu.memory_space<hbm>>
    %dma_start3A_184 = tpu.memref_squeeze %dma_start3A_183 : memref<1x512x128xf32, #tpu.memory_space<hbm>> -> memref<512x128xf32, #tpu.memory_space<hbm>>
    %dma_start3A_185 = arith.constant 0 : i32
    %dma_start3A_186 = tpu.memref_slice %arg3[%dma_start3A_181, %mul3A_180, %dma_start3A_185] : memref<8x16384x128xf32, #tpu.memory_space<hbm>> -> memref<1x512x128xf32, #tpu.memory_space<hbm>>
    %dma_start3A_187 = tpu.memref_squeeze %dma_start3A_186 : memref<1x512x128xf32, #tpu.memory_space<hbm>> -> memref<512x128xf32, #tpu.memory_space<hbm>>
    tpu.enqueue_dma source(%arg6 : memref<512x128xf32, #tpu.memory_space<vmem>>) target(%dma_start3A_187 : memref<512x128xf32, #tpu.memory_space<hbm>>) target_semaphore(%arg9 : memref<!tpu.dma_semaphore, #tpu.memory_space<semaphore_mem>>)
    %dma_start3A_188 = arith.constant 7 : i32
    %dma_start3A_189 = tpu.memref_slice %arg4[%dma_start3A_188, %mul3A_180] : memref<8x16384xi32, #tpu.memory_space<hbm>> -> memref<1x512xi32, #tpu.memory_space<hbm>>
    %dma_start3A_190 = tpu.memref_squeeze %dma_start3A_189 : memref<1x512xi32, #tpu.memory_space<hbm>> -> memref<512xi32, #tpu.memory_space<hbm>>
    %dma_start3A_191 = tpu.memref_slice %arg4[%dma_start3A_188, %mul3A_180] : memref<8x16384xi32, #tpu.memory_space<hbm>> -> memref<1x512xi32, #tpu.memory_space<hbm>>
    %dma_start3A_192 = tpu.memref_squeeze %dma_start3A_191 : memref<1x512xi32, #tpu.memory_space<hbm>> -> memref<512xi32, #tpu.memory_space<hbm>>
    tpu.enqueue_dma source(%arg7 : memref<512xi32, #tpu.memory_space<vmem>>) target(%dma_start3A_192 : memref<512xi32, #tpu.memory_space<hbm>>) target_semaphore(%arg9 : memref<!tpu.dma_semaphore, #tpu.memory_space<semaphore_mem>>)
    %dma_start3A_193 = arith.constant 7 : i32
    %dma_start3A_194 = tpu.memref_slice %arg5[%dma_start3A_193, %mul3A_180] : memref<8x16384xi32, #tpu.memory_space<hbm>> -> memref<1x512xi32, #tpu.memory_space<hbm>>
    %dma_start3A_195 = tpu.memref_squeeze %dma_start3A_194 : memref<1x512xi32, #tpu.memory_space<hbm>> -> memref<512xi32, #tpu.memory_space<hbm>>
    %dma_start3A_196 = tpu.memref_slice %arg5[%dma_start3A_193, %mul3A_180] : memref<8x16384xi32, #tpu.memory_space<hbm>> -> memref<1x512xi32, #tpu.memory_space<hbm>>
    %dma_start3A_197 = tpu.memref_squeeze %dma_start3A_196 : memref<1x512xi32, #tpu.memory_space<hbm>> -> memref<512xi32, #tpu.memory_space<hbm>>
    tpu.enqueue_dma source(%arg8 : memref<512xi32, #tpu.memory_space<vmem>>) target(%dma_start3A_197 : memref<512xi32, #tpu.memory_space<hbm>>) target_semaphore(%arg9 : memref<!tpu.dma_semaphore, #tpu.memory_space<semaphore_mem>>)
    %dma_wait3A = arith.constant 0 : i32
    %dma_wait3A_198 = arith.constant 0 : i32
    %dma_wait3A_199 = tpu.memref_slice %arg3[%dma_wait3A, %mul3A_48, %dma_wait3A_198] : memref<8x16384x128xf32, #tpu.memory_space<hbm>> -> memref<1x512x128xf32, #tpu.memory_space<hbm>>
    %dma_wait3A_200 = tpu.memref_squeeze %dma_wait3A_199 : memref<1x512x128xf32, #tpu.memory_space<hbm>> -> memref<512x128xf32, #tpu.memory_space<hbm>>
    %dma_wait3A_201 = arith.constant 0 : i32
    %dma_wait3A_202 = tpu.memref_slice %arg3[%dma_wait3A, %mul3A_48, %dma_wait3A_201] : memref<8x16384x128xf32, #tpu.memory_space<hbm>> -> memref<1x512x128xf32, #tpu.memory_space<hbm>>
    %dma_wait3A_203 = tpu.memref_squeeze %dma_wait3A_202 : memref<1x512x128xf32, #tpu.memory_space<hbm>> -> memref<512x128xf32, #tpu.memory_space<hbm>>
    tpu.wait_dma2 semaphore(%arg9 : memref<!tpu.dma_semaphore, #tpu.memory_space<semaphore_mem>>) src(%arg6 : memref<512x128xf32, #tpu.memory_space<vmem>>) dst(%dma_wait3A_203 : memref<512x128xf32, #tpu.memory_space<hbm>>)
    %dma_wait3A_204 = arith.constant 0 : i32
    %dma_wait3A_205 = tpu.memref_slice %arg4[%dma_wait3A_204, %mul3A_48] : memref<8x16384xi32, #tpu.memory_space<hbm>> -> memref<1x512xi32, #tpu.memory_space<hbm>>
    %dma_wait3A_206 = tpu.memref_squeeze %dma_wait3A_205 : memref<1x512xi32, #tpu.memory_space<hbm>> -> memref<512xi32, #tpu.memory_space<hbm>>
    %dma_wait3A_207 = tpu.memref_slice %arg4[%dma_wait3A_204, %mul3A_48] : memref<8x16384xi32, #tpu.memory_space<hbm>> -> memref<1x512xi32, #tpu.memory_space<hbm>>
    %dma_wait3A_208 = tpu.memref_squeeze %dma_wait3A_207 : memref<1x512xi32, #tpu.memory_space<hbm>> -> memref<512xi32, #tpu.memory_space<hbm>>
    tpu.wait_dma2 semaphore(%arg9 : memref<!tpu.dma_semaphore, #tpu.memory_space<semaphore_mem>>) src(%arg7 : memref<512xi32, #tpu.memory_space<vmem>>) dst(%dma_wait3A_208 : memref<512xi32, #tpu.memory_space<hbm>>)
    %dma_wait3A_209 = arith.constant 0 : i32
    %dma_wait3A_210 = tpu.memref_slice %arg5[%dma_wait3A_209, %mul3A_48] : memref<8x16384xi32, #tpu.memory_space<hbm>> -> memref<1x512xi32, #tpu.memory_space<hbm>>
    %dma_wait3A_211 = tpu.memref_squeeze %dma_wait3A_210 : memref<1x512xi32, #tpu.memory_space<hbm>> -> memref<512xi32, #tpu.memory_space<hbm>>
    %dma_wait3A_212 = tpu.memref_slice %arg5[%dma_wait3A_209, %mul3A_48] : memref<8x16384xi32, #tpu.memory_space<hbm>> -> memref<1x512xi32, #tpu.memory_space<hbm>>
    %dma_wait3A_213 = tpu.memref_squeeze %dma_wait3A_212 : memref<1x512xi32, #tpu.memory_space<hbm>> -> memref<512xi32, #tpu.memory_space<hbm>>
    tpu.wait_dma2 semaphore(%arg9 : memref<!tpu.dma_semaphore, #tpu.memory_space<semaphore_mem>>) src(%arg8 : memref<512xi32, #tpu.memory_space<vmem>>) dst(%dma_wait3A_213 : memref<512xi32, #tpu.memory_space<hbm>>)
    %dma_wait3A_214 = arith.constant 1 : i32
    %dma_wait3A_215 = arith.constant 0 : i32
    %dma_wait3A_216 = tpu.memref_slice %arg3[%dma_wait3A_214, %mul3A_66, %dma_wait3A_215] : memref<8x16384x128xf32, #tpu.memory_space<hbm>> -> memref<1x512x128xf32, #tpu.memory_space<hbm>>
    %dma_wait3A_217 = tpu.memref_squeeze %dma_wait3A_216 : memref<1x512x128xf32, #tpu.memory_space<hbm>> -> memref<512x128xf32, #tpu.memory_space<hbm>>
    %dma_wait3A_218 = arith.constant 0 : i32
    %dma_wait3A_219 = tpu.memref_slice %arg3[%dma_wait3A_214, %mul3A_66, %dma_wait3A_218] : memref<8x16384x128xf32, #tpu.memory_space<hbm>> -> memref<1x512x128xf32, #tpu.memory_space<hbm>>
    %dma_wait3A_220 = tpu.memref_squeeze %dma_wait3A_219 : memref<1x512x128xf32, #tpu.memory_space<hbm>> -> memref<512x128xf32, #tpu.memory_space<hbm>>
    tpu.wait_dma2 semaphore(%arg9 : memref<!tpu.dma_semaphore, #tpu.memory_space<semaphore_mem>>) src(%arg6 : memref<512x128xf32, #tpu.memory_space<vmem>>) dst(%dma_wait3A_220 : memref<512x128xf32, #tpu.memory_space<hbm>>)
    %dma_wait3A_221 = arith.constant 1 : i32
    %dma_wait3A_222 = tpu.memref_slice %arg4[%dma_wait3A_221, %mul3A_66] : memref<8x16384xi32, #tpu.memory_space<hbm>> -> memref<1x512xi32, #tpu.memory_space<hbm>>
    %dma_wait3A_223 = tpu.memref_squeeze %dma_wait3A_222 : memref<1x512xi32, #tpu.memory_space<hbm>> -> memref<512xi32, #tpu.memory_space<hbm>>
    %dma_wait3A_224 = tpu.memref_slice %arg4[%dma_wait3A_221, %mul3A_66] : memref<8x16384xi32, #tpu.memory_space<hbm>> -> memref<1x512xi32, #tpu.memory_space<hbm>>
    %dma_wait3A_225 = tpu.memref_squeeze %dma_wait3A_224 : memref<1x512xi32, #tpu.memory_space<hbm>> -> memref<512xi32, #tpu.memory_space<hbm>>
    tpu.wait_dma2 semaphore(%arg9 : memref<!tpu.dma_semaphore, #tpu.memory_space<semaphore_mem>>) src(%arg7 : memref<512xi32, #tpu.memory_space<vmem>>) dst(%dma_wait3A_225 : memref<512xi32, #tpu.memory_space<hbm>>)
    %dma_wait3A_226 = arith.constant 1 : i32
    %dma_wait3A_227 = tpu.memref_slice %arg5[%dma_wait3A_226, %mul3A_66] : memref<8x16384xi32, #tpu.memory_space<hbm>> -> memref<1x512xi32, #tpu.memory_space<hbm>>
    %dma_wait3A_228 = tpu.memref_squeeze %dma_wait3A_227 : memref<1x512xi32, #tpu.memory_space<hbm>> -> memref<512xi32, #tpu.memory_space<hbm>>
    %dma_wait3A_229 = tpu.memref_slice %arg5[%dma_wait3A_226, %mul3A_66] : memref<8x16384xi32, #tpu.memory_space<hbm>> -> memref<1x512xi32, #tpu.memory_space<hbm>>
    %dma_wait3A_230 = tpu.memref_squeeze %dma_wait3A_229 : memref<1x512xi32, #tpu.memory_space<hbm>> -> memref<512xi32, #tpu.memory_space<hbm>>
    tpu.wait_dma2 semaphore(%arg9 : memref<!tpu.dma_semaphore, #tpu.memory_space<semaphore_mem>>) src(%arg8 : memref<512xi32, #tpu.memory_space<vmem>>) dst(%dma_wait3A_230 : memref<512xi32, #tpu.memory_space<hbm>>)
    %dma_wait3A_231 = arith.constant 2 : i32
    %dma_wait3A_232 = arith.constant 0 : i32
    %dma_wait3A_233 = tpu.memref_slice %arg3[%dma_wait3A_231, %mul3A_85, %dma_wait3A_232] : memref<8x16384x128xf32, #tpu.memory_space<hbm>> -> memref<1x512x128xf32, #tpu.memory_space<hbm>>
    %dma_wait3A_234 = tpu.memref_squeeze %dma_wait3A_233 : memref<1x512x128xf32, #tpu.memory_space<hbm>> -> memref<512x128xf32, #tpu.memory_space<hbm>>
    %dma_wait3A_235 = arith.constant 0 : i32
    %dma_wait3A_236 = tpu.memref_slice %arg3[%dma_wait3A_231, %mul3A_85, %dma_wait3A_235] : memref<8x16384x128xf32, #tpu.memory_space<hbm>> -> memref<1x512x128xf32, #tpu.memory_space<hbm>>
    %dma_wait3A_237 = tpu.memref_squeeze %dma_wait3A_236 : memref<1x512x128xf32, #tpu.memory_space<hbm>> -> memref<512x128xf32, #tpu.memory_space<hbm>>
    tpu.wait_dma2 semaphore(%arg9 : memref<!tpu.dma_semaphore, #tpu.memory_space<semaphore_mem>>) src(%arg6 : memref<512x128xf32, #tpu.memory_space<vmem>>) dst(%dma_wait3A_237 : memref<512x128xf32, #tpu.memory_space<hbm>>)
    %dma_wait3A_238 = arith.constant 2 : i32
    %dma_wait3A_239 = tpu.memref_slice %arg4[%dma_wait3A_238, %mul3A_85] : memref<8x16384xi32, #tpu.memory_space<hbm>> -> memref<1x512xi32, #tpu.memory_space<hbm>>
    %dma_wait3A_240 = tpu.memref_squeeze %dma_wait3A_239 : memref<1x512xi32, #tpu.memory_space<hbm>> -> memref<512xi32, #tpu.memory_space<hbm>>
    %dma_wait3A_241 = tpu.memref_slice %arg4[%dma_wait3A_238, %mul3A_85] : memref<8x16384xi32, #tpu.memory_space<hbm>> -> memref<1x512xi32, #tpu.memory_space<hbm>>
    %dma_wait3A_242 = tpu.memref_squeeze %dma_wait3A_241 : memref<1x512xi32, #tpu.memory_space<hbm>> -> memref<512xi32, #tpu.memory_space<hbm>>
    tpu.wait_dma2 semaphore(%arg9 : memref<!tpu.dma_semaphore, #tpu.memory_space<semaphore_mem>>) src(%arg7 : memref<512xi32, #tpu.memory_space<vmem>>) dst(%dma_wait3A_242 : memref<512xi32, #tpu.memory_space<hbm>>)
    %dma_wait3A_243 = arith.constant 2 : i32
    %dma_wait3A_244 = tpu.memref_slice %arg5[%dma_wait3A_243, %mul3A_85] : memref<8x16384xi32, #tpu.memory_space<hbm>> -> memref<1x512xi32, #tpu.memory_space<hbm>>
    %dma_wait3A_245 = tpu.memref_squeeze %dma_wait3A_244 : memref<1x512xi32, #tpu.memory_space<hbm>> -> memref<512xi32, #tpu.memory_space<hbm>>
    %dma_wait3A_246 = tpu.memref_slice %arg5[%dma_wait3A_243, %mul3A_85] : memref<8x16384xi32, #tpu.memory_space<hbm>> -> memref<1x512xi32, #tpu.memory_space<hbm>>
    %dma_wait3A_247 = tpu.memref_squeeze %dma_wait3A_246 : memref<1x512xi32, #tpu.memory_space<hbm>> -> memref<512xi32, #tpu.memory_space<hbm>>
    tpu.wait_dma2 semaphore(%arg9 : memref<!tpu.dma_semaphore, #tpu.memory_space<semaphore_mem>>) src(%arg8 : memref<512xi32, #tpu.memory_space<vmem>>) dst(%dma_wait3A_247 : memref<512xi32, #tpu.memory_space<hbm>>)
    %dma_wait3A_248 = arith.constant 3 : i32
    %dma_wait3A_249 = arith.constant 0 : i32
    %dma_wait3A_250 = tpu.memref_slice %arg3[%dma_wait3A_248, %mul3A_104, %dma_wait3A_249] : memref<8x16384x128xf32, #tpu.memory_space<hbm>> -> memref<1x512x128xf32, #tpu.memory_space<hbm>>
    %dma_wait3A_251 = tpu.memref_squeeze %dma_wait3A_250 : memref<1x512x128xf32, #tpu.memory_space<hbm>> -> memref<512x128xf32, #tpu.memory_space<hbm>>
    %dma_wait3A_252 = arith.constant 0 : i32
    %dma_wait3A_253 = tpu.memref_slice %arg3[%dma_wait3A_248, %mul3A_104, %dma_wait3A_252] : memref<8x16384x128xf32, #tpu.memory_space<hbm>> -> memref<1x512x128xf32, #tpu.memory_space<hbm>>
    %dma_wait3A_254 = tpu.memref_squeeze %dma_wait3A_253 : memref<1x512x128xf32, #tpu.memory_space<hbm>> -> memref<512x128xf32, #tpu.memory_space<hbm>>
    tpu.wait_dma2 semaphore(%arg9 : memref<!tpu.dma_semaphore, #tpu.memory_space<semaphore_mem>>) src(%arg6 : memref<512x128xf32, #tpu.memory_space<vmem>>) dst(%dma_wait3A_254 : memref<512x128xf32, #tpu.memory_space<hbm>>)
    %dma_wait3A_255 = arith.constant 3 : i32
    %dma_wait3A_256 = tpu.memref_slice %arg4[%dma_wait3A_255, %mul3A_104] : memref<8x16384xi32, #tpu.memory_space<hbm>> -> memref<1x512xi32, #tpu.memory_space<hbm>>
    %dma_wait3A_257 = tpu.memref_squeeze %dma_wait3A_256 : memref<1x512xi32, #tpu.memory_space<hbm>> -> memref<512xi32, #tpu.memory_space<hbm>>
    %dma_wait3A_258 = tpu.memref_slice %arg4[%dma_wait3A_255, %mul3A_104] : memref<8x16384xi32, #tpu.memory_space<hbm>> -> memref<1x512xi32, #tpu.memory_space<hbm>>
    %dma_wait3A_259 = tpu.memref_squeeze %dma_wait3A_258 : memref<1x512xi32, #tpu.memory_space<hbm>> -> memref<512xi32, #tpu.memory_space<hbm>>
    tpu.wait_dma2 semaphore(%arg9 : memref<!tpu.dma_semaphore, #tpu.memory_space<semaphore_mem>>) src(%arg7 : memref<512xi32, #tpu.memory_space<vmem>>) dst(%dma_wait3A_259 : memref<512xi32, #tpu.memory_space<hbm>>)
    %dma_wait3A_260 = arith.constant 3 : i32
    %dma_wait3A_261 = tpu.memref_slice %arg5[%dma_wait3A_260, %mul3A_104] : memref<8x16384xi32, #tpu.memory_space<hbm>> -> memref<1x512xi32, #tpu.memory_space<hbm>>
    %dma_wait3A_262 = tpu.memref_squeeze %dma_wait3A_261 : memref<1x512xi32, #tpu.memory_space<hbm>> -> memref<512xi32, #tpu.memory_space<hbm>>
    %dma_wait3A_263 = tpu.memref_slice %arg5[%dma_wait3A_260, %mul3A_104] : memref<8x16384xi32, #tpu.memory_space<hbm>> -> memref<1x512xi32, #tpu.memory_space<hbm>>
    %dma_wait3A_264 = tpu.memref_squeeze %dma_wait3A_263 : memref<1x512xi32, #tpu.memory_space<hbm>> -> memref<512xi32, #tpu.memory_space<hbm>>
    tpu.wait_dma2 semaphore(%arg9 : memref<!tpu.dma_semaphore, #tpu.memory_space<semaphore_mem>>) src(%arg8 : memref<512xi32, #tpu.memory_space<vmem>>) dst(%dma_wait3A_264 : memref<512xi32, #tpu.memory_space<hbm>>)
    %dma_wait3A_265 = arith.constant 4 : i32
    %dma_wait3A_266 = arith.constant 0 : i32
    %dma_wait3A_267 = tpu.memref_slice %arg3[%dma_wait3A_265, %mul3A_123, %dma_wait3A_266] : memref<8x16384x128xf32, #tpu.memory_space<hbm>> -> memref<1x512x128xf32, #tpu.memory_space<hbm>>
    %dma_wait3A_268 = tpu.memref_squeeze %dma_wait3A_267 : memref<1x512x128xf32, #tpu.memory_space<hbm>> -> memref<512x128xf32, #tpu.memory_space<hbm>>
    %dma_wait3A_269 = arith.constant 0 : i32
    %dma_wait3A_270 = tpu.memref_slice %arg3[%dma_wait3A_265, %mul3A_123, %dma_wait3A_269] : memref<8x16384x128xf32, #tpu.memory_space<hbm>> -> memref<1x512x128xf32, #tpu.memory_space<hbm>>
    %dma_wait3A_271 = tpu.memref_squeeze %dma_wait3A_270 : memref<1x512x128xf32, #tpu.memory_space<hbm>> -> memref<512x128xf32, #tpu.memory_space<hbm>>
    tpu.wait_dma2 semaphore(%arg9 : memref<!tpu.dma_semaphore, #tpu.memory_space<semaphore_mem>>) src(%arg6 : memref<512x128xf32, #tpu.memory_space<vmem>>) dst(%dma_wait3A_271 : memref<512x128xf32, #tpu.memory_space<hbm>>)
    %dma_wait3A_272 = arith.constant 4 : i32
    %dma_wait3A_273 = tpu.memref_slice %arg4[%dma_wait3A_272, %mul3A_123] : memref<8x16384xi32, #tpu.memory_space<hbm>> -> memref<1x512xi32, #tpu.memory_space<hbm>>
    %dma_wait3A_274 = tpu.memref_squeeze %dma_wait3A_273 : memref<1x512xi32, #tpu.memory_space<hbm>> -> memref<512xi32, #tpu.memory_space<hbm>>
    %dma_wait3A_275 = tpu.memref_slice %arg4[%dma_wait3A_272, %mul3A_123] : memref<8x16384xi32, #tpu.memory_space<hbm>> -> memref<1x512xi32, #tpu.memory_space<hbm>>
    %dma_wait3A_276 = tpu.memref_squeeze %dma_wait3A_275 : memref<1x512xi32, #tpu.memory_space<hbm>> -> memref<512xi32, #tpu.memory_space<hbm>>
    tpu.wait_dma2 semaphore(%arg9 : memref<!tpu.dma_semaphore, #tpu.memory_space<semaphore_mem>>) src(%arg7 : memref<512xi32, #tpu.memory_space<vmem>>) dst(%dma_wait3A_276 : memref<512xi32, #tpu.memory_space<hbm>>)
    %dma_wait3A_277 = arith.constant 4 : i32
    %dma_wait3A_278 = tpu.memref_slice %arg5[%dma_wait3A_277, %mul3A_123] : memref<8x16384xi32, #tpu.memory_space<hbm>> -> memref<1x512xi32, #tpu.memory_space<hbm>>
    %dma_wait3A_279 = tpu.memref_squeeze %dma_wait3A_278 : memref<1x512xi32, #tpu.memory_space<hbm>> -> memref<512xi32, #tpu.memory_space<hbm>>
    %dma_wait3A_280 = tpu.memref_slice %arg5[%dma_wait3A_277, %mul3A_123] : memref<8x16384xi32, #tpu.memory_space<hbm>> -> memref<1x512xi32, #tpu.memory_space<hbm>>
    %dma_wait3A_281 = tpu.memref_squeeze %dma_wait3A_280 : memref<1x512xi32, #tpu.memory_space<hbm>> -> memref<512xi32, #tpu.memory_space<hbm>>
    tpu.wait_dma2 semaphore(%arg9 : memref<!tpu.dma_semaphore, #tpu.memory_space<semaphore_mem>>) src(%arg8 : memref<512xi32, #tpu.memory_space<vmem>>) dst(%dma_wait3A_281 : memref<512xi32, #tpu.memory_space<hbm>>)
    %dma_wait3A_282 = arith.constant 5 : i32
    %dma_wait3A_283 = arith.constant 0 : i32
    %dma_wait3A_284 = tpu.memref_slice %arg3[%dma_wait3A_282, %mul3A_142, %dma_wait3A_283] : memref<8x16384x128xf32, #tpu.memory_space<hbm>> -> memref<1x512x128xf32, #tpu.memory_space<hbm>>
    %dma_wait3A_285 = tpu.memref_squeeze %dma_wait3A_284 : memref<1x512x128xf32, #tpu.memory_space<hbm>> -> memref<512x128xf32, #tpu.memory_space<hbm>>
    %dma_wait3A_286 = arith.constant 0 : i32
    %dma_wait3A_287 = tpu.memref_slice %arg3[%dma_wait3A_282, %mul3A_142, %dma_wait3A_286] : memref<8x16384x128xf32, #tpu.memory_space<hbm>> -> memref<1x512x128xf32, #tpu.memory_space<hbm>>
    %dma_wait3A_288 = tpu.memref_squeeze %dma_wait3A_287 : memref<1x512x128xf32, #tpu.memory_space<hbm>> -> memref<512x128xf32, #tpu.memory_space<hbm>>
    tpu.wait_dma2 semaphore(%arg9 : memref<!tpu.dma_semaphore, #tpu.memory_space<semaphore_mem>>) src(%arg6 : memref<512x128xf32, #tpu.memory_space<vmem>>) dst(%dma_wait3A_288 : memref<512x128xf32, #tpu.memory_space<hbm>>)
    %dma_wait3A_289 = arith.constant 5 : i32
    %dma_wait3A_290 = tpu.memref_slice %arg4[%dma_wait3A_289, %mul3A_142] : memref<8x16384xi32, #tpu.memory_space<hbm>> -> memref<1x512xi32, #tpu.memory_space<hbm>>
    %dma_wait3A_291 = tpu.memref_squeeze %dma_wait3A_290 : memref<1x512xi32, #tpu.memory_space<hbm>> -> memref<512xi32, #tpu.memory_space<hbm>>
    %dma_wait3A_292 = tpu.memref_slice %arg4[%dma_wait3A_289, %mul3A_142] : memref<8x16384xi32, #tpu.memory_space<hbm>> -> memref<1x512xi32, #tpu.memory_space<hbm>>
    %dma_wait3A_293 = tpu.memref_squeeze %dma_wait3A_292 : memref<1x512xi32, #tpu.memory_space<hbm>> -> memref<512xi32, #tpu.memory_space<hbm>>
    tpu.wait_dma2 semaphore(%arg9 : memref<!tpu.dma_semaphore, #tpu.memory_space<semaphore_mem>>) src(%arg7 : memref<512xi32, #tpu.memory_space<vmem>>) dst(%dma_wait3A_293 : memref<512xi32, #tpu.memory_space<hbm>>)
    %dma_wait3A_294 = arith.constant 5 : i32
    %dma_wait3A_295 = tpu.memref_slice %arg5[%dma_wait3A_294, %mul3A_142] : memref<8x16384xi32, #tpu.memory_space<hbm>> -> memref<1x512xi32, #tpu.memory_space<hbm>>
    %dma_wait3A_296 = tpu.memref_squeeze %dma_wait3A_295 : memref<1x512xi32, #tpu.memory_space<hbm>> -> memref<512xi32, #tpu.memory_space<hbm>>
    %dma_wait3A_297 = tpu.memref_slice %arg5[%dma_wait3A_294, %mul3A_142] : memref<8x16384xi32, #tpu.memory_space<hbm>> -> memref<1x512xi32, #tpu.memory_space<hbm>>
    %dma_wait3A_298 = tpu.memref_squeeze %dma_wait3A_297 : memref<1x512xi32, #tpu.memory_space<hbm>> -> memref<512xi32, #tpu.memory_space<hbm>>
    tpu.wait_dma2 semaphore(%arg9 : memref<!tpu.dma_semaphore, #tpu.memory_space<semaphore_mem>>) src(%arg8 : memref<512xi32, #tpu.memory_space<vmem>>) dst(%dma_wait3A_298 : memref<512xi32, #tpu.memory_space<hbm>>)
    %dma_wait3A_299 = arith.constant 6 : i32
    %dma_wait3A_300 = arith.constant 0 : i32
    %dma_wait3A_301 = tpu.memref_slice %arg3[%dma_wait3A_299, %mul3A_161, %dma_wait3A_300] : memref<8x16384x128xf32, #tpu.memory_space<hbm>> -> memref<1x512x128xf32, #tpu.memory_space<hbm>>
    %dma_wait3A_302 = tpu.memref_squeeze %dma_wait3A_301 : memref<1x512x128xf32, #tpu.memory_space<hbm>> -> memref<512x128xf32, #tpu.memory_space<hbm>>
    %dma_wait3A_303 = arith.constant 0 : i32
    %dma_wait3A_304 = tpu.memref_slice %arg3[%dma_wait3A_299, %mul3A_161, %dma_wait3A_303] : memref<8x16384x128xf32, #tpu.memory_space<hbm>> -> memref<1x512x128xf32, #tpu.memory_space<hbm>>
    %dma_wait3A_305 = tpu.memref_squeeze %dma_wait3A_304 : memref<1x512x128xf32, #tpu.memory_space<hbm>> -> memref<512x128xf32, #tpu.memory_space<hbm>>
    tpu.wait_dma2 semaphore(%arg9 : memref<!tpu.dma_semaphore, #tpu.memory_space<semaphore_mem>>) src(%arg6 : memref<512x128xf32, #tpu.memory_space<vmem>>) dst(%dma_wait3A_305 : memref<512x128xf32, #tpu.memory_space<hbm>>)
    %dma_wait3A_306 = arith.constant 6 : i32
    %dma_wait3A_307 = tpu.memref_slice %arg4[%dma_wait3A_306, %mul3A_161] : memref<8x16384xi32, #tpu.memory_space<hbm>> -> memref<1x512xi32, #tpu.memory_space<hbm>>
    %dma_wait3A_308 = tpu.memref_squeeze %dma_wait3A_307 : memref<1x512xi32, #tpu.memory_space<hbm>> -> memref<512xi32, #tpu.memory_space<hbm>>
    %dma_wait3A_309 = tpu.memref_slice %arg4[%dma_wait3A_306, %mul3A_161] : memref<8x16384xi32, #tpu.memory_space<hbm>> -> memref<1x512xi32, #tpu.memory_space<hbm>>
    %dma_wait3A_310 = tpu.memref_squeeze %dma_wait3A_309 : memref<1x512xi32, #tpu.memory_space<hbm>> -> memref<512xi32, #tpu.memory_space<hbm>>
    tpu.wait_dma2 semaphore(%arg9 : memref<!tpu.dma_semaphore, #tpu.memory_space<semaphore_mem>>) src(%arg7 : memref<512xi32, #tpu.memory_space<vmem>>) dst(%dma_wait3A_310 : memref<512xi32, #tpu.memory_space<hbm>>)
    %dma_wait3A_311 = arith.constant 6 : i32
    %dma_wait3A_312 = tpu.memref_slice %arg5[%dma_wait3A_311, %mul3A_161] : memref<8x16384xi32, #tpu.memory_space<hbm>> -> memref<1x512xi32, #tpu.memory_space<hbm>>
    %dma_wait3A_313 = tpu.memref_squeeze %dma_wait3A_312 : memref<1x512xi32, #tpu.memory_space<hbm>> -> memref<512xi32, #tpu.memory_space<hbm>>
    %dma_wait3A_314 = tpu.memref_slice %arg5[%dma_wait3A_311, %mul3A_161] : memref<8x16384xi32, #tpu.memory_space<hbm>> -> memref<1x512xi32, #tpu.memory_space<hbm>>
    %dma_wait3A_315 = tpu.memref_squeeze %dma_wait3A_314 : memref<1x512xi32, #tpu.memory_space<hbm>> -> memref<512xi32, #tpu.memory_space<hbm>>
    tpu.wait_dma2 semaphore(%arg9 : memref<!tpu.dma_semaphore, #tpu.memory_space<semaphore_mem>>) src(%arg8 : memref<512xi32, #tpu.memory_space<vmem>>) dst(%dma_wait3A_315 : memref<512xi32, #tpu.memory_space<hbm>>)
    %dma_wait3A_316 = arith.constant 7 : i32
    %dma_wait3A_317 = arith.constant 0 : i32
    %dma_wait3A_318 = tpu.memref_slice %arg3[%dma_wait3A_316, %mul3A_180, %dma_wait3A_317] : memref<8x16384x128xf32, #tpu.memory_space<hbm>> -> memref<1x512x128xf32, #tpu.memory_space<hbm>>
    %dma_wait3A_319 = tpu.memref_squeeze %dma_wait3A_318 : memref<1x512x128xf32, #tpu.memory_space<hbm>> -> memref<512x128xf32, #tpu.memory_space<hbm>>
    %dma_wait3A_320 = arith.constant 0 : i32
    %dma_wait3A_321 = tpu.memref_slice %arg3[%dma_wait3A_316, %mul3A_180, %dma_wait3A_320] : memref<8x16384x128xf32, #tpu.memory_space<hbm>> -> memref<1x512x128xf32, #tpu.memory_space<hbm>>
    %dma_wait3A_322 = tpu.memref_squeeze %dma_wait3A_321 : memref<1x512x128xf32, #tpu.memory_space<hbm>> -> memref<512x128xf32, #tpu.memory_space<hbm>>
    tpu.wait_dma2 semaphore(%arg9 : memref<!tpu.dma_semaphore, #tpu.memory_space<semaphore_mem>>) src(%arg6 : memref<512x128xf32, #tpu.memory_space<vmem>>) dst(%dma_wait3A_322 : memref<512x128xf32, #tpu.memory_space<hbm>>)
    %dma_wait3A_323 = arith.constant 7 : i32
    %dma_wait3A_324 = tpu.memref_slice %arg4[%dma_wait3A_323, %mul3A_180] : memref<8x16384xi32, #tpu.memory_space<hbm>> -> memref<1x512xi32, #tpu.memory_space<hbm>>
    %dma_wait3A_325 = tpu.memref_squeeze %dma_wait3A_324 : memref<1x512xi32, #tpu.memory_space<hbm>> -> memref<512xi32, #tpu.memory_space<hbm>>
    %dma_wait3A_326 = tpu.memref_slice %arg4[%dma_wait3A_323, %mul3A_180] : memref<8x16384xi32, #tpu.memory_space<hbm>> -> memref<1x512xi32, #tpu.memory_space<hbm>>
    %dma_wait3A_327 = tpu.memref_squeeze %dma_wait3A_326 : memref<1x512xi32, #tpu.memory_space<hbm>> -> memref<512xi32, #tpu.memory_space<hbm>>
    tpu.wait_dma2 semaphore(%arg9 : memref<!tpu.dma_semaphore, #tpu.memory_space<semaphore_mem>>) src(%arg7 : memref<512xi32, #tpu.memory_space<vmem>>) dst(%dma_wait3A_327 : memref<512xi32, #tpu.memory_space<hbm>>)
    %dma_wait3A_328 = arith.constant 7 : i32
    %dma_wait3A_329 = tpu.memref_slice %arg5[%dma_wait3A_328, %mul3A_180] : memref<8x16384xi32, #tpu.memory_space<hbm>> -> memref<1x512xi32, #tpu.memory_space<hbm>>
    %dma_wait3A_330 = tpu.memref_squeeze %dma_wait3A_329 : memref<1x512xi32, #tpu.memory_space<hbm>> -> memref<512xi32, #tpu.memory_space<hbm>>
    %dma_wait3A_331 = tpu.memref_slice %arg5[%dma_wait3A_328, %mul3A_180] : memref<8x16384xi32, #tpu.memory_space<hbm>> -> memref<1x512xi32, #tpu.memory_space<hbm>>
    %dma_wait3A_332 = tpu.memref_squeeze %dma_wait3A_331 : memref<1x512xi32, #tpu.memory_space<hbm>> -> memref<512xi32, #tpu.memory_space<hbm>>
    tpu.wait_dma2 semaphore(%arg9 : memref<!tpu.dma_semaphore, #tpu.memory_space<semaphore_mem>>) src(%arg8 : memref<512xi32, #tpu.memory_space<vmem>>) dst(%dma_wait3A_332 : memref<512xi32, #tpu.memory_space<hbm>>)
    return
  }
}

module attributes {stable_mosaic.version = 14 : i64} {
  func.func @_tc_body(%arg0: i32, %arg1: memref<1x512x32xf32, #tpu.memory_space<vmem>>, %arg2: memref<1x512x6xf32, #tpu.memory_space<vmem>>, %arg3: memref<512x128xf32, #tpu.memory_space<vmem>>, %arg4: memref<2x128xf32, #tpu.memory_space<vmem>>, %arg5: memref<6x6xf32, #tpu.memory_space<vmem>>, %arg6: memref<6x6xf32, #tpu.memory_space<vmem>>, %arg7: memref<128x37xf32, #tpu.memory_space<vmem>>, %arg8: memref<1x128xf32, #tpu.memory_space<vmem>>, %arg9: memref<1x16384x128xf32, #tpu.memory_space<vmem>>, %arg10: memref<512x128xf32, #tpu.memory_space<vmem>>, %arg11: memref<512x64xf32, #tpu.memory_space<vmem>>, %arg12: memref<6x36xf32, #tpu.memory_space<vmem>>, %arg13: memref<1x36xf32, #tpu.memory_space<vmem>>, %arg14: memref<37x128xf32, #tpu.memory_space<vmem>>) attributes {dimension_semantics = [#tpu.dimension_semantics<arbitrary>], iteration_bounds = array<i64: 8>, scalar_prefetch = 0 : i64, scratch_operands = 5 : i64, tpu.core_type = #tpu.core_type<tc>, window_params = [{transform_indices = @transform_0, window_bounds = array<i64: 1, 512, 32>}, {transform_indices = @transform_1, window_bounds = array<i64: 1, 512, 6>}, {pipeline_mode = #tpu.pipeline_mode<synchronous>, transform_indices = @transform_2, window_bounds = array<i64: 512, 128>}, {pipeline_mode = #tpu.pipeline_mode<synchronous>, transform_indices = @transform_3, window_bounds = array<i64: 2, 128>}, {pipeline_mode = #tpu.pipeline_mode<synchronous>, transform_indices = @transform_4, window_bounds = array<i64: 6, 6>}, {pipeline_mode = #tpu.pipeline_mode<synchronous>, transform_indices = @transform_5, window_bounds = array<i64: 6, 6>}, {pipeline_mode = #tpu.pipeline_mode<synchronous>, transform_indices = @transform_6, window_bounds = array<i64: 128, 37>}, {pipeline_mode = #tpu.pipeline_mode<synchronous>, transform_indices = @transform_7, window_bounds = array<i64: 1, 128>}, {transform_indices = @transform_8, window_bounds = array<i64: 1, 16384, 128>}]} {
    %eq3A = arith.constant 0 : i32
    %eq3A_0 = arith.cmpi eq, %arg0, %eq3A : i32
    %convert_element_type3A = arith.extui %eq3A_0 : i1 to i32
    %cond3A = arith.constant 0 : i32
    %cond3A_1 = arith.cmpi ne, %convert_element_type3A, %cond3A : i32
    scf.if %cond3A_1 {
      %iota3A_956 = tpu.iota {dimensions = array<i32: 1>} : vector<6x36xi32>
      %iota3A_957 = tpu.iota {dimensions = array<i32: 0>} : vector<6x36xi32>
      %jit3A_958 = arith.constant 6 : i32
      %div3A = vector.broadcast %jit3A_958 : i32 to vector<6x36xi32>
      %div3A_959 = arith.divsi %iota3A_956, %div3A : vector<6x36xi32>
      %sign3A = arith.constant 0 : i32
      %sign3A_960 = vector.broadcast %sign3A : i32 to vector<6x36xi32>
      %sign3A_961 = arith.cmpi sgt, %iota3A_956, %sign3A_960 : vector<6x36xi32>
      %sign3A_962 = arith.extui %sign3A_961 : vector<6x36xi1> to vector<6x36xi32>
      %sign3A_963 = arith.constant 0 : i32
      %sign3A_964 = vector.broadcast %sign3A_963 : i32 to vector<6x36xi32>
      %sign3A_965 = arith.cmpi slt, %iota3A_956, %sign3A_964 : vector<6x36xi32>
      %sign3A_966 = arith.extui %sign3A_965 : vector<6x36xi1> to vector<6x36xi32>
      %sign3A_967 = arith.subi %sign3A_962, %sign3A_966 : vector<6x36xi32>
      %sign3A_968 = arith.constant 0 : i32
      %sign3A_969 = arith.cmpi sgt, %jit3A_958, %sign3A_968 : i32
      %sign3A_970 = arith.extui %sign3A_969 : i1 to i32
      %sign3A_971 = arith.constant 0 : i32
      %sign3A_972 = arith.cmpi slt, %jit3A_958, %sign3A_971 : i32
      %sign3A_973 = arith.extui %sign3A_972 : i1 to i32
      %sign3A_974 = arith.subi %sign3A_970, %sign3A_973 : i32
      %ne3A_975 = vector.broadcast %sign3A_974 : i32 to vector<6x36xi32>
      %ne3A_976 = arith.cmpi ne, %sign3A_967, %ne3A_975 : vector<6x36xi32>
      %rem3A_977 = vector.broadcast %jit3A_958 : i32 to vector<6x36xi32>
      %rem3A_978 = arith.remsi %iota3A_956, %rem3A_977 : vector<6x36xi32>
      %ne3A_979 = arith.constant 0 : i32
      %ne3A_980 = vector.broadcast %ne3A_979 : i32 to vector<6x36xi32>
      %ne3A_981 = arith.cmpi ne, %rem3A_978, %ne3A_980 : vector<6x36xi32>
      %and3A_982 = arith.andi %ne3A_976, %ne3A_981 : vector<6x36xi1>
      %sub3A_983 = arith.constant 1 : i32
      %sub3A_984 = vector.broadcast %sub3A_983 : i32 to vector<6x36xi32>
      %sub3A_985 = arith.subi %div3A_959, %sub3A_984 : vector<6x36xi32>
      %select_n3A_986 = arith.select %and3A_982, %sub3A_985, %div3A_959 : vector<6x36xi1>, vector<6x36xi32>
      %eq3A_987 = arith.cmpi eq, %select_n3A_986, %iota3A_957 : vector<6x36xi32>
      %convert_element_type3A_988 = arith.extui %eq3A_987 : vector<6x36xi1> to vector<6x36xi32>
      %convert_element_type3A_989 = arith.sitofp %convert_element_type3A_988 : vector<6x36xi32> to vector<6x36xf32>
      %get3A_990 = arith.constant 0 : index
      %get3A_991 = arith.constant 0 : index
      %get3A_992 = vector.load %arg5[%get3A_990, %get3A_991] : memref<6x6xf32, #tpu.memory_space<vmem>>, vector<6x6xf32>
      %concatenate3A = tpu.concatenate %get3A_992, %get3A_992, %get3A_992, %get3A_992, %get3A_992, %get3A_992 in 1 : vector<6x6xf32>, vector<6x6xf32>, vector<6x6xf32>, vector<6x6xf32>, vector<6x6xf32>, vector<6x6xf32> -> vector<6x36xf32>
      %get3A_993 = arith.constant 0 : index
      %get3A_994 = arith.constant 0 : index
      %get3A_995 = vector.load %arg6[%get3A_993, %get3A_994] : memref<6x6xf32, #tpu.memory_space<vmem>>, vector<6x6xf32>
      %concatenate3A_996 = tpu.concatenate %get3A_995, %get3A_995, %get3A_995, %get3A_995, %get3A_995, %get3A_995 in 1 : vector<6x6xf32>, vector<6x6xf32>, vector<6x6xf32>, vector<6x6xf32>, vector<6x6xf32>, vector<6x6xf32> -> vector<6x36xf32>
      %mul3A = arith.mulf %convert_element_type3A_989, %concatenate3A : vector<6x36xf32>
      %swap3A_997 = arith.constant 0 : index
      %swap3A_998 = arith.constant 0 : index
      %swap3A_999 = vector.load %arg12[%swap3A_997, %swap3A_998] : memref<6x36xf32, #tpu.memory_space<vmem>>, vector<6x36xf32>
      tpu.vector_store %arg12[%swap3A_997, %swap3A_998], %mul3A {strides = array<i32>} : memref<6x36xf32, #tpu.memory_space<vmem>>, vector<6x36xf32>,
      %mul3A_1000 = arith.mulf %convert_element_type3A_989, %concatenate3A_996 : vector<6x36xf32>
      %reduce_sum3A = arith.constant dense<0.000000e+00> : vector<36xf32>
      %reduce_sum3A_1001 = vector.multi_reduction <add>, %mul3A_1000, %reduce_sum3A [0] : vector<6x36xf32> to vector<36xf32>
      %broadcast_in_dim3A_1002 = vector.shape_cast %reduce_sum3A_1001 : vector<36xf32> to vector<1x36xf32>
      %swap3A_1003 = arith.constant 0 : index
      %swap3A_1004 = arith.constant 0 : index
      %swap3A_1005 = vector.load %arg13[%swap3A_1003, %swap3A_1004] : memref<1x36xf32, #tpu.memory_space<vmem>>, vector<1x36xf32>
      tpu.vector_store %arg13[%swap3A_1003, %swap3A_1004], %broadcast_in_dim3A_1002 {strides = array<i32>} : memref<1x36xf32, #tpu.memory_space<vmem>>, vector<1x36xf32>,
      %iota3A_1006 = tpu.iota {dimensions = array<i32: 0>} : vector<128x128xi32>
      %iota3A_1007 = tpu.iota {dimensions = array<i32: 1>} : vector<128x128xi32>
      %eq3A_1008 = arith.cmpi eq, %iota3A_1006, %iota3A_1007 : vector<128x128xi32>
      %convert_element_type3A_1009 = arith.extui %eq3A_1008 : vector<128x128xi1> to vector<128x128xi32>
      %convert_element_type3A_1010 = arith.sitofp %convert_element_type3A_1009 : vector<128x128xi32> to vector<128x128xf32>
      %get3A_1011 = arith.constant 0 : index
      %get3A_1012 = arith.constant 0 : index
      %get3A_1013 = vector.load %arg7[%get3A_1011, %get3A_1012] : memref<128x37xf32, #tpu.memory_space<vmem>>, vector<128x37xf32>
      %dot_general3A_1014 = arith.constant dense<0.000000e+00> : vector<37x128xf32>
      %dot_general3A_1015 = tpu.matmul %get3A_1013, %convert_element_type3A_1010, %dot_general3A_1014 {dimension_numbers = #tpu.dot_dimension_numbers<[0], [0], [1], [1], [0, 1, 1, 1], [], []>, transpose_lhs_hint = false} : vector<128x37xf32>, vector<128x128xf32>, vector<37x128xf32> -> vector<37x128xf32>
      %swap3A_1016 = arith.constant 0 : index
      %swap3A_1017 = arith.constant 0 : index
      %swap3A_1018 = vector.load %arg14[%swap3A_1016, %swap3A_1017] : memref<37x128xf32, #tpu.memory_space<vmem>>, vector<37x128xf32>
      tpu.vector_store %arg14[%swap3A_1016, %swap3A_1017], %dot_general3A_1015 {strides = array<i32>} : memref<37x128xf32, #tpu.memory_space<vmem>>, vector<37x128xf32>,
    } else {
    }
    %get3A = arith.constant 0 : index
    %get3A_2 = arith.constant 0 : index
    %get3A_3 = arith.constant 0 : index
    %get3A_4 = vector.load %arg2[%get3A, %get3A_2, %get3A_3] : memref<1x512x6xf32, #tpu.memory_space<vmem>>, vector<1x512x6xf32>
    %get3A_5 = vector.shape_cast %get3A_4 : vector<1x512x6xf32> to vector<512x6xf32>
    %ne3A = arith.cmpf one, %get3A_5, %get3A_5 : vector<512x6xf32>
    %jit3A = arith.constant 0.000000e+00 : f32
    %broadcast_in_dim3A = vector.broadcast %jit3A : f32 to vector<512x6xf32>
    %select_n3A = arith.select %ne3A, %broadcast_in_dim3A, %get3A_5 : vector<512x6xi1>, vector<512x6xf32>
    %get3A_6 = arith.constant 0 : index
    %get3A_7 = arith.constant 0 : index
    %get3A_8 = vector.load %arg12[%get3A_6, %get3A_7] : memref<6x36xf32, #tpu.memory_space<vmem>>, vector<6x36xf32>
    %dot_general3A = arith.constant dense<0.000000e+00> : vector<512x36xf32>
    %dot_general3A_9 = tpu.matmul %select_n3A, %get3A_8, %dot_general3A {dimension_numbers = #tpu.dot_dimension_numbers<[1], [0], [0], [1], [0, 0, 1, 1], [], []>, transpose_lhs_hint = false} : vector<512x6xf32>, vector<6x36xf32>, vector<512x36xf32> -> vector<512x36xf32>
    %get3A_10 = arith.constant 0 : index
    %get3A_11 = arith.constant 0 : index
    %get3A_12 = vector.load %arg13[%get3A_10, %get3A_11] : memref<1x36xf32, #tpu.memory_space<vmem>>, vector<1x36xf32>
    %add3A = vector.broadcast %get3A_12 : vector<1x36xf32> to vector<512x36xf32>
    %add3A_13 = arith.addf %dot_general3A_9, %add3A : vector<512x36xf32>
    %iota3A = tpu.iota {dimensions = array<i32: 1>} : vector<1x36xi32>
    %jit3A_14 = arith.constant 6 : i32
    %eq3A_15 = arith.constant 0 : i32
    %eq3A_16 = arith.cmpi eq, %jit3A_14, %eq3A_15 : i32
    %jit3A_17 = arith.constant 1 : i32
    %select_n3A_18 = arith.select %eq3A_16, %jit3A_17, %jit3A_14 : i32
    %rem3A = vector.broadcast %select_n3A_18 : i32 to vector<1x36xi32>
    %rem3A_19 = arith.remsi %iota3A, %rem3A : vector<1x36xi32>
    %ne3A_20 = arith.constant 0 : i32
    %ne3A_21 = vector.broadcast %ne3A_20 : i32 to vector<1x36xi32>
    %ne3A_22 = arith.cmpi ne, %rem3A_19, %ne3A_21 : vector<1x36xi32>
    %lt3A = arith.constant 0 : i32
    %lt3A_23 = vector.broadcast %lt3A : i32 to vector<1x36xi32>
    %lt3A_24 = arith.cmpi slt, %rem3A_19, %lt3A_23 : vector<1x36xi32>
    %lt3A_25 = arith.constant 0 : i32
    %lt3A_26 = arith.cmpi slt, %select_n3A_18, %lt3A_25 : i32
    %ne3A_27 = vector.broadcast %lt3A_26 : i1 to vector<1x36xi1>
    %ne3A_28 = vector.broadcast %ne3A_27 : vector<1x36xi1> to vector<1x36xi1>
    %ne3A_29 = arith.xori %lt3A_24, %ne3A_28 : vector<1x36xi1>
    %and3A = arith.andi %ne3A_29, %ne3A_22 : vector<1x36xi1>
    %add3A_30 = vector.broadcast %select_n3A_18 : i32 to vector<1x36xi32>
    %add3A_31 = arith.addi %rem3A_19, %add3A_30 : vector<1x36xi32>
    %select_n3A_32 = arith.select %and3A, %add3A_31, %rem3A_19 : vector<1x36xi1>, vector<1x36xi32>
    %gt3A = arith.constant 0 : i32
    %gt3A_33 = vector.broadcast %gt3A : i32 to vector<1x36xi32>
    %gt3A_34 = arith.cmpi sgt, %select_n3A_32, %gt3A_33 : vector<1x36xi32>
    %sin3A = math.sin %add3A_13 : vector<512x36xf32>
    %broadcast_in_dim3A_35 = vector.shape_cast %gt3A_34 : vector<1x36xi1> to vector<1x36xi1>
    %broadcast_in_dim3A_36 = vector.broadcast %broadcast_in_dim3A_35 : vector<1x36xi1> to vector<512x36xi1>
    %select_n3A_37 = arith.select %broadcast_in_dim3A_36, %sin3A, %add3A_13 : vector<512x36xi1>, vector<512x36xf32>
    %get3A_38 = arith.constant 0 : index
    %get3A_39 = arith.constant 0 : index
    %get3A_40 = vector.load %arg14[%get3A_38, %get3A_39] : memref<37x128xf32, #tpu.memory_space<vmem>>, vector<36x128xf32>
    %dot_general3A_41 = arith.constant dense<0.000000e+00> : vector<512x128xf32>
    %dot_general3A_42 = tpu.matmul %select_n3A_37, %get3A_40, %dot_general3A_41 {dimension_numbers = #tpu.dot_dimension_numbers<[1], [0], [0], [1], [0, 0, 1, 1], [], []>, transpose_lhs_hint = false} : vector<512x36xf32>, vector<36x128xf32>, vector<512x128xf32> -> vector<512x128xf32>
    %get3A_43 = arith.constant 0 : index
    %get3A_44 = arith.constant 0 : index
    %get3A_45 = vector.load %arg3[%get3A_43, %get3A_44] : memref<512x128xf32, #tpu.memory_space<vmem>>, vector<512x128xf32>
    %add3A_46 = arith.addf %dot_general3A_42, %get3A_45 : vector<512x128xf32>
    %get3A_47 = arith.constant 0 : index
    %get3A_48 = arith.constant 0 : index
    %get3A_49 = vector.load %arg8[%get3A_47, %get3A_48] : memref<1x128xf32, #tpu.memory_space<vmem>>, vector<1x128xf32>
    %add3A_50 = vector.broadcast %get3A_49 : vector<1x128xf32> to vector<512x128xf32>
    %add3A_51 = arith.addf %add3A_46, %add3A_50 : vector<512x128xf32>
    %get3A_52 = arith.constant 1 : index
    %get3A_53 = arith.constant 0 : index
    %get3A_54 = vector.load %arg4[%get3A_52, %get3A_53] : memref<2x128xf32, #tpu.memory_space<vmem>>, vector<1x128xf32>
    %add3A_55 = vector.broadcast %get3A_54 : vector<1x128xf32> to vector<512x128xf32>
    %add3A_56 = arith.addf %add3A_51, %add3A_55 : vector<512x128xf32>
    %swap3A = arith.constant 0 : index
    %swap3A_57 = arith.constant 0 : index
    %swap3A_58 = vector.load %arg10[%swap3A, %swap3A_57] : memref<512x128xf32, #tpu.memory_space<vmem>>, vector<512x128xf32>
    tpu.vector_store %arg10[%swap3A, %swap3A_57], %add3A_56 {strides = array<i32>} : memref<512x128xf32, #tpu.memory_space<vmem>>, vector<512x128xf32>,
    %get3A_59 = arith.constant 0 : index
    %get3A_60 = arith.constant 0 : index
    %get3A_61 = arith.constant 0 : index
    %get3A_62 = vector.load %arg1[%get3A_59, %get3A_60, %get3A_61] : memref<1x512x32xf32, #tpu.memory_space<vmem>>, vector<1x512x32xf32>
    %get3A_63 = vector.shape_cast %get3A_62 : vector<1x512x32xf32> to vector<512x32xf32>
    %ne3A_64 = arith.cmpf one, %get3A_63, %get3A_63 : vector<512x32xf32>
    %jit3A_65 = arith.constant 0.000000e+00 : f32
    %broadcast_in_dim3A_66 = vector.broadcast %jit3A_65 : f32 to vector<512x32xf32>
    %select_n3A_67 = arith.select %ne3A_64, %broadcast_in_dim3A_66, %get3A_63 : vector<512x32xi1>, vector<512x32xf32>
    %swap3A_68 = arith.constant 0 : index
    %swap3A_69 = arith.constant 0 : index
    %swap3A_70 = vector.load %arg11[%swap3A_68, %swap3A_69] : memref<512x64xf32, #tpu.memory_space<vmem>>, vector<512x32xf32>
    tpu.vector_store %arg11[%swap3A_68, %swap3A_69], %select_n3A_67 {strides = array<i32>} : memref<512x64xf32, #tpu.memory_space<vmem>>, vector<512x32xf32>,
    %convert_element_type3A_71 = arith.extui %ne3A_64 : vector<512x32xi1> to vector<512x32xi32>
    %convert_element_type3A_72 = arith.sitofp %convert_element_type3A_71 : vector<512x32xi32> to vector<512x32xf32>
    %swap3A_73 = arith.constant 0 : index
    %swap3A_74 = arith.constant 32 : index
    %swap3A_75 = vector.load %arg11[%swap3A_73, %swap3A_74] : memref<512x64xf32, #tpu.memory_space<vmem>>, vector<512x32xf32>
    tpu.vector_store %arg11[%swap3A_73, %swap3A_74], %convert_element_type3A_72 {strides = array<i32>} : memref<512x64xf32, #tpu.memory_space<vmem>>, vector<512x32xf32>,
    %get3A_76 = arith.constant 36 : index
    %get3A_77 = arith.constant 0 : index
    %get3A_78 = vector.load %arg14[%get3A_76, %get3A_77] : memref<37x128xf32, #tpu.memory_space<vmem>>, vector<1x128xf32>
    %get3A_79 = arith.constant 0 : index
    %get3A_80 = arith.constant 0 : index
    %get3A_81 = vector.load %arg4[%get3A_79, %get3A_80] : memref<2x128xf32, #tpu.memory_space<vmem>>, vector<1x128xf32>
    %get3A_82 = arith.constant 1 : index
    %get3A_83 = arith.constant 0 : index
    %get3A_84 = vector.load %arg4[%get3A_82, %get3A_83] : memref<2x128xf32, #tpu.memory_space<vmem>>, vector<1x128xf32>
    %sub3A = arith.subf %get3A_81, %get3A_84 : vector<1x128xf32>
    %iota3A_85 = tpu.iota {dimensions = array<i32: 0>} : vector<64x1xi32>
    %get3A_86 = arith.constant 0 : index
    %get3A_87 = arith.constant 0 : index
    %get3A_88 = vector.load %arg11[%get3A_86, %get3A_87] : memref<512x64xf32, #tpu.memory_space<vmem>>, vector<512x64xf32>
    %get3A_89 = arith.constant 0 : index
    %get3A_90 = arith.constant 0 : index
    %get3A_91 = vector.load %arg10[%get3A_89, %get3A_90] : memref<512x128xf32, #tpu.memory_space<vmem>>, vector<512x128xf32>
    %eq3A_92 = arith.constant 0 : i32
    %eq3A_93 = vector.broadcast %eq3A_92 : i32 to vector<64x1xi32>
    %eq3A_94 = arith.cmpi eq, %iota3A_85, %eq3A_93 : vector<64x1xi32>
    %eq3A_95 = arith.constant 32 : i32
    %eq3A_96 = vector.broadcast %eq3A_95 : i32 to vector<64x1xi32>
    %eq3A_97 = arith.cmpi eq, %iota3A_85, %eq3A_96 : vector<64x1xi32>
    %jit3A_98 = arith.constant 0.000000e+00 : f32
    %broadcast_in_dim3A_99 = vector.shape_cast %eq3A_97 : vector<64x1xi1> to vector<64x1xi1>
    %broadcast_in_dim3A_100 = vector.broadcast %broadcast_in_dim3A_99 : vector<64x1xi1> to vector<64x128xi1>
    %broadcast_in_dim3A_101 = vector.shape_cast %sub3A : vector<1x128xf32> to vector<1x128xf32>
    %broadcast_in_dim3A_102 = vector.broadcast %broadcast_in_dim3A_101 : vector<1x128xf32> to vector<64x128xf32>
    %broadcast_in_dim3A_103 = vector.broadcast %jit3A_98 : f32 to vector<64x128xf32>
    %select_n3A_104 = arith.select %broadcast_in_dim3A_100, %broadcast_in_dim3A_102, %broadcast_in_dim3A_103 : vector<64x128xi1>, vector<64x128xf32>
    %broadcast_in_dim3A_105 = vector.shape_cast %eq3A_94 : vector<64x1xi1> to vector<64x1xi1>
    %broadcast_in_dim3A_106 = vector.broadcast %broadcast_in_dim3A_105 : vector<64x1xi1> to vector<64x128xi1>
    %broadcast_in_dim3A_107 = vector.shape_cast %get3A_78 : vector<1x128xf32> to vector<1x128xf32>
    %broadcast_in_dim3A_108 = vector.broadcast %broadcast_in_dim3A_107 : vector<1x128xf32> to vector<64x128xf32>
    %select_n3A_109 = arith.select %broadcast_in_dim3A_106, %broadcast_in_dim3A_108, %select_n3A_104 : vector<64x128xi1>, vector<64x128xf32>
    %dot_general3A_110 = arith.constant dense<0.000000e+00> : vector<512x128xf32>
    %dot_general3A_111 = tpu.matmul %get3A_88, %select_n3A_109, %dot_general3A_110 {dimension_numbers = #tpu.dot_dimension_numbers<[1], [0], [0], [1], [0, 0, 1, 1], [], []>, transpose_lhs_hint = false} : vector<512x64xf32>, vector<64x128xf32>, vector<512x128xf32> -> vector<512x128xf32>
    %add3A_112 = arith.addf %get3A_91, %dot_general3A_111 : vector<512x128xf32>
    %swap3A_113 = arith.constant 0 : index
    %swap3A_114 = arith.constant 0 : index
    %swap3A_115 = arith.constant 0 : index
    %swap3A_116 = vector.load %arg9[%swap3A_113, %swap3A_114, %swap3A_115] : memref<1x16384x128xf32, #tpu.memory_space<vmem>>, vector<1x512x128xf32>
    %swap3A_117 = vector.shape_cast %swap3A_116 : vector<1x512x128xf32> to vector<512x128xf32>
    %swap3A_118 = vector.shape_cast %add3A_112 : vector<512x128xf32> to vector<1x512x128xf32>
    tpu.vector_store %arg9[%swap3A_113, %swap3A_114, %swap3A_115], %swap3A_118 {strides = array<i32>} : memref<1x16384x128xf32, #tpu.memory_space<vmem>>, vector<1x512x128xf32>,
    %eq3A_119 = arith.constant 1 : i32
    %eq3A_120 = vector.broadcast %eq3A_119 : i32 to vector<64x1xi32>
    %eq3A_121 = arith.cmpi eq, %iota3A_85, %eq3A_120 : vector<64x1xi32>
    %eq3A_122 = arith.constant 33 : i32
    %eq3A_123 = vector.broadcast %eq3A_122 : i32 to vector<64x1xi32>
    %eq3A_124 = arith.cmpi eq, %iota3A_85, %eq3A_123 : vector<64x1xi32>
    %jit3A_125 = arith.constant 0.000000e+00 : f32
    %broadcast_in_dim3A_126 = vector.shape_cast %eq3A_124 : vector<64x1xi1> to vector<64x1xi1>
    %broadcast_in_dim3A_127 = vector.broadcast %broadcast_in_dim3A_126 : vector<64x1xi1> to vector<64x128xi1>
    %broadcast_in_dim3A_128 = vector.shape_cast %sub3A : vector<1x128xf32> to vector<1x128xf32>
    %broadcast_in_dim3A_129 = vector.broadcast %broadcast_in_dim3A_128 : vector<1x128xf32> to vector<64x128xf32>
    %broadcast_in_dim3A_130 = vector.broadcast %jit3A_125 : f32 to vector<64x128xf32>
    %select_n3A_131 = arith.select %broadcast_in_dim3A_127, %broadcast_in_dim3A_129, %broadcast_in_dim3A_130 : vector<64x128xi1>, vector<64x128xf32>
    %broadcast_in_dim3A_132 = vector.shape_cast %eq3A_121 : vector<64x1xi1> to vector<64x1xi1>
    %broadcast_in_dim3A_133 = vector.broadcast %broadcast_in_dim3A_132 : vector<64x1xi1> to vector<64x128xi1>
    %broadcast_in_dim3A_134 = vector.shape_cast %get3A_78 : vector<1x128xf32> to vector<1x128xf32>
    %broadcast_in_dim3A_135 = vector.broadcast %broadcast_in_dim3A_134 : vector<1x128xf32> to vector<64x128xf32>
    %select_n3A_136 = arith.select %broadcast_in_dim3A_133, %broadcast_in_dim3A_135, %select_n3A_131 : vector<64x128xi1>, vector<64x128xf32>
    %dot_general3A_137 = arith.constant dense<0.000000e+00> : vector<512x128xf32>
    %dot_general3A_138 = tpu.matmul %get3A_88, %select_n3A_136, %dot_general3A_137 {dimension_numbers = #tpu.dot_dimension_numbers<[1], [0], [0], [1], [0, 0, 1, 1], [], []>, transpose_lhs_hint = false} : vector<512x64xf32>, vector<64x128xf32>, vector<512x128xf32> -> vector<512x128xf32>
    %add3A_139 = arith.addf %get3A_91, %dot_general3A_138 : vector<512x128xf32>
    %swap3A_140 = arith.constant 0 : index
    %swap3A_141 = arith.constant 512 : index
    %swap3A_142 = arith.constant 0 : index
    %swap3A_143 = vector.load %arg9[%swap3A_140, %swap3A_141, %swap3A_142] : memref<1x16384x128xf32, #tpu.memory_space<vmem>>, vector<1x512x128xf32>
    %swap3A_144 = vector.shape_cast %swap3A_143 : vector<1x512x128xf32> to vector<512x128xf32>
    %swap3A_145 = vector.shape_cast %add3A_139 : vector<512x128xf32> to vector<1x512x128xf32>
    tpu.vector_store %arg9[%swap3A_140, %swap3A_141, %swap3A_142], %swap3A_145 {strides = array<i32>} : memref<1x16384x128xf32, #tpu.memory_space<vmem>>, vector<1x512x128xf32>,
    %eq3A_146 = arith.constant 2 : i32
    %eq3A_147 = vector.broadcast %eq3A_146 : i32 to vector<64x1xi32>
    %eq3A_148 = arith.cmpi eq, %iota3A_85, %eq3A_147 : vector<64x1xi32>
    %eq3A_149 = arith.constant 34 : i32
    %eq3A_150 = vector.broadcast %eq3A_149 : i32 to vector<64x1xi32>
    %eq3A_151 = arith.cmpi eq, %iota3A_85, %eq3A_150 : vector<64x1xi32>
    %jit3A_152 = arith.constant 0.000000e+00 : f32
    %broadcast_in_dim3A_153 = vector.shape_cast %eq3A_151 : vector<64x1xi1> to vector<64x1xi1>
    %broadcast_in_dim3A_154 = vector.broadcast %broadcast_in_dim3A_153 : vector<64x1xi1> to vector<64x128xi1>
    %broadcast_in_dim3A_155 = vector.shape_cast %sub3A : vector<1x128xf32> to vector<1x128xf32>
    %broadcast_in_dim3A_156 = vector.broadcast %broadcast_in_dim3A_155 : vector<1x128xf32> to vector<64x128xf32>
    %broadcast_in_dim3A_157 = vector.broadcast %jit3A_152 : f32 to vector<64x128xf32>
    %select_n3A_158 = arith.select %broadcast_in_dim3A_154, %broadcast_in_dim3A_156, %broadcast_in_dim3A_157 : vector<64x128xi1>, vector<64x128xf32>
    %broadcast_in_dim3A_159 = vector.shape_cast %eq3A_148 : vector<64x1xi1> to vector<64x1xi1>
    %broadcast_in_dim3A_160 = vector.broadcast %broadcast_in_dim3A_159 : vector<64x1xi1> to vector<64x128xi1>
    %broadcast_in_dim3A_161 = vector.shape_cast %get3A_78 : vector<1x128xf32> to vector<1x128xf32>
    %broadcast_in_dim3A_162 = vector.broadcast %broadcast_in_dim3A_161 : vector<1x128xf32> to vector<64x128xf32>
    %select_n3A_163 = arith.select %broadcast_in_dim3A_160, %broadcast_in_dim3A_162, %select_n3A_158 : vector<64x128xi1>, vector<64x128xf32>
    %dot_general3A_164 = arith.constant dense<0.000000e+00> : vector<512x128xf32>
    %dot_general3A_165 = tpu.matmul %get3A_88, %select_n3A_163, %dot_general3A_164 {dimension_numbers = #tpu.dot_dimension_numbers<[1], [0], [0], [1], [0, 0, 1, 1], [], []>, transpose_lhs_hint = false} : vector<512x64xf32>, vector<64x128xf32>, vector<512x128xf32> -> vector<512x128xf32>
    %add3A_166 = arith.addf %get3A_91, %dot_general3A_165 : vector<512x128xf32>
    %swap3A_167 = arith.constant 0 : index
    %swap3A_168 = arith.constant 1024 : index
    %swap3A_169 = arith.constant 0 : index
    %swap3A_170 = vector.load %arg9[%swap3A_167, %swap3A_168, %swap3A_169] : memref<1x16384x128xf32, #tpu.memory_space<vmem>>, vector<1x512x128xf32>
    %swap3A_171 = vector.shape_cast %swap3A_170 : vector<1x512x128xf32> to vector<512x128xf32>
    %swap3A_172 = vector.shape_cast %add3A_166 : vector<512x128xf32> to vector<1x512x128xf32>
    tpu.vector_store %arg9[%swap3A_167, %swap3A_168, %swap3A_169], %swap3A_172 {strides = array<i32>} : memref<1x16384x128xf32, #tpu.memory_space<vmem>>, vector<1x512x128xf32>,
    %eq3A_173 = arith.constant 3 : i32
    %eq3A_174 = vector.broadcast %eq3A_173 : i32 to vector<64x1xi32>
    %eq3A_175 = arith.cmpi eq, %iota3A_85, %eq3A_174 : vector<64x1xi32>
    %eq3A_176 = arith.constant 35 : i32
    %eq3A_177 = vector.broadcast %eq3A_176 : i32 to vector<64x1xi32>
    %eq3A_178 = arith.cmpi eq, %iota3A_85, %eq3A_177 : vector<64x1xi32>
    %jit3A_179 = arith.constant 0.000000e+00 : f32
    %broadcast_in_dim3A_180 = vector.shape_cast %eq3A_178 : vector<64x1xi1> to vector<64x1xi1>
    %broadcast_in_dim3A_181 = vector.broadcast %broadcast_in_dim3A_180 : vector<64x1xi1> to vector<64x128xi1>
    %broadcast_in_dim3A_182 = vector.shape_cast %sub3A : vector<1x128xf32> to vector<1x128xf32>
    %broadcast_in_dim3A_183 = vector.broadcast %broadcast_in_dim3A_182 : vector<1x128xf32> to vector<64x128xf32>
    %broadcast_in_dim3A_184 = vector.broadcast %jit3A_179 : f32 to vector<64x128xf32>
    %select_n3A_185 = arith.select %broadcast_in_dim3A_181, %broadcast_in_dim3A_183, %broadcast_in_dim3A_184 : vector<64x128xi1>, vector<64x128xf32>
    %broadcast_in_dim3A_186 = vector.shape_cast %eq3A_175 : vector<64x1xi1> to vector<64x1xi1>
    %broadcast_in_dim3A_187 = vector.broadcast %broadcast_in_dim3A_186 : vector<64x1xi1> to vector<64x128xi1>
    %broadcast_in_dim3A_188 = vector.shape_cast %get3A_78 : vector<1x128xf32> to vector<1x128xf32>
    %broadcast_in_dim3A_189 = vector.broadcast %broadcast_in_dim3A_188 : vector<1x128xf32> to vector<64x128xf32>
    %select_n3A_190 = arith.select %broadcast_in_dim3A_187, %broadcast_in_dim3A_189, %select_n3A_185 : vector<64x128xi1>, vector<64x128xf32>
    %dot_general3A_191 = arith.constant dense<0.000000e+00> : vector<512x128xf32>
    %dot_general3A_192 = tpu.matmul %get3A_88, %select_n3A_190, %dot_general3A_191 {dimension_numbers = #tpu.dot_dimension_numbers<[1], [0], [0], [1], [0, 0, 1, 1], [], []>, transpose_lhs_hint = false} : vector<512x64xf32>, vector<64x128xf32>, vector<512x128xf32> -> vector<512x128xf32>
    %add3A_193 = arith.addf %get3A_91, %dot_general3A_192 : vector<512x128xf32>
    %swap3A_194 = arith.constant 0 : index
    %swap3A_195 = arith.constant 1536 : index
    %swap3A_196 = arith.constant 0 : index
    %swap3A_197 = vector.load %arg9[%swap3A_194, %swap3A_195, %swap3A_196] : memref<1x16384x128xf32, #tpu.memory_space<vmem>>, vector<1x512x128xf32>
    %swap3A_198 = vector.shape_cast %swap3A_197 : vector<1x512x128xf32> to vector<512x128xf32>
    %swap3A_199 = vector.shape_cast %add3A_193 : vector<512x128xf32> to vector<1x512x128xf32>
    tpu.vector_store %arg9[%swap3A_194, %swap3A_195, %swap3A_196], %swap3A_199 {strides = array<i32>} : memref<1x16384x128xf32, #tpu.memory_space<vmem>>, vector<1x512x128xf32>,
    %eq3A_200 = arith.constant 4 : i32
    %eq3A_201 = vector.broadcast %eq3A_200 : i32 to vector<64x1xi32>
    %eq3A_202 = arith.cmpi eq, %iota3A_85, %eq3A_201 : vector<64x1xi32>
    %eq3A_203 = arith.constant 36 : i32
    %eq3A_204 = vector.broadcast %eq3A_203 : i32 to vector<64x1xi32>
    %eq3A_205 = arith.cmpi eq, %iota3A_85, %eq3A_204 : vector<64x1xi32>
    %jit3A_206 = arith.constant 0.000000e+00 : f32
    %broadcast_in_dim3A_207 = vector.shape_cast %eq3A_205 : vector<64x1xi1> to vector<64x1xi1>
    %broadcast_in_dim3A_208 = vector.broadcast %broadcast_in_dim3A_207 : vector<64x1xi1> to vector<64x128xi1>
    %broadcast_in_dim3A_209 = vector.shape_cast %sub3A : vector<1x128xf32> to vector<1x128xf32>
    %broadcast_in_dim3A_210 = vector.broadcast %broadcast_in_dim3A_209 : vector<1x128xf32> to vector<64x128xf32>
    %broadcast_in_dim3A_211 = vector.broadcast %jit3A_206 : f32 to vector<64x128xf32>
    %select_n3A_212 = arith.select %broadcast_in_dim3A_208, %broadcast_in_dim3A_210, %broadcast_in_dim3A_211 : vector<64x128xi1>, vector<64x128xf32>
    %broadcast_in_dim3A_213 = vector.shape_cast %eq3A_202 : vector<64x1xi1> to vector<64x1xi1>
    %broadcast_in_dim3A_214 = vector.broadcast %broadcast_in_dim3A_213 : vector<64x1xi1> to vector<64x128xi1>
    %broadcast_in_dim3A_215 = vector.shape_cast %get3A_78 : vector<1x128xf32> to vector<1x128xf32>
    %broadcast_in_dim3A_216 = vector.broadcast %broadcast_in_dim3A_215 : vector<1x128xf32> to vector<64x128xf32>
    %select_n3A_217 = arith.select %broadcast_in_dim3A_214, %broadcast_in_dim3A_216, %select_n3A_212 : vector<64x128xi1>, vector<64x128xf32>
    %dot_general3A_218 = arith.constant dense<0.000000e+00> : vector<512x128xf32>
    %dot_general3A_219 = tpu.matmul %get3A_88, %select_n3A_217, %dot_general3A_218 {dimension_numbers = #tpu.dot_dimension_numbers<[1], [0], [0], [1], [0, 0, 1, 1], [], []>, transpose_lhs_hint = false} : vector<512x64xf32>, vector<64x128xf32>, vector<512x128xf32> -> vector<512x128xf32>
    %add3A_220 = arith.addf %get3A_91, %dot_general3A_219 : vector<512x128xf32>
    %swap3A_221 = arith.constant 0 : index
    %swap3A_222 = arith.constant 2048 : index
    %swap3A_223 = arith.constant 0 : index
    %swap3A_224 = vector.load %arg9[%swap3A_221, %swap3A_222, %swap3A_223] : memref<1x16384x128xf32, #tpu.memory_space<vmem>>, vector<1x512x128xf32>
    %swap3A_225 = vector.shape_cast %swap3A_224 : vector<1x512x128xf32> to vector<512x128xf32>
    %swap3A_226 = vector.shape_cast %add3A_220 : vector<512x128xf32> to vector<1x512x128xf32>
    tpu.vector_store %arg9[%swap3A_221, %swap3A_222, %swap3A_223], %swap3A_226 {strides = array<i32>} : memref<1x16384x128xf32, #tpu.memory_space<vmem>>, vector<1x512x128xf32>,
    %eq3A_227 = arith.constant 5 : i32
    %eq3A_228 = vector.broadcast %eq3A_227 : i32 to vector<64x1xi32>
    %eq3A_229 = arith.cmpi eq, %iota3A_85, %eq3A_228 : vector<64x1xi32>
    %eq3A_230 = arith.constant 37 : i32
    %eq3A_231 = vector.broadcast %eq3A_230 : i32 to vector<64x1xi32>
    %eq3A_232 = arith.cmpi eq, %iota3A_85, %eq3A_231 : vector<64x1xi32>
    %jit3A_233 = arith.constant 0.000000e+00 : f32
    %broadcast_in_dim3A_234 = vector.shape_cast %eq3A_232 : vector<64x1xi1> to vector<64x1xi1>
    %broadcast_in_dim3A_235 = vector.broadcast %broadcast_in_dim3A_234 : vector<64x1xi1> to vector<64x128xi1>
    %broadcast_in_dim3A_236 = vector.shape_cast %sub3A : vector<1x128xf32> to vector<1x128xf32>
    %broadcast_in_dim3A_237 = vector.broadcast %broadcast_in_dim3A_236 : vector<1x128xf32> to vector<64x128xf32>
    %broadcast_in_dim3A_238 = vector.broadcast %jit3A_233 : f32 to vector<64x128xf32>
    %select_n3A_239 = arith.select %broadcast_in_dim3A_235, %broadcast_in_dim3A_237, %broadcast_in_dim3A_238 : vector<64x128xi1>, vector<64x128xf32>
    %broadcast_in_dim3A_240 = vector.shape_cast %eq3A_229 : vector<64x1xi1> to vector<64x1xi1>
    %broadcast_in_dim3A_241 = vector.broadcast %broadcast_in_dim3A_240 : vector<64x1xi1> to vector<64x128xi1>
    %broadcast_in_dim3A_242 = vector.shape_cast %get3A_78 : vector<1x128xf32> to vector<1x128xf32>
    %broadcast_in_dim3A_243 = vector.broadcast %broadcast_in_dim3A_242 : vector<1x128xf32> to vector<64x128xf32>
    %select_n3A_244 = arith.select %broadcast_in_dim3A_241, %broadcast_in_dim3A_243, %select_n3A_239 : vector<64x128xi1>, vector<64x128xf32>
    %dot_general3A_245 = arith.constant dense<0.000000e+00> : vector<512x128xf32>
    %dot_general3A_246 = tpu.matmul %get3A_88, %select_n3A_244, %dot_general3A_245 {dimension_numbers = #tpu.dot_dimension_numbers<[1], [0], [0], [1], [0, 0, 1, 1], [], []>, transpose_lhs_hint = false} : vector<512x64xf32>, vector<64x128xf32>, vector<512x128xf32> -> vector<512x128xf32>
    %add3A_247 = arith.addf %get3A_91, %dot_general3A_246 : vector<512x128xf32>
    %swap3A_248 = arith.constant 0 : index
    %swap3A_249 = arith.constant 2560 : index
    %swap3A_250 = arith.constant 0 : index
    %swap3A_251 = vector.load %arg9[%swap3A_248, %swap3A_249, %swap3A_250] : memref<1x16384x128xf32, #tpu.memory_space<vmem>>, vector<1x512x128xf32>
    %swap3A_252 = vector.shape_cast %swap3A_251 : vector<1x512x128xf32> to vector<512x128xf32>
    %swap3A_253 = vector.shape_cast %add3A_247 : vector<512x128xf32> to vector<1x512x128xf32>
    tpu.vector_store %arg9[%swap3A_248, %swap3A_249, %swap3A_250], %swap3A_253 {strides = array<i32>} : memref<1x16384x128xf32, #tpu.memory_space<vmem>>, vector<1x512x128xf32>,
    %eq3A_254 = arith.constant 6 : i32
    %eq3A_255 = vector.broadcast %eq3A_254 : i32 to vector<64x1xi32>
    %eq3A_256 = arith.cmpi eq, %iota3A_85, %eq3A_255 : vector<64x1xi32>
    %eq3A_257 = arith.constant 38 : i32
    %eq3A_258 = vector.broadcast %eq3A_257 : i32 to vector<64x1xi32>
    %eq3A_259 = arith.cmpi eq, %iota3A_85, %eq3A_258 : vector<64x1xi32>
    %jit3A_260 = arith.constant 0.000000e+00 : f32
    %broadcast_in_dim3A_261 = vector.shape_cast %eq3A_259 : vector<64x1xi1> to vector<64x1xi1>
    %broadcast_in_dim3A_262 = vector.broadcast %broadcast_in_dim3A_261 : vector<64x1xi1> to vector<64x128xi1>
    %broadcast_in_dim3A_263 = vector.shape_cast %sub3A : vector<1x128xf32> to vector<1x128xf32>
    %broadcast_in_dim3A_264 = vector.broadcast %broadcast_in_dim3A_263 : vector<1x128xf32> to vector<64x128xf32>
    %broadcast_in_dim3A_265 = vector.broadcast %jit3A_260 : f32 to vector<64x128xf32>
    %select_n3A_266 = arith.select %broadcast_in_dim3A_262, %broadcast_in_dim3A_264, %broadcast_in_dim3A_265 : vector<64x128xi1>, vector<64x128xf32>
    %broadcast_in_dim3A_267 = vector.shape_cast %eq3A_256 : vector<64x1xi1> to vector<64x1xi1>
    %broadcast_in_dim3A_268 = vector.broadcast %broadcast_in_dim3A_267 : vector<64x1xi1> to vector<64x128xi1>
    %broadcast_in_dim3A_269 = vector.shape_cast %get3A_78 : vector<1x128xf32> to vector<1x128xf32>
    %broadcast_in_dim3A_270 = vector.broadcast %broadcast_in_dim3A_269 : vector<1x128xf32> to vector<64x128xf32>
    %select_n3A_271 = arith.select %broadcast_in_dim3A_268, %broadcast_in_dim3A_270, %select_n3A_266 : vector<64x128xi1>, vector<64x128xf32>
    %dot_general3A_272 = arith.constant dense<0.000000e+00> : vector<512x128xf32>
    %dot_general3A_273 = tpu.matmul %get3A_88, %select_n3A_271, %dot_general3A_272 {dimension_numbers = #tpu.dot_dimension_numbers<[1], [0], [0], [1], [0, 0, 1, 1], [], []>, transpose_lhs_hint = false} : vector<512x64xf32>, vector<64x128xf32>, vector<512x128xf32> -> vector<512x128xf32>
    %add3A_274 = arith.addf %get3A_91, %dot_general3A_273 : vector<512x128xf32>
    %swap3A_275 = arith.constant 0 : index
    %swap3A_276 = arith.constant 3072 : index
    %swap3A_277 = arith.constant 0 : index
    %swap3A_278 = vector.load %arg9[%swap3A_275, %swap3A_276, %swap3A_277] : memref<1x16384x128xf32, #tpu.memory_space<vmem>>, vector<1x512x128xf32>
    %swap3A_279 = vector.shape_cast %swap3A_278 : vector<1x512x128xf32> to vector<512x128xf32>
    %swap3A_280 = vector.shape_cast %add3A_274 : vector<512x128xf32> to vector<1x512x128xf32>
    tpu.vector_store %arg9[%swap3A_275, %swap3A_276, %swap3A_277], %swap3A_280 {strides = array<i32>} : memref<1x16384x128xf32, #tpu.memory_space<vmem>>, vector<1x512x128xf32>,
    %eq3A_281 = arith.constant 7 : i32
    %eq3A_282 = vector.broadcast %eq3A_281 : i32 to vector<64x1xi32>
    %eq3A_283 = arith.cmpi eq, %iota3A_85, %eq3A_282 : vector<64x1xi32>
    %eq3A_284 = arith.constant 39 : i32
    %eq3A_285 = vector.broadcast %eq3A_284 : i32 to vector<64x1xi32>
    %eq3A_286 = arith.cmpi eq, %iota3A_85, %eq3A_285 : vector<64x1xi32>
    %jit3A_287 = arith.constant 0.000000e+00 : f32
    %broadcast_in_dim3A_288 = vector.shape_cast %eq3A_286 : vector<64x1xi1> to vector<64x1xi1>
    %broadcast_in_dim3A_289 = vector.broadcast %broadcast_in_dim3A_288 : vector<64x1xi1> to vector<64x128xi1>
    %broadcast_in_dim3A_290 = vector.shape_cast %sub3A : vector<1x128xf32> to vector<1x128xf32>
    %broadcast_in_dim3A_291 = vector.broadcast %broadcast_in_dim3A_290 : vector<1x128xf32> to vector<64x128xf32>
    %broadcast_in_dim3A_292 = vector.broadcast %jit3A_287 : f32 to vector<64x128xf32>
    %select_n3A_293 = arith.select %broadcast_in_dim3A_289, %broadcast_in_dim3A_291, %broadcast_in_dim3A_292 : vector<64x128xi1>, vector<64x128xf32>
    %broadcast_in_dim3A_294 = vector.shape_cast %eq3A_283 : vector<64x1xi1> to vector<64x1xi1>
    %broadcast_in_dim3A_295 = vector.broadcast %broadcast_in_dim3A_294 : vector<64x1xi1> to vector<64x128xi1>
    %broadcast_in_dim3A_296 = vector.shape_cast %get3A_78 : vector<1x128xf32> to vector<1x128xf32>
    %broadcast_in_dim3A_297 = vector.broadcast %broadcast_in_dim3A_296 : vector<1x128xf32> to vector<64x128xf32>
    %select_n3A_298 = arith.select %broadcast_in_dim3A_295, %broadcast_in_dim3A_297, %select_n3A_293 : vector<64x128xi1>, vector<64x128xf32>
    %dot_general3A_299 = arith.constant dense<0.000000e+00> : vector<512x128xf32>
    %dot_general3A_300 = tpu.matmul %get3A_88, %select_n3A_298, %dot_general3A_299 {dimension_numbers = #tpu.dot_dimension_numbers<[1], [0], [0], [1], [0, 0, 1, 1], [], []>, transpose_lhs_hint = false} : vector<512x64xf32>, vector<64x128xf32>, vector<512x128xf32> -> vector<512x128xf32>
    %add3A_301 = arith.addf %get3A_91, %dot_general3A_300 : vector<512x128xf32>
    %swap3A_302 = arith.constant 0 : index
    %swap3A_303 = arith.constant 3584 : index
    %swap3A_304 = arith.constant 0 : index
    %swap3A_305 = vector.load %arg9[%swap3A_302, %swap3A_303, %swap3A_304] : memref<1x16384x128xf32, #tpu.memory_space<vmem>>, vector<1x512x128xf32>
    %swap3A_306 = vector.shape_cast %swap3A_305 : vector<1x512x128xf32> to vector<512x128xf32>
    %swap3A_307 = vector.shape_cast %add3A_301 : vector<512x128xf32> to vector<1x512x128xf32>
    tpu.vector_store %arg9[%swap3A_302, %swap3A_303, %swap3A_304], %swap3A_307 {strides = array<i32>} : memref<1x16384x128xf32, #tpu.memory_space<vmem>>, vector<1x512x128xf32>,
    %eq3A_308 = arith.constant 8 : i32
    %eq3A_309 = vector.broadcast %eq3A_308 : i32 to vector<64x1xi32>
    %eq3A_310 = arith.cmpi eq, %iota3A_85, %eq3A_309 : vector<64x1xi32>
    %eq3A_311 = arith.constant 40 : i32
    %eq3A_312 = vector.broadcast %eq3A_311 : i32 to vector<64x1xi32>
    %eq3A_313 = arith.cmpi eq, %iota3A_85, %eq3A_312 : vector<64x1xi32>
    %jit3A_314 = arith.constant 0.000000e+00 : f32
    %broadcast_in_dim3A_315 = vector.shape_cast %eq3A_313 : vector<64x1xi1> to vector<64x1xi1>
    %broadcast_in_dim3A_316 = vector.broadcast %broadcast_in_dim3A_315 : vector<64x1xi1> to vector<64x128xi1>
    %broadcast_in_dim3A_317 = vector.shape_cast %sub3A : vector<1x128xf32> to vector<1x128xf32>
    %broadcast_in_dim3A_318 = vector.broadcast %broadcast_in_dim3A_317 : vector<1x128xf32> to vector<64x128xf32>
    %broadcast_in_dim3A_319 = vector.broadcast %jit3A_314 : f32 to vector<64x128xf32>
    %select_n3A_320 = arith.select %broadcast_in_dim3A_316, %broadcast_in_dim3A_318, %broadcast_in_dim3A_319 : vector<64x128xi1>, vector<64x128xf32>
    %broadcast_in_dim3A_321 = vector.shape_cast %eq3A_310 : vector<64x1xi1> to vector<64x1xi1>
    %broadcast_in_dim3A_322 = vector.broadcast %broadcast_in_dim3A_321 : vector<64x1xi1> to vector<64x128xi1>
    %broadcast_in_dim3A_323 = vector.shape_cast %get3A_78 : vector<1x128xf32> to vector<1x128xf32>
    %broadcast_in_dim3A_324 = vector.broadcast %broadcast_in_dim3A_323 : vector<1x128xf32> to vector<64x128xf32>
    %select_n3A_325 = arith.select %broadcast_in_dim3A_322, %broadcast_in_dim3A_324, %select_n3A_320 : vector<64x128xi1>, vector<64x128xf32>
    %dot_general3A_326 = arith.constant dense<0.000000e+00> : vector<512x128xf32>
    %dot_general3A_327 = tpu.matmul %get3A_88, %select_n3A_325, %dot_general3A_326 {dimension_numbers = #tpu.dot_dimension_numbers<[1], [0], [0], [1], [0, 0, 1, 1], [], []>, transpose_lhs_hint = false} : vector<512x64xf32>, vector<64x128xf32>, vector<512x128xf32> -> vector<512x128xf32>
    %add3A_328 = arith.addf %get3A_91, %dot_general3A_327 : vector<512x128xf32>
    %swap3A_329 = arith.constant 0 : index
    %swap3A_330 = arith.constant 4096 : index
    %swap3A_331 = arith.constant 0 : index
    %swap3A_332 = vector.load %arg9[%swap3A_329, %swap3A_330, %swap3A_331] : memref<1x16384x128xf32, #tpu.memory_space<vmem>>, vector<1x512x128xf32>
    %swap3A_333 = vector.shape_cast %swap3A_332 : vector<1x512x128xf32> to vector<512x128xf32>
    %swap3A_334 = vector.shape_cast %add3A_328 : vector<512x128xf32> to vector<1x512x128xf32>
    tpu.vector_store %arg9[%swap3A_329, %swap3A_330, %swap3A_331], %swap3A_334 {strides = array<i32>} : memref<1x16384x128xf32, #tpu.memory_space<vmem>>, vector<1x512x128xf32>,
    %eq3A_335 = arith.constant 9 : i32
    %eq3A_336 = vector.broadcast %eq3A_335 : i32 to vector<64x1xi32>
    %eq3A_337 = arith.cmpi eq, %iota3A_85, %eq3A_336 : vector<64x1xi32>
    %eq3A_338 = arith.constant 41 : i32
    %eq3A_339 = vector.broadcast %eq3A_338 : i32 to vector<64x1xi32>
    %eq3A_340 = arith.cmpi eq, %iota3A_85, %eq3A_339 : vector<64x1xi32>
    %jit3A_341 = arith.constant 0.000000e+00 : f32
    %broadcast_in_dim3A_342 = vector.shape_cast %eq3A_340 : vector<64x1xi1> to vector<64x1xi1>
    %broadcast_in_dim3A_343 = vector.broadcast %broadcast_in_dim3A_342 : vector<64x1xi1> to vector<64x128xi1>
    %broadcast_in_dim3A_344 = vector.shape_cast %sub3A : vector<1x128xf32> to vector<1x128xf32>
    %broadcast_in_dim3A_345 = vector.broadcast %broadcast_in_dim3A_344 : vector<1x128xf32> to vector<64x128xf32>
    %broadcast_in_dim3A_346 = vector.broadcast %jit3A_341 : f32 to vector<64x128xf32>
    %select_n3A_347 = arith.select %broadcast_in_dim3A_343, %broadcast_in_dim3A_345, %broadcast_in_dim3A_346 : vector<64x128xi1>, vector<64x128xf32>
    %broadcast_in_dim3A_348 = vector.shape_cast %eq3A_337 : vector<64x1xi1> to vector<64x1xi1>
    %broadcast_in_dim3A_349 = vector.broadcast %broadcast_in_dim3A_348 : vector<64x1xi1> to vector<64x128xi1>
    %broadcast_in_dim3A_350 = vector.shape_cast %get3A_78 : vector<1x128xf32> to vector<1x128xf32>
    %broadcast_in_dim3A_351 = vector.broadcast %broadcast_in_dim3A_350 : vector<1x128xf32> to vector<64x128xf32>
    %select_n3A_352 = arith.select %broadcast_in_dim3A_349, %broadcast_in_dim3A_351, %select_n3A_347 : vector<64x128xi1>, vector<64x128xf32>
    %dot_general3A_353 = arith.constant dense<0.000000e+00> : vector<512x128xf32>
    %dot_general3A_354 = tpu.matmul %get3A_88, %select_n3A_352, %dot_general3A_353 {dimension_numbers = #tpu.dot_dimension_numbers<[1], [0], [0], [1], [0, 0, 1, 1], [], []>, transpose_lhs_hint = false} : vector<512x64xf32>, vector<64x128xf32>, vector<512x128xf32> -> vector<512x128xf32>
    %add3A_355 = arith.addf %get3A_91, %dot_general3A_354 : vector<512x128xf32>
    %swap3A_356 = arith.constant 0 : index
    %swap3A_357 = arith.constant 4608 : index
    %swap3A_358 = arith.constant 0 : index
    %swap3A_359 = vector.load %arg9[%swap3A_356, %swap3A_357, %swap3A_358] : memref<1x16384x128xf32, #tpu.memory_space<vmem>>, vector<1x512x128xf32>
    %swap3A_360 = vector.shape_cast %swap3A_359 : vector<1x512x128xf32> to vector<512x128xf32>
    %swap3A_361 = vector.shape_cast %add3A_355 : vector<512x128xf32> to vector<1x512x128xf32>
    tpu.vector_store %arg9[%swap3A_356, %swap3A_357, %swap3A_358], %swap3A_361 {strides = array<i32>} : memref<1x16384x128xf32, #tpu.memory_space<vmem>>, vector<1x512x128xf32>,
    %eq3A_362 = arith.constant 10 : i32
    %eq3A_363 = vector.broadcast %eq3A_362 : i32 to vector<64x1xi32>
    %eq3A_364 = arith.cmpi eq, %iota3A_85, %eq3A_363 : vector<64x1xi32>
    %eq3A_365 = arith.constant 42 : i32
    %eq3A_366 = vector.broadcast %eq3A_365 : i32 to vector<64x1xi32>
    %eq3A_367 = arith.cmpi eq, %iota3A_85, %eq3A_366 : vector<64x1xi32>
    %jit3A_368 = arith.constant 0.000000e+00 : f32
    %broadcast_in_dim3A_369 = vector.shape_cast %eq3A_367 : vector<64x1xi1> to vector<64x1xi1>
    %broadcast_in_dim3A_370 = vector.broadcast %broadcast_in_dim3A_369 : vector<64x1xi1> to vector<64x128xi1>
    %broadcast_in_dim3A_371 = vector.shape_cast %sub3A : vector<1x128xf32> to vector<1x128xf32>
    %broadcast_in_dim3A_372 = vector.broadcast %broadcast_in_dim3A_371 : vector<1x128xf32> to vector<64x128xf32>
    %broadcast_in_dim3A_373 = vector.broadcast %jit3A_368 : f32 to vector<64x128xf32>
    %select_n3A_374 = arith.select %broadcast_in_dim3A_370, %broadcast_in_dim3A_372, %broadcast_in_dim3A_373 : vector<64x128xi1>, vector<64x128xf32>
    %broadcast_in_dim3A_375 = vector.shape_cast %eq3A_364 : vector<64x1xi1> to vector<64x1xi1>
    %broadcast_in_dim3A_376 = vector.broadcast %broadcast_in_dim3A_375 : vector<64x1xi1> to vector<64x128xi1>
    %broadcast_in_dim3A_377 = vector.shape_cast %get3A_78 : vector<1x128xf32> to vector<1x128xf32>
    %broadcast_in_dim3A_378 = vector.broadcast %broadcast_in_dim3A_377 : vector<1x128xf32> to vector<64x128xf32>
    %select_n3A_379 = arith.select %broadcast_in_dim3A_376, %broadcast_in_dim3A_378, %select_n3A_374 : vector<64x128xi1>, vector<64x128xf32>
    %dot_general3A_380 = arith.constant dense<0.000000e+00> : vector<512x128xf32>
    %dot_general3A_381 = tpu.matmul %get3A_88, %select_n3A_379, %dot_general3A_380 {dimension_numbers = #tpu.dot_dimension_numbers<[1], [0], [0], [1], [0, 0, 1, 1], [], []>, transpose_lhs_hint = false} : vector<512x64xf32>, vector<64x128xf32>, vector<512x128xf32> -> vector<512x128xf32>
    %add3A_382 = arith.addf %get3A_91, %dot_general3A_381 : vector<512x128xf32>
    %swap3A_383 = arith.constant 0 : index
    %swap3A_384 = arith.constant 5120 : index
    %swap3A_385 = arith.constant 0 : index
    %swap3A_386 = vector.load %arg9[%swap3A_383, %swap3A_384, %swap3A_385] : memref<1x16384x128xf32, #tpu.memory_space<vmem>>, vector<1x512x128xf32>
    %swap3A_387 = vector.shape_cast %swap3A_386 : vector<1x512x128xf32> to vector<512x128xf32>
    %swap3A_388 = vector.shape_cast %add3A_382 : vector<512x128xf32> to vector<1x512x128xf32>
    tpu.vector_store %arg9[%swap3A_383, %swap3A_384, %swap3A_385], %swap3A_388 {strides = array<i32>} : memref<1x16384x128xf32, #tpu.memory_space<vmem>>, vector<1x512x128xf32>,
    %eq3A_389 = arith.constant 11 : i32
    %eq3A_390 = vector.broadcast %eq3A_389 : i32 to vector<64x1xi32>
    %eq3A_391 = arith.cmpi eq, %iota3A_85, %eq3A_390 : vector<64x1xi32>
    %eq3A_392 = arith.constant 43 : i32
    %eq3A_393 = vector.broadcast %eq3A_392 : i32 to vector<64x1xi32>
    %eq3A_394 = arith.cmpi eq, %iota3A_85, %eq3A_393 : vector<64x1xi32>
    %jit3A_395 = arith.constant 0.000000e+00 : f32
    %broadcast_in_dim3A_396 = vector.shape_cast %eq3A_394 : vector<64x1xi1> to vector<64x1xi1>
    %broadcast_in_dim3A_397 = vector.broadcast %broadcast_in_dim3A_396 : vector<64x1xi1> to vector<64x128xi1>
    %broadcast_in_dim3A_398 = vector.shape_cast %sub3A : vector<1x128xf32> to vector<1x128xf32>
    %broadcast_in_dim3A_399 = vector.broadcast %broadcast_in_dim3A_398 : vector<1x128xf32> to vector<64x128xf32>
    %broadcast_in_dim3A_400 = vector.broadcast %jit3A_395 : f32 to vector<64x128xf32>
    %select_n3A_401 = arith.select %broadcast_in_dim3A_397, %broadcast_in_dim3A_399, %broadcast_in_dim3A_400 : vector<64x128xi1>, vector<64x128xf32>
    %broadcast_in_dim3A_402 = vector.shape_cast %eq3A_391 : vector<64x1xi1> to vector<64x1xi1>
    %broadcast_in_dim3A_403 = vector.broadcast %broadcast_in_dim3A_402 : vector<64x1xi1> to vector<64x128xi1>
    %broadcast_in_dim3A_404 = vector.shape_cast %get3A_78 : vector<1x128xf32> to vector<1x128xf32>
    %broadcast_in_dim3A_405 = vector.broadcast %broadcast_in_dim3A_404 : vector<1x128xf32> to vector<64x128xf32>
    %select_n3A_406 = arith.select %broadcast_in_dim3A_403, %broadcast_in_dim3A_405, %select_n3A_401 : vector<64x128xi1>, vector<64x128xf32>
    %dot_general3A_407 = arith.constant dense<0.000000e+00> : vector<512x128xf32>
    %dot_general3A_408 = tpu.matmul %get3A_88, %select_n3A_406, %dot_general3A_407 {dimension_numbers = #tpu.dot_dimension_numbers<[1], [0], [0], [1], [0, 0, 1, 1], [], []>, transpose_lhs_hint = false} : vector<512x64xf32>, vector<64x128xf32>, vector<512x128xf32> -> vector<512x128xf32>
    %add3A_409 = arith.addf %get3A_91, %dot_general3A_408 : vector<512x128xf32>
    %swap3A_410 = arith.constant 0 : index
    %swap3A_411 = arith.constant 5632 : index
    %swap3A_412 = arith.constant 0 : index
    %swap3A_413 = vector.load %arg9[%swap3A_410, %swap3A_411, %swap3A_412] : memref<1x16384x128xf32, #tpu.memory_space<vmem>>, vector<1x512x128xf32>
    %swap3A_414 = vector.shape_cast %swap3A_413 : vector<1x512x128xf32> to vector<512x128xf32>
    %swap3A_415 = vector.shape_cast %add3A_409 : vector<512x128xf32> to vector<1x512x128xf32>
    tpu.vector_store %arg9[%swap3A_410, %swap3A_411, %swap3A_412], %swap3A_415 {strides = array<i32>} : memref<1x16384x128xf32, #tpu.memory_space<vmem>>, vector<1x512x128xf32>,
    %eq3A_416 = arith.constant 12 : i32
    %eq3A_417 = vector.broadcast %eq3A_416 : i32 to vector<64x1xi32>
    %eq3A_418 = arith.cmpi eq, %iota3A_85, %eq3A_417 : vector<64x1xi32>
    %eq3A_419 = arith.constant 44 : i32
    %eq3A_420 = vector.broadcast %eq3A_419 : i32 to vector<64x1xi32>
    %eq3A_421 = arith.cmpi eq, %iota3A_85, %eq3A_420 : vector<64x1xi32>
    %jit3A_422 = arith.constant 0.000000e+00 : f32
    %broadcast_in_dim3A_423 = vector.shape_cast %eq3A_421 : vector<64x1xi1> to vector<64x1xi1>
    %broadcast_in_dim3A_424 = vector.broadcast %broadcast_in_dim3A_423 : vector<64x1xi1> to vector<64x128xi1>
    %broadcast_in_dim3A_425 = vector.shape_cast %sub3A : vector<1x128xf32> to vector<1x128xf32>
    %broadcast_in_dim3A_426 = vector.broadcast %broadcast_in_dim3A_425 : vector<1x128xf32> to vector<64x128xf32>
    %broadcast_in_dim3A_427 = vector.broadcast %jit3A_422 : f32 to vector<64x128xf32>
    %select_n3A_428 = arith.select %broadcast_in_dim3A_424, %broadcast_in_dim3A_426, %broadcast_in_dim3A_427 : vector<64x128xi1>, vector<64x128xf32>
    %broadcast_in_dim3A_429 = vector.shape_cast %eq3A_418 : vector<64x1xi1> to vector<64x1xi1>
    %broadcast_in_dim3A_430 = vector.broadcast %broadcast_in_dim3A_429 : vector<64x1xi1> to vector<64x128xi1>
    %broadcast_in_dim3A_431 = vector.shape_cast %get3A_78 : vector<1x128xf32> to vector<1x128xf32>
    %broadcast_in_dim3A_432 = vector.broadcast %broadcast_in_dim3A_431 : vector<1x128xf32> to vector<64x128xf32>
    %select_n3A_433 = arith.select %broadcast_in_dim3A_430, %broadcast_in_dim3A_432, %select_n3A_428 : vector<64x128xi1>, vector<64x128xf32>
    %dot_general3A_434 = arith.constant dense<0.000000e+00> : vector<512x128xf32>
    %dot_general3A_435 = tpu.matmul %get3A_88, %select_n3A_433, %dot_general3A_434 {dimension_numbers = #tpu.dot_dimension_numbers<[1], [0], [0], [1], [0, 0, 1, 1], [], []>, transpose_lhs_hint = false} : vector<512x64xf32>, vector<64x128xf32>, vector<512x128xf32> -> vector<512x128xf32>
    %add3A_436 = arith.addf %get3A_91, %dot_general3A_435 : vector<512x128xf32>
    %swap3A_437 = arith.constant 0 : index
    %swap3A_438 = arith.constant 6144 : index
    %swap3A_439 = arith.constant 0 : index
    %swap3A_440 = vector.load %arg9[%swap3A_437, %swap3A_438, %swap3A_439] : memref<1x16384x128xf32, #tpu.memory_space<vmem>>, vector<1x512x128xf32>
    %swap3A_441 = vector.shape_cast %swap3A_440 : vector<1x512x128xf32> to vector<512x128xf32>
    %swap3A_442 = vector.shape_cast %add3A_436 : vector<512x128xf32> to vector<1x512x128xf32>
    tpu.vector_store %arg9[%swap3A_437, %swap3A_438, %swap3A_439], %swap3A_442 {strides = array<i32>} : memref<1x16384x128xf32, #tpu.memory_space<vmem>>, vector<1x512x128xf32>,
    %eq3A_443 = arith.constant 13 : i32
    %eq3A_444 = vector.broadcast %eq3A_443 : i32 to vector<64x1xi32>
    %eq3A_445 = arith.cmpi eq, %iota3A_85, %eq3A_444 : vector<64x1xi32>
    %eq3A_446 = arith.constant 45 : i32
    %eq3A_447 = vector.broadcast %eq3A_446 : i32 to vector<64x1xi32>
    %eq3A_448 = arith.cmpi eq, %iota3A_85, %eq3A_447 : vector<64x1xi32>
    %jit3A_449 = arith.constant 0.000000e+00 : f32
    %broadcast_in_dim3A_450 = vector.shape_cast %eq3A_448 : vector<64x1xi1> to vector<64x1xi1>
    %broadcast_in_dim3A_451 = vector.broadcast %broadcast_in_dim3A_450 : vector<64x1xi1> to vector<64x128xi1>
    %broadcast_in_dim3A_452 = vector.shape_cast %sub3A : vector<1x128xf32> to vector<1x128xf32>
    %broadcast_in_dim3A_453 = vector.broadcast %broadcast_in_dim3A_452 : vector<1x128xf32> to vector<64x128xf32>
    %broadcast_in_dim3A_454 = vector.broadcast %jit3A_449 : f32 to vector<64x128xf32>
    %select_n3A_455 = arith.select %broadcast_in_dim3A_451, %broadcast_in_dim3A_453, %broadcast_in_dim3A_454 : vector<64x128xi1>, vector<64x128xf32>
    %broadcast_in_dim3A_456 = vector.shape_cast %eq3A_445 : vector<64x1xi1> to vector<64x1xi1>
    %broadcast_in_dim3A_457 = vector.broadcast %broadcast_in_dim3A_456 : vector<64x1xi1> to vector<64x128xi1>
    %broadcast_in_dim3A_458 = vector.shape_cast %get3A_78 : vector<1x128xf32> to vector<1x128xf32>
    %broadcast_in_dim3A_459 = vector.broadcast %broadcast_in_dim3A_458 : vector<1x128xf32> to vector<64x128xf32>
    %select_n3A_460 = arith.select %broadcast_in_dim3A_457, %broadcast_in_dim3A_459, %select_n3A_455 : vector<64x128xi1>, vector<64x128xf32>
    %dot_general3A_461 = arith.constant dense<0.000000e+00> : vector<512x128xf32>
    %dot_general3A_462 = tpu.matmul %get3A_88, %select_n3A_460, %dot_general3A_461 {dimension_numbers = #tpu.dot_dimension_numbers<[1], [0], [0], [1], [0, 0, 1, 1], [], []>, transpose_lhs_hint = false} : vector<512x64xf32>, vector<64x128xf32>, vector<512x128xf32> -> vector<512x128xf32>
    %add3A_463 = arith.addf %get3A_91, %dot_general3A_462 : vector<512x128xf32>
    %swap3A_464 = arith.constant 0 : index
    %swap3A_465 = arith.constant 6656 : index
    %swap3A_466 = arith.constant 0 : index
    %swap3A_467 = vector.load %arg9[%swap3A_464, %swap3A_465, %swap3A_466] : memref<1x16384x128xf32, #tpu.memory_space<vmem>>, vector<1x512x128xf32>
    %swap3A_468 = vector.shape_cast %swap3A_467 : vector<1x512x128xf32> to vector<512x128xf32>
    %swap3A_469 = vector.shape_cast %add3A_463 : vector<512x128xf32> to vector<1x512x128xf32>
    tpu.vector_store %arg9[%swap3A_464, %swap3A_465, %swap3A_466], %swap3A_469 {strides = array<i32>} : memref<1x16384x128xf32, #tpu.memory_space<vmem>>, vector<1x512x128xf32>,
    %eq3A_470 = arith.constant 14 : i32
    %eq3A_471 = vector.broadcast %eq3A_470 : i32 to vector<64x1xi32>
    %eq3A_472 = arith.cmpi eq, %iota3A_85, %eq3A_471 : vector<64x1xi32>
    %eq3A_473 = arith.constant 46 : i32
    %eq3A_474 = vector.broadcast %eq3A_473 : i32 to vector<64x1xi32>
    %eq3A_475 = arith.cmpi eq, %iota3A_85, %eq3A_474 : vector<64x1xi32>
    %jit3A_476 = arith.constant 0.000000e+00 : f32
    %broadcast_in_dim3A_477 = vector.shape_cast %eq3A_475 : vector<64x1xi1> to vector<64x1xi1>
    %broadcast_in_dim3A_478 = vector.broadcast %broadcast_in_dim3A_477 : vector<64x1xi1> to vector<64x128xi1>
    %broadcast_in_dim3A_479 = vector.shape_cast %sub3A : vector<1x128xf32> to vector<1x128xf32>
    %broadcast_in_dim3A_480 = vector.broadcast %broadcast_in_dim3A_479 : vector<1x128xf32> to vector<64x128xf32>
    %broadcast_in_dim3A_481 = vector.broadcast %jit3A_476 : f32 to vector<64x128xf32>
    %select_n3A_482 = arith.select %broadcast_in_dim3A_478, %broadcast_in_dim3A_480, %broadcast_in_dim3A_481 : vector<64x128xi1>, vector<64x128xf32>
    %broadcast_in_dim3A_483 = vector.shape_cast %eq3A_472 : vector<64x1xi1> to vector<64x1xi1>
    %broadcast_in_dim3A_484 = vector.broadcast %broadcast_in_dim3A_483 : vector<64x1xi1> to vector<64x128xi1>
    %broadcast_in_dim3A_485 = vector.shape_cast %get3A_78 : vector<1x128xf32> to vector<1x128xf32>
    %broadcast_in_dim3A_486 = vector.broadcast %broadcast_in_dim3A_485 : vector<1x128xf32> to vector<64x128xf32>
    %select_n3A_487 = arith.select %broadcast_in_dim3A_484, %broadcast_in_dim3A_486, %select_n3A_482 : vector<64x128xi1>, vector<64x128xf32>
    %dot_general3A_488 = arith.constant dense<0.000000e+00> : vector<512x128xf32>
    %dot_general3A_489 = tpu.matmul %get3A_88, %select_n3A_487, %dot_general3A_488 {dimension_numbers = #tpu.dot_dimension_numbers<[1], [0], [0], [1], [0, 0, 1, 1], [], []>, transpose_lhs_hint = false} : vector<512x64xf32>, vector<64x128xf32>, vector<512x128xf32> -> vector<512x128xf32>
    %add3A_490 = arith.addf %get3A_91, %dot_general3A_489 : vector<512x128xf32>
    %swap3A_491 = arith.constant 0 : index
    %swap3A_492 = arith.constant 7168 : index
    %swap3A_493 = arith.constant 0 : index
    %swap3A_494 = vector.load %arg9[%swap3A_491, %swap3A_492, %swap3A_493] : memref<1x16384x128xf32, #tpu.memory_space<vmem>>, vector<1x512x128xf32>
    %swap3A_495 = vector.shape_cast %swap3A_494 : vector<1x512x128xf32> to vector<512x128xf32>
    %swap3A_496 = vector.shape_cast %add3A_490 : vector<512x128xf32> to vector<1x512x128xf32>
    tpu.vector_store %arg9[%swap3A_491, %swap3A_492, %swap3A_493], %swap3A_496 {strides = array<i32>} : memref<1x16384x128xf32, #tpu.memory_space<vmem>>, vector<1x512x128xf32>,
    %eq3A_497 = arith.constant 15 : i32
    %eq3A_498 = vector.broadcast %eq3A_497 : i32 to vector<64x1xi32>
    %eq3A_499 = arith.cmpi eq, %iota3A_85, %eq3A_498 : vector<64x1xi32>
    %eq3A_500 = arith.constant 47 : i32
    %eq3A_501 = vector.broadcast %eq3A_500 : i32 to vector<64x1xi32>
    %eq3A_502 = arith.cmpi eq, %iota3A_85, %eq3A_501 : vector<64x1xi32>
    %jit3A_503 = arith.constant 0.000000e+00 : f32
    %broadcast_in_dim3A_504 = vector.shape_cast %eq3A_502 : vector<64x1xi1> to vector<64x1xi1>
    %broadcast_in_dim3A_505 = vector.broadcast %broadcast_in_dim3A_504 : vector<64x1xi1> to vector<64x128xi1>
    %broadcast_in_dim3A_506 = vector.shape_cast %sub3A : vector<1x128xf32> to vector<1x128xf32>
    %broadcast_in_dim3A_507 = vector.broadcast %broadcast_in_dim3A_506 : vector<1x128xf32> to vector<64x128xf32>
    %broadcast_in_dim3A_508 = vector.broadcast %jit3A_503 : f32 to vector<64x128xf32>
    %select_n3A_509 = arith.select %broadcast_in_dim3A_505, %broadcast_in_dim3A_507, %broadcast_in_dim3A_508 : vector<64x128xi1>, vector<64x128xf32>
    %broadcast_in_dim3A_510 = vector.shape_cast %eq3A_499 : vector<64x1xi1> to vector<64x1xi1>
    %broadcast_in_dim3A_511 = vector.broadcast %broadcast_in_dim3A_510 : vector<64x1xi1> to vector<64x128xi1>
    %broadcast_in_dim3A_512 = vector.shape_cast %get3A_78 : vector<1x128xf32> to vector<1x128xf32>
    %broadcast_in_dim3A_513 = vector.broadcast %broadcast_in_dim3A_512 : vector<1x128xf32> to vector<64x128xf32>
    %select_n3A_514 = arith.select %broadcast_in_dim3A_511, %broadcast_in_dim3A_513, %select_n3A_509 : vector<64x128xi1>, vector<64x128xf32>
    %dot_general3A_515 = arith.constant dense<0.000000e+00> : vector<512x128xf32>
    %dot_general3A_516 = tpu.matmul %get3A_88, %select_n3A_514, %dot_general3A_515 {dimension_numbers = #tpu.dot_dimension_numbers<[1], [0], [0], [1], [0, 0, 1, 1], [], []>, transpose_lhs_hint = false} : vector<512x64xf32>, vector<64x128xf32>, vector<512x128xf32> -> vector<512x128xf32>
    %add3A_517 = arith.addf %get3A_91, %dot_general3A_516 : vector<512x128xf32>
    %swap3A_518 = arith.constant 0 : index
    %swap3A_519 = arith.constant 7680 : index
    %swap3A_520 = arith.constant 0 : index
    %swap3A_521 = vector.load %arg9[%swap3A_518, %swap3A_519, %swap3A_520] : memref<1x16384x128xf32, #tpu.memory_space<vmem>>, vector<1x512x128xf32>
    %swap3A_522 = vector.shape_cast %swap3A_521 : vector<1x512x128xf32> to vector<512x128xf32>
    %swap3A_523 = vector.shape_cast %add3A_517 : vector<512x128xf32> to vector<1x512x128xf32>
    tpu.vector_store %arg9[%swap3A_518, %swap3A_519, %swap3A_520], %swap3A_523 {strides = array<i32>} : memref<1x16384x128xf32, #tpu.memory_space<vmem>>, vector<1x512x128xf32>,
    %eq3A_524 = arith.constant 16 : i32
    %eq3A_525 = vector.broadcast %eq3A_524 : i32 to vector<64x1xi32>
    %eq3A_526 = arith.cmpi eq, %iota3A_85, %eq3A_525 : vector<64x1xi32>
    %eq3A_527 = arith.constant 48 : i32
    %eq3A_528 = vector.broadcast %eq3A_527 : i32 to vector<64x1xi32>
    %eq3A_529 = arith.cmpi eq, %iota3A_85, %eq3A_528 : vector<64x1xi32>
    %jit3A_530 = arith.constant 0.000000e+00 : f32
    %broadcast_in_dim3A_531 = vector.shape_cast %eq3A_529 : vector<64x1xi1> to vector<64x1xi1>
    %broadcast_in_dim3A_532 = vector.broadcast %broadcast_in_dim3A_531 : vector<64x1xi1> to vector<64x128xi1>
    %broadcast_in_dim3A_533 = vector.shape_cast %sub3A : vector<1x128xf32> to vector<1x128xf32>
    %broadcast_in_dim3A_534 = vector.broadcast %broadcast_in_dim3A_533 : vector<1x128xf32> to vector<64x128xf32>
    %broadcast_in_dim3A_535 = vector.broadcast %jit3A_530 : f32 to vector<64x128xf32>
    %select_n3A_536 = arith.select %broadcast_in_dim3A_532, %broadcast_in_dim3A_534, %broadcast_in_dim3A_535 : vector<64x128xi1>, vector<64x128xf32>
    %broadcast_in_dim3A_537 = vector.shape_cast %eq3A_526 : vector<64x1xi1> to vector<64x1xi1>
    %broadcast_in_dim3A_538 = vector.broadcast %broadcast_in_dim3A_537 : vector<64x1xi1> to vector<64x128xi1>
    %broadcast_in_dim3A_539 = vector.shape_cast %get3A_78 : vector<1x128xf32> to vector<1x128xf32>
    %broadcast_in_dim3A_540 = vector.broadcast %broadcast_in_dim3A_539 : vector<1x128xf32> to vector<64x128xf32>
    %select_n3A_541 = arith.select %broadcast_in_dim3A_538, %broadcast_in_dim3A_540, %select_n3A_536 : vector<64x128xi1>, vector<64x128xf32>
    %dot_general3A_542 = arith.constant dense<0.000000e+00> : vector<512x128xf32>
    %dot_general3A_543 = tpu.matmul %get3A_88, %select_n3A_541, %dot_general3A_542 {dimension_numbers = #tpu.dot_dimension_numbers<[1], [0], [0], [1], [0, 0, 1, 1], [], []>, transpose_lhs_hint = false} : vector<512x64xf32>, vector<64x128xf32>, vector<512x128xf32> -> vector<512x128xf32>
    %add3A_544 = arith.addf %get3A_91, %dot_general3A_543 : vector<512x128xf32>
    %swap3A_545 = arith.constant 0 : index
    %swap3A_546 = arith.constant 8192 : index
    %swap3A_547 = arith.constant 0 : index
    %swap3A_548 = vector.load %arg9[%swap3A_545, %swap3A_546, %swap3A_547] : memref<1x16384x128xf32, #tpu.memory_space<vmem>>, vector<1x512x128xf32>
    %swap3A_549 = vector.shape_cast %swap3A_548 : vector<1x512x128xf32> to vector<512x128xf32>
    %swap3A_550 = vector.shape_cast %add3A_544 : vector<512x128xf32> to vector<1x512x128xf32>
    tpu.vector_store %arg9[%swap3A_545, %swap3A_546, %swap3A_547], %swap3A_550 {strides = array<i32>} : memref<1x16384x128xf32, #tpu.memory_space<vmem>>, vector<1x512x128xf32>,
    %eq3A_551 = arith.constant 17 : i32
    %eq3A_552 = vector.broadcast %eq3A_551 : i32 to vector<64x1xi32>
    %eq3A_553 = arith.cmpi eq, %iota3A_85, %eq3A_552 : vector<64x1xi32>
    %eq3A_554 = arith.constant 49 : i32
    %eq3A_555 = vector.broadcast %eq3A_554 : i32 to vector<64x1xi32>
    %eq3A_556 = arith.cmpi eq, %iota3A_85, %eq3A_555 : vector<64x1xi32>
    %jit3A_557 = arith.constant 0.000000e+00 : f32
    %broadcast_in_dim3A_558 = vector.shape_cast %eq3A_556 : vector<64x1xi1> to vector<64x1xi1>
    %broadcast_in_dim3A_559 = vector.broadcast %broadcast_in_dim3A_558 : vector<64x1xi1> to vector<64x128xi1>
    %broadcast_in_dim3A_560 = vector.shape_cast %sub3A : vector<1x128xf32> to vector<1x128xf32>
    %broadcast_in_dim3A_561 = vector.broadcast %broadcast_in_dim3A_560 : vector<1x128xf32> to vector<64x128xf32>
    %broadcast_in_dim3A_562 = vector.broadcast %jit3A_557 : f32 to vector<64x128xf32>
    %select_n3A_563 = arith.select %broadcast_in_dim3A_559, %broadcast_in_dim3A_561, %broadcast_in_dim3A_562 : vector<64x128xi1>, vector<64x128xf32>
    %broadcast_in_dim3A_564 = vector.shape_cast %eq3A_553 : vector<64x1xi1> to vector<64x1xi1>
    %broadcast_in_dim3A_565 = vector.broadcast %broadcast_in_dim3A_564 : vector<64x1xi1> to vector<64x128xi1>
    %broadcast_in_dim3A_566 = vector.shape_cast %get3A_78 : vector<1x128xf32> to vector<1x128xf32>
    %broadcast_in_dim3A_567 = vector.broadcast %broadcast_in_dim3A_566 : vector<1x128xf32> to vector<64x128xf32>
    %select_n3A_568 = arith.select %broadcast_in_dim3A_565, %broadcast_in_dim3A_567, %select_n3A_563 : vector<64x128xi1>, vector<64x128xf32>
    %dot_general3A_569 = arith.constant dense<0.000000e+00> : vector<512x128xf32>
    %dot_general3A_570 = tpu.matmul %get3A_88, %select_n3A_568, %dot_general3A_569 {dimension_numbers = #tpu.dot_dimension_numbers<[1], [0], [0], [1], [0, 0, 1, 1], [], []>, transpose_lhs_hint = false} : vector<512x64xf32>, vector<64x128xf32>, vector<512x128xf32> -> vector<512x128xf32>
    %add3A_571 = arith.addf %get3A_91, %dot_general3A_570 : vector<512x128xf32>
    %swap3A_572 = arith.constant 0 : index
    %swap3A_573 = arith.constant 8704 : index
    %swap3A_574 = arith.constant 0 : index
    %swap3A_575 = vector.load %arg9[%swap3A_572, %swap3A_573, %swap3A_574] : memref<1x16384x128xf32, #tpu.memory_space<vmem>>, vector<1x512x128xf32>
    %swap3A_576 = vector.shape_cast %swap3A_575 : vector<1x512x128xf32> to vector<512x128xf32>
    %swap3A_577 = vector.shape_cast %add3A_571 : vector<512x128xf32> to vector<1x512x128xf32>
    tpu.vector_store %arg9[%swap3A_572, %swap3A_573, %swap3A_574], %swap3A_577 {strides = array<i32>} : memref<1x16384x128xf32, #tpu.memory_space<vmem>>, vector<1x512x128xf32>,
    %eq3A_578 = arith.constant 18 : i32
    %eq3A_579 = vector.broadcast %eq3A_578 : i32 to vector<64x1xi32>
    %eq3A_580 = arith.cmpi eq, %iota3A_85, %eq3A_579 : vector<64x1xi32>
    %eq3A_581 = arith.constant 50 : i32
    %eq3A_582 = vector.broadcast %eq3A_581 : i32 to vector<64x1xi32>
    %eq3A_583 = arith.cmpi eq, %iota3A_85, %eq3A_582 : vector<64x1xi32>
    %jit3A_584 = arith.constant 0.000000e+00 : f32
    %broadcast_in_dim3A_585 = vector.shape_cast %eq3A_583 : vector<64x1xi1> to vector<64x1xi1>
    %broadcast_in_dim3A_586 = vector.broadcast %broadcast_in_dim3A_585 : vector<64x1xi1> to vector<64x128xi1>
    %broadcast_in_dim3A_587 = vector.shape_cast %sub3A : vector<1x128xf32> to vector<1x128xf32>
    %broadcast_in_dim3A_588 = vector.broadcast %broadcast_in_dim3A_587 : vector<1x128xf32> to vector<64x128xf32>
    %broadcast_in_dim3A_589 = vector.broadcast %jit3A_584 : f32 to vector<64x128xf32>
    %select_n3A_590 = arith.select %broadcast_in_dim3A_586, %broadcast_in_dim3A_588, %broadcast_in_dim3A_589 : vector<64x128xi1>, vector<64x128xf32>
    %broadcast_in_dim3A_591 = vector.shape_cast %eq3A_580 : vector<64x1xi1> to vector<64x1xi1>
    %broadcast_in_dim3A_592 = vector.broadcast %broadcast_in_dim3A_591 : vector<64x1xi1> to vector<64x128xi1>
    %broadcast_in_dim3A_593 = vector.shape_cast %get3A_78 : vector<1x128xf32> to vector<1x128xf32>
    %broadcast_in_dim3A_594 = vector.broadcast %broadcast_in_dim3A_593 : vector<1x128xf32> to vector<64x128xf32>
    %select_n3A_595 = arith.select %broadcast_in_dim3A_592, %broadcast_in_dim3A_594, %select_n3A_590 : vector<64x128xi1>, vector<64x128xf32>
    %dot_general3A_596 = arith.constant dense<0.000000e+00> : vector<512x128xf32>
    %dot_general3A_597 = tpu.matmul %get3A_88, %select_n3A_595, %dot_general3A_596 {dimension_numbers = #tpu.dot_dimension_numbers<[1], [0], [0], [1], [0, 0, 1, 1], [], []>, transpose_lhs_hint = false} : vector<512x64xf32>, vector<64x128xf32>, vector<512x128xf32> -> vector<512x128xf32>
    %add3A_598 = arith.addf %get3A_91, %dot_general3A_597 : vector<512x128xf32>
    %swap3A_599 = arith.constant 0 : index
    %swap3A_600 = arith.constant 9216 : index
    %swap3A_601 = arith.constant 0 : index
    %swap3A_602 = vector.load %arg9[%swap3A_599, %swap3A_600, %swap3A_601] : memref<1x16384x128xf32, #tpu.memory_space<vmem>>, vector<1x512x128xf32>
    %swap3A_603 = vector.shape_cast %swap3A_602 : vector<1x512x128xf32> to vector<512x128xf32>
    %swap3A_604 = vector.shape_cast %add3A_598 : vector<512x128xf32> to vector<1x512x128xf32>
    tpu.vector_store %arg9[%swap3A_599, %swap3A_600, %swap3A_601], %swap3A_604 {strides = array<i32>} : memref<1x16384x128xf32, #tpu.memory_space<vmem>>, vector<1x512x128xf32>,
    %eq3A_605 = arith.constant 19 : i32
    %eq3A_606 = vector.broadcast %eq3A_605 : i32 to vector<64x1xi32>
    %eq3A_607 = arith.cmpi eq, %iota3A_85, %eq3A_606 : vector<64x1xi32>
    %eq3A_608 = arith.constant 51 : i32
    %eq3A_609 = vector.broadcast %eq3A_608 : i32 to vector<64x1xi32>
    %eq3A_610 = arith.cmpi eq, %iota3A_85, %eq3A_609 : vector<64x1xi32>
    %jit3A_611 = arith.constant 0.000000e+00 : f32
    %broadcast_in_dim3A_612 = vector.shape_cast %eq3A_610 : vector<64x1xi1> to vector<64x1xi1>
    %broadcast_in_dim3A_613 = vector.broadcast %broadcast_in_dim3A_612 : vector<64x1xi1> to vector<64x128xi1>
    %broadcast_in_dim3A_614 = vector.shape_cast %sub3A : vector<1x128xf32> to vector<1x128xf32>
    %broadcast_in_dim3A_615 = vector.broadcast %broadcast_in_dim3A_614 : vector<1x128xf32> to vector<64x128xf32>
    %broadcast_in_dim3A_616 = vector.broadcast %jit3A_611 : f32 to vector<64x128xf32>
    %select_n3A_617 = arith.select %broadcast_in_dim3A_613, %broadcast_in_dim3A_615, %broadcast_in_dim3A_616 : vector<64x128xi1>, vector<64x128xf32>
    %broadcast_in_dim3A_618 = vector.shape_cast %eq3A_607 : vector<64x1xi1> to vector<64x1xi1>
    %broadcast_in_dim3A_619 = vector.broadcast %broadcast_in_dim3A_618 : vector<64x1xi1> to vector<64x128xi1>
    %broadcast_in_dim3A_620 = vector.shape_cast %get3A_78 : vector<1x128xf32> to vector<1x128xf32>
    %broadcast_in_dim3A_621 = vector.broadcast %broadcast_in_dim3A_620 : vector<1x128xf32> to vector<64x128xf32>
    %select_n3A_622 = arith.select %broadcast_in_dim3A_619, %broadcast_in_dim3A_621, %select_n3A_617 : vector<64x128xi1>, vector<64x128xf32>
    %dot_general3A_623 = arith.constant dense<0.000000e+00> : vector<512x128xf32>
    %dot_general3A_624 = tpu.matmul %get3A_88, %select_n3A_622, %dot_general3A_623 {dimension_numbers = #tpu.dot_dimension_numbers<[1], [0], [0], [1], [0, 0, 1, 1], [], []>, transpose_lhs_hint = false} : vector<512x64xf32>, vector<64x128xf32>, vector<512x128xf32> -> vector<512x128xf32>
    %add3A_625 = arith.addf %get3A_91, %dot_general3A_624 : vector<512x128xf32>
    %swap3A_626 = arith.constant 0 : index
    %swap3A_627 = arith.constant 9728 : index
    %swap3A_628 = arith.constant 0 : index
    %swap3A_629 = vector.load %arg9[%swap3A_626, %swap3A_627, %swap3A_628] : memref<1x16384x128xf32, #tpu.memory_space<vmem>>, vector<1x512x128xf32>
    %swap3A_630 = vector.shape_cast %swap3A_629 : vector<1x512x128xf32> to vector<512x128xf32>
    %swap3A_631 = vector.shape_cast %add3A_625 : vector<512x128xf32> to vector<1x512x128xf32>
    tpu.vector_store %arg9[%swap3A_626, %swap3A_627, %swap3A_628], %swap3A_631 {strides = array<i32>} : memref<1x16384x128xf32, #tpu.memory_space<vmem>>, vector<1x512x128xf32>,
    %eq3A_632 = arith.constant 20 : i32
    %eq3A_633 = vector.broadcast %eq3A_632 : i32 to vector<64x1xi32>
    %eq3A_634 = arith.cmpi eq, %iota3A_85, %eq3A_633 : vector<64x1xi32>
    %eq3A_635 = arith.constant 52 : i32
    %eq3A_636 = vector.broadcast %eq3A_635 : i32 to vector<64x1xi32>
    %eq3A_637 = arith.cmpi eq, %iota3A_85, %eq3A_636 : vector<64x1xi32>
    %jit3A_638 = arith.constant 0.000000e+00 : f32
    %broadcast_in_dim3A_639 = vector.shape_cast %eq3A_637 : vector<64x1xi1> to vector<64x1xi1>
    %broadcast_in_dim3A_640 = vector.broadcast %broadcast_in_dim3A_639 : vector<64x1xi1> to vector<64x128xi1>
    %broadcast_in_dim3A_641 = vector.shape_cast %sub3A : vector<1x128xf32> to vector<1x128xf32>
    %broadcast_in_dim3A_642 = vector.broadcast %broadcast_in_dim3A_641 : vector<1x128xf32> to vector<64x128xf32>
    %broadcast_in_dim3A_643 = vector.broadcast %jit3A_638 : f32 to vector<64x128xf32>
    %select_n3A_644 = arith.select %broadcast_in_dim3A_640, %broadcast_in_dim3A_642, %broadcast_in_dim3A_643 : vector<64x128xi1>, vector<64x128xf32>
    %broadcast_in_dim3A_645 = vector.shape_cast %eq3A_634 : vector<64x1xi1> to vector<64x1xi1>
    %broadcast_in_dim3A_646 = vector.broadcast %broadcast_in_dim3A_645 : vector<64x1xi1> to vector<64x128xi1>
    %broadcast_in_dim3A_647 = vector.shape_cast %get3A_78 : vector<1x128xf32> to vector<1x128xf32>
    %broadcast_in_dim3A_648 = vector.broadcast %broadcast_in_dim3A_647 : vector<1x128xf32> to vector<64x128xf32>
    %select_n3A_649 = arith.select %broadcast_in_dim3A_646, %broadcast_in_dim3A_648, %select_n3A_644 : vector<64x128xi1>, vector<64x128xf32>
    %dot_general3A_650 = arith.constant dense<0.000000e+00> : vector<512x128xf32>
    %dot_general3A_651 = tpu.matmul %get3A_88, %select_n3A_649, %dot_general3A_650 {dimension_numbers = #tpu.dot_dimension_numbers<[1], [0], [0], [1], [0, 0, 1, 1], [], []>, transpose_lhs_hint = false} : vector<512x64xf32>, vector<64x128xf32>, vector<512x128xf32> -> vector<512x128xf32>
    %add3A_652 = arith.addf %get3A_91, %dot_general3A_651 : vector<512x128xf32>
    %swap3A_653 = arith.constant 0 : index
    %swap3A_654 = arith.constant 10240 : index
    %swap3A_655 = arith.constant 0 : index
    %swap3A_656 = vector.load %arg9[%swap3A_653, %swap3A_654, %swap3A_655] : memref<1x16384x128xf32, #tpu.memory_space<vmem>>, vector<1x512x128xf32>
    %swap3A_657 = vector.shape_cast %swap3A_656 : vector<1x512x128xf32> to vector<512x128xf32>
    %swap3A_658 = vector.shape_cast %add3A_652 : vector<512x128xf32> to vector<1x512x128xf32>
    tpu.vector_store %arg9[%swap3A_653, %swap3A_654, %swap3A_655], %swap3A_658 {strides = array<i32>} : memref<1x16384x128xf32, #tpu.memory_space<vmem>>, vector<1x512x128xf32>,
    %eq3A_659 = arith.constant 21 : i32
    %eq3A_660 = vector.broadcast %eq3A_659 : i32 to vector<64x1xi32>
    %eq3A_661 = arith.cmpi eq, %iota3A_85, %eq3A_660 : vector<64x1xi32>
    %eq3A_662 = arith.constant 53 : i32
    %eq3A_663 = vector.broadcast %eq3A_662 : i32 to vector<64x1xi32>
    %eq3A_664 = arith.cmpi eq, %iota3A_85, %eq3A_663 : vector<64x1xi32>
    %jit3A_665 = arith.constant 0.000000e+00 : f32
    %broadcast_in_dim3A_666 = vector.shape_cast %eq3A_664 : vector<64x1xi1> to vector<64x1xi1>
    %broadcast_in_dim3A_667 = vector.broadcast %broadcast_in_dim3A_666 : vector<64x1xi1> to vector<64x128xi1>
    %broadcast_in_dim3A_668 = vector.shape_cast %sub3A : vector<1x128xf32> to vector<1x128xf32>
    %broadcast_in_dim3A_669 = vector.broadcast %broadcast_in_dim3A_668 : vector<1x128xf32> to vector<64x128xf32>
    %broadcast_in_dim3A_670 = vector.broadcast %jit3A_665 : f32 to vector<64x128xf32>
    %select_n3A_671 = arith.select %broadcast_in_dim3A_667, %broadcast_in_dim3A_669, %broadcast_in_dim3A_670 : vector<64x128xi1>, vector<64x128xf32>
    %broadcast_in_dim3A_672 = vector.shape_cast %eq3A_661 : vector<64x1xi1> to vector<64x1xi1>
    %broadcast_in_dim3A_673 = vector.broadcast %broadcast_in_dim3A_672 : vector<64x1xi1> to vector<64x128xi1>
    %broadcast_in_dim3A_674 = vector.shape_cast %get3A_78 : vector<1x128xf32> to vector<1x128xf32>
    %broadcast_in_dim3A_675 = vector.broadcast %broadcast_in_dim3A_674 : vector<1x128xf32> to vector<64x128xf32>
    %select_n3A_676 = arith.select %broadcast_in_dim3A_673, %broadcast_in_dim3A_675, %select_n3A_671 : vector<64x128xi1>, vector<64x128xf32>
    %dot_general3A_677 = arith.constant dense<0.000000e+00> : vector<512x128xf32>
    %dot_general3A_678 = tpu.matmul %get3A_88, %select_n3A_676, %dot_general3A_677 {dimension_numbers = #tpu.dot_dimension_numbers<[1], [0], [0], [1], [0, 0, 1, 1], [], []>, transpose_lhs_hint = false} : vector<512x64xf32>, vector<64x128xf32>, vector<512x128xf32> -> vector<512x128xf32>
    %add3A_679 = arith.addf %get3A_91, %dot_general3A_678 : vector<512x128xf32>
    %swap3A_680 = arith.constant 0 : index
    %swap3A_681 = arith.constant 10752 : index
    %swap3A_682 = arith.constant 0 : index
    %swap3A_683 = vector.load %arg9[%swap3A_680, %swap3A_681, %swap3A_682] : memref<1x16384x128xf32, #tpu.memory_space<vmem>>, vector<1x512x128xf32>
    %swap3A_684 = vector.shape_cast %swap3A_683 : vector<1x512x128xf32> to vector<512x128xf32>
    %swap3A_685 = vector.shape_cast %add3A_679 : vector<512x128xf32> to vector<1x512x128xf32>
    tpu.vector_store %arg9[%swap3A_680, %swap3A_681, %swap3A_682], %swap3A_685 {strides = array<i32>} : memref<1x16384x128xf32, #tpu.memory_space<vmem>>, vector<1x512x128xf32>,
    %eq3A_686 = arith.constant 22 : i32
    %eq3A_687 = vector.broadcast %eq3A_686 : i32 to vector<64x1xi32>
    %eq3A_688 = arith.cmpi eq, %iota3A_85, %eq3A_687 : vector<64x1xi32>
    %eq3A_689 = arith.constant 54 : i32
    %eq3A_690 = vector.broadcast %eq3A_689 : i32 to vector<64x1xi32>
    %eq3A_691 = arith.cmpi eq, %iota3A_85, %eq3A_690 : vector<64x1xi32>
    %jit3A_692 = arith.constant 0.000000e+00 : f32
    %broadcast_in_dim3A_693 = vector.shape_cast %eq3A_691 : vector<64x1xi1> to vector<64x1xi1>
    %broadcast_in_dim3A_694 = vector.broadcast %broadcast_in_dim3A_693 : vector<64x1xi1> to vector<64x128xi1>
    %broadcast_in_dim3A_695 = vector.shape_cast %sub3A : vector<1x128xf32> to vector<1x128xf32>
    %broadcast_in_dim3A_696 = vector.broadcast %broadcast_in_dim3A_695 : vector<1x128xf32> to vector<64x128xf32>
    %broadcast_in_dim3A_697 = vector.broadcast %jit3A_692 : f32 to vector<64x128xf32>
    %select_n3A_698 = arith.select %broadcast_in_dim3A_694, %broadcast_in_dim3A_696, %broadcast_in_dim3A_697 : vector<64x128xi1>, vector<64x128xf32>
    %broadcast_in_dim3A_699 = vector.shape_cast %eq3A_688 : vector<64x1xi1> to vector<64x1xi1>
    %broadcast_in_dim3A_700 = vector.broadcast %broadcast_in_dim3A_699 : vector<64x1xi1> to vector<64x128xi1>
    %broadcast_in_dim3A_701 = vector.shape_cast %get3A_78 : vector<1x128xf32> to vector<1x128xf32>
    %broadcast_in_dim3A_702 = vector.broadcast %broadcast_in_dim3A_701 : vector<1x128xf32> to vector<64x128xf32>
    %select_n3A_703 = arith.select %broadcast_in_dim3A_700, %broadcast_in_dim3A_702, %select_n3A_698 : vector<64x128xi1>, vector<64x128xf32>
    %dot_general3A_704 = arith.constant dense<0.000000e+00> : vector<512x128xf32>
    %dot_general3A_705 = tpu.matmul %get3A_88, %select_n3A_703, %dot_general3A_704 {dimension_numbers = #tpu.dot_dimension_numbers<[1], [0], [0], [1], [0, 0, 1, 1], [], []>, transpose_lhs_hint = false} : vector<512x64xf32>, vector<64x128xf32>, vector<512x128xf32> -> vector<512x128xf32>
    %add3A_706 = arith.addf %get3A_91, %dot_general3A_705 : vector<512x128xf32>
    %swap3A_707 = arith.constant 0 : index
    %swap3A_708 = arith.constant 11264 : index
    %swap3A_709 = arith.constant 0 : index
    %swap3A_710 = vector.load %arg9[%swap3A_707, %swap3A_708, %swap3A_709] : memref<1x16384x128xf32, #tpu.memory_space<vmem>>, vector<1x512x128xf32>
    %swap3A_711 = vector.shape_cast %swap3A_710 : vector<1x512x128xf32> to vector<512x128xf32>
    %swap3A_712 = vector.shape_cast %add3A_706 : vector<512x128xf32> to vector<1x512x128xf32>
    tpu.vector_store %arg9[%swap3A_707, %swap3A_708, %swap3A_709], %swap3A_712 {strides = array<i32>} : memref<1x16384x128xf32, #tpu.memory_space<vmem>>, vector<1x512x128xf32>,
    %eq3A_713 = arith.constant 23 : i32
    %eq3A_714 = vector.broadcast %eq3A_713 : i32 to vector<64x1xi32>
    %eq3A_715 = arith.cmpi eq, %iota3A_85, %eq3A_714 : vector<64x1xi32>
    %eq3A_716 = arith.constant 55 : i32
    %eq3A_717 = vector.broadcast %eq3A_716 : i32 to vector<64x1xi32>
    %eq3A_718 = arith.cmpi eq, %iota3A_85, %eq3A_717 : vector<64x1xi32>
    %jit3A_719 = arith.constant 0.000000e+00 : f32
    %broadcast_in_dim3A_720 = vector.shape_cast %eq3A_718 : vector<64x1xi1> to vector<64x1xi1>
    %broadcast_in_dim3A_721 = vector.broadcast %broadcast_in_dim3A_720 : vector<64x1xi1> to vector<64x128xi1>
    %broadcast_in_dim3A_722 = vector.shape_cast %sub3A : vector<1x128xf32> to vector<1x128xf32>
    %broadcast_in_dim3A_723 = vector.broadcast %broadcast_in_dim3A_722 : vector<1x128xf32> to vector<64x128xf32>
    %broadcast_in_dim3A_724 = vector.broadcast %jit3A_719 : f32 to vector<64x128xf32>
    %select_n3A_725 = arith.select %broadcast_in_dim3A_721, %broadcast_in_dim3A_723, %broadcast_in_dim3A_724 : vector<64x128xi1>, vector<64x128xf32>
    %broadcast_in_dim3A_726 = vector.shape_cast %eq3A_715 : vector<64x1xi1> to vector<64x1xi1>
    %broadcast_in_dim3A_727 = vector.broadcast %broadcast_in_dim3A_726 : vector<64x1xi1> to vector<64x128xi1>
    %broadcast_in_dim3A_728 = vector.shape_cast %get3A_78 : vector<1x128xf32> to vector<1x128xf32>
    %broadcast_in_dim3A_729 = vector.broadcast %broadcast_in_dim3A_728 : vector<1x128xf32> to vector<64x128xf32>
    %select_n3A_730 = arith.select %broadcast_in_dim3A_727, %broadcast_in_dim3A_729, %select_n3A_725 : vector<64x128xi1>, vector<64x128xf32>
    %dot_general3A_731 = arith.constant dense<0.000000e+00> : vector<512x128xf32>
    %dot_general3A_732 = tpu.matmul %get3A_88, %select_n3A_730, %dot_general3A_731 {dimension_numbers = #tpu.dot_dimension_numbers<[1], [0], [0], [1], [0, 0, 1, 1], [], []>, transpose_lhs_hint = false} : vector<512x64xf32>, vector<64x128xf32>, vector<512x128xf32> -> vector<512x128xf32>
    %add3A_733 = arith.addf %get3A_91, %dot_general3A_732 : vector<512x128xf32>
    %swap3A_734 = arith.constant 0 : index
    %swap3A_735 = arith.constant 11776 : index
    %swap3A_736 = arith.constant 0 : index
    %swap3A_737 = vector.load %arg9[%swap3A_734, %swap3A_735, %swap3A_736] : memref<1x16384x128xf32, #tpu.memory_space<vmem>>, vector<1x512x128xf32>
    %swap3A_738 = vector.shape_cast %swap3A_737 : vector<1x512x128xf32> to vector<512x128xf32>
    %swap3A_739 = vector.shape_cast %add3A_733 : vector<512x128xf32> to vector<1x512x128xf32>
    tpu.vector_store %arg9[%swap3A_734, %swap3A_735, %swap3A_736], %swap3A_739 {strides = array<i32>} : memref<1x16384x128xf32, #tpu.memory_space<vmem>>, vector<1x512x128xf32>,
    %eq3A_740 = arith.constant 24 : i32
    %eq3A_741 = vector.broadcast %eq3A_740 : i32 to vector<64x1xi32>
    %eq3A_742 = arith.cmpi eq, %iota3A_85, %eq3A_741 : vector<64x1xi32>
    %eq3A_743 = arith.constant 56 : i32
    %eq3A_744 = vector.broadcast %eq3A_743 : i32 to vector<64x1xi32>
    %eq3A_745 = arith.cmpi eq, %iota3A_85, %eq3A_744 : vector<64x1xi32>
    %jit3A_746 = arith.constant 0.000000e+00 : f32
    %broadcast_in_dim3A_747 = vector.shape_cast %eq3A_745 : vector<64x1xi1> to vector<64x1xi1>
    %broadcast_in_dim3A_748 = vector.broadcast %broadcast_in_dim3A_747 : vector<64x1xi1> to vector<64x128xi1>
    %broadcast_in_dim3A_749 = vector.shape_cast %sub3A : vector<1x128xf32> to vector<1x128xf32>
    %broadcast_in_dim3A_750 = vector.broadcast %broadcast_in_dim3A_749 : vector<1x128xf32> to vector<64x128xf32>
    %broadcast_in_dim3A_751 = vector.broadcast %jit3A_746 : f32 to vector<64x128xf32>
    %select_n3A_752 = arith.select %broadcast_in_dim3A_748, %broadcast_in_dim3A_750, %broadcast_in_dim3A_751 : vector<64x128xi1>, vector<64x128xf32>
    %broadcast_in_dim3A_753 = vector.shape_cast %eq3A_742 : vector<64x1xi1> to vector<64x1xi1>
    %broadcast_in_dim3A_754 = vector.broadcast %broadcast_in_dim3A_753 : vector<64x1xi1> to vector<64x128xi1>
    %broadcast_in_dim3A_755 = vector.shape_cast %get3A_78 : vector<1x128xf32> to vector<1x128xf32>
    %broadcast_in_dim3A_756 = vector.broadcast %broadcast_in_dim3A_755 : vector<1x128xf32> to vector<64x128xf32>
    %select_n3A_757 = arith.select %broadcast_in_dim3A_754, %broadcast_in_dim3A_756, %select_n3A_752 : vector<64x128xi1>, vector<64x128xf32>
    %dot_general3A_758 = arith.constant dense<0.000000e+00> : vector<512x128xf32>
    %dot_general3A_759 = tpu.matmul %get3A_88, %select_n3A_757, %dot_general3A_758 {dimension_numbers = #tpu.dot_dimension_numbers<[1], [0], [0], [1], [0, 0, 1, 1], [], []>, transpose_lhs_hint = false} : vector<512x64xf32>, vector<64x128xf32>, vector<512x128xf32> -> vector<512x128xf32>
    %add3A_760 = arith.addf %get3A_91, %dot_general3A_759 : vector<512x128xf32>
    %swap3A_761 = arith.constant 0 : index
    %swap3A_762 = arith.constant 12288 : index
    %swap3A_763 = arith.constant 0 : index
    %swap3A_764 = vector.load %arg9[%swap3A_761, %swap3A_762, %swap3A_763] : memref<1x16384x128xf32, #tpu.memory_space<vmem>>, vector<1x512x128xf32>
    %swap3A_765 = vector.shape_cast %swap3A_764 : vector<1x512x128xf32> to vector<512x128xf32>
    %swap3A_766 = vector.shape_cast %add3A_760 : vector<512x128xf32> to vector<1x512x128xf32>
    tpu.vector_store %arg9[%swap3A_761, %swap3A_762, %swap3A_763], %swap3A_766 {strides = array<i32>} : memref<1x16384x128xf32, #tpu.memory_space<vmem>>, vector<1x512x128xf32>,
    %eq3A_767 = arith.constant 25 : i32
    %eq3A_768 = vector.broadcast %eq3A_767 : i32 to vector<64x1xi32>
    %eq3A_769 = arith.cmpi eq, %iota3A_85, %eq3A_768 : vector<64x1xi32>
    %eq3A_770 = arith.constant 57 : i32
    %eq3A_771 = vector.broadcast %eq3A_770 : i32 to vector<64x1xi32>
    %eq3A_772 = arith.cmpi eq, %iota3A_85, %eq3A_771 : vector<64x1xi32>
    %jit3A_773 = arith.constant 0.000000e+00 : f32
    %broadcast_in_dim3A_774 = vector.shape_cast %eq3A_772 : vector<64x1xi1> to vector<64x1xi1>
    %broadcast_in_dim3A_775 = vector.broadcast %broadcast_in_dim3A_774 : vector<64x1xi1> to vector<64x128xi1>
    %broadcast_in_dim3A_776 = vector.shape_cast %sub3A : vector<1x128xf32> to vector<1x128xf32>
    %broadcast_in_dim3A_777 = vector.broadcast %broadcast_in_dim3A_776 : vector<1x128xf32> to vector<64x128xf32>
    %broadcast_in_dim3A_778 = vector.broadcast %jit3A_773 : f32 to vector<64x128xf32>
    %select_n3A_779 = arith.select %broadcast_in_dim3A_775, %broadcast_in_dim3A_777, %broadcast_in_dim3A_778 : vector<64x128xi1>, vector<64x128xf32>
    %broadcast_in_dim3A_780 = vector.shape_cast %eq3A_769 : vector<64x1xi1> to vector<64x1xi1>
    %broadcast_in_dim3A_781 = vector.broadcast %broadcast_in_dim3A_780 : vector<64x1xi1> to vector<64x128xi1>
    %broadcast_in_dim3A_782 = vector.shape_cast %get3A_78 : vector<1x128xf32> to vector<1x128xf32>
    %broadcast_in_dim3A_783 = vector.broadcast %broadcast_in_dim3A_782 : vector<1x128xf32> to vector<64x128xf32>
    %select_n3A_784 = arith.select %broadcast_in_dim3A_781, %broadcast_in_dim3A_783, %select_n3A_779 : vector<64x128xi1>, vector<64x128xf32>
    %dot_general3A_785 = arith.constant dense<0.000000e+00> : vector<512x128xf32>
    %dot_general3A_786 = tpu.matmul %get3A_88, %select_n3A_784, %dot_general3A_785 {dimension_numbers = #tpu.dot_dimension_numbers<[1], [0], [0], [1], [0, 0, 1, 1], [], []>, transpose_lhs_hint = false} : vector<512x64xf32>, vector<64x128xf32>, vector<512x128xf32> -> vector<512x128xf32>
    %add3A_787 = arith.addf %get3A_91, %dot_general3A_786 : vector<512x128xf32>
    %swap3A_788 = arith.constant 0 : index
    %swap3A_789 = arith.constant 12800 : index
    %swap3A_790 = arith.constant 0 : index
    %swap3A_791 = vector.load %arg9[%swap3A_788, %swap3A_789, %swap3A_790] : memref<1x16384x128xf32, #tpu.memory_space<vmem>>, vector<1x512x128xf32>
    %swap3A_792 = vector.shape_cast %swap3A_791 : vector<1x512x128xf32> to vector<512x128xf32>
    %swap3A_793 = vector.shape_cast %add3A_787 : vector<512x128xf32> to vector<1x512x128xf32>
    tpu.vector_store %arg9[%swap3A_788, %swap3A_789, %swap3A_790], %swap3A_793 {strides = array<i32>} : memref<1x16384x128xf32, #tpu.memory_space<vmem>>, vector<1x512x128xf32>,
    %eq3A_794 = arith.constant 26 : i32
    %eq3A_795 = vector.broadcast %eq3A_794 : i32 to vector<64x1xi32>
    %eq3A_796 = arith.cmpi eq, %iota3A_85, %eq3A_795 : vector<64x1xi32>
    %eq3A_797 = arith.constant 58 : i32
    %eq3A_798 = vector.broadcast %eq3A_797 : i32 to vector<64x1xi32>
    %eq3A_799 = arith.cmpi eq, %iota3A_85, %eq3A_798 : vector<64x1xi32>
    %jit3A_800 = arith.constant 0.000000e+00 : f32
    %broadcast_in_dim3A_801 = vector.shape_cast %eq3A_799 : vector<64x1xi1> to vector<64x1xi1>
    %broadcast_in_dim3A_802 = vector.broadcast %broadcast_in_dim3A_801 : vector<64x1xi1> to vector<64x128xi1>
    %broadcast_in_dim3A_803 = vector.shape_cast %sub3A : vector<1x128xf32> to vector<1x128xf32>
    %broadcast_in_dim3A_804 = vector.broadcast %broadcast_in_dim3A_803 : vector<1x128xf32> to vector<64x128xf32>
    %broadcast_in_dim3A_805 = vector.broadcast %jit3A_800 : f32 to vector<64x128xf32>
    %select_n3A_806 = arith.select %broadcast_in_dim3A_802, %broadcast_in_dim3A_804, %broadcast_in_dim3A_805 : vector<64x128xi1>, vector<64x128xf32>
    %broadcast_in_dim3A_807 = vector.shape_cast %eq3A_796 : vector<64x1xi1> to vector<64x1xi1>
    %broadcast_in_dim3A_808 = vector.broadcast %broadcast_in_dim3A_807 : vector<64x1xi1> to vector<64x128xi1>
    %broadcast_in_dim3A_809 = vector.shape_cast %get3A_78 : vector<1x128xf32> to vector<1x128xf32>
    %broadcast_in_dim3A_810 = vector.broadcast %broadcast_in_dim3A_809 : vector<1x128xf32> to vector<64x128xf32>
    %select_n3A_811 = arith.select %broadcast_in_dim3A_808, %broadcast_in_dim3A_810, %select_n3A_806 : vector<64x128xi1>, vector<64x128xf32>
    %dot_general3A_812 = arith.constant dense<0.000000e+00> : vector<512x128xf32>
    %dot_general3A_813 = tpu.matmul %get3A_88, %select_n3A_811, %dot_general3A_812 {dimension_numbers = #tpu.dot_dimension_numbers<[1], [0], [0], [1], [0, 0, 1, 1], [], []>, transpose_lhs_hint = false} : vector<512x64xf32>, vector<64x128xf32>, vector<512x128xf32> -> vector<512x128xf32>
    %add3A_814 = arith.addf %get3A_91, %dot_general3A_813 : vector<512x128xf32>
    %swap3A_815 = arith.constant 0 : index
    %swap3A_816 = arith.constant 13312 : index
    %swap3A_817 = arith.constant 0 : index
    %swap3A_818 = vector.load %arg9[%swap3A_815, %swap3A_816, %swap3A_817] : memref<1x16384x128xf32, #tpu.memory_space<vmem>>, vector<1x512x128xf32>
    %swap3A_819 = vector.shape_cast %swap3A_818 : vector<1x512x128xf32> to vector<512x128xf32>
    %swap3A_820 = vector.shape_cast %add3A_814 : vector<512x128xf32> to vector<1x512x128xf32>
    tpu.vector_store %arg9[%swap3A_815, %swap3A_816, %swap3A_817], %swap3A_820 {strides = array<i32>} : memref<1x16384x128xf32, #tpu.memory_space<vmem>>, vector<1x512x128xf32>,
    %eq3A_821 = arith.constant 27 : i32
    %eq3A_822 = vector.broadcast %eq3A_821 : i32 to vector<64x1xi32>
    %eq3A_823 = arith.cmpi eq, %iota3A_85, %eq3A_822 : vector<64x1xi32>
    %eq3A_824 = arith.constant 59 : i32
    %eq3A_825 = vector.broadcast %eq3A_824 : i32 to vector<64x1xi32>
    %eq3A_826 = arith.cmpi eq, %iota3A_85, %eq3A_825 : vector<64x1xi32>
    %jit3A_827 = arith.constant 0.000000e+00 : f32
    %broadcast_in_dim3A_828 = vector.shape_cast %eq3A_826 : vector<64x1xi1> to vector<64x1xi1>
    %broadcast_in_dim3A_829 = vector.broadcast %broadcast_in_dim3A_828 : vector<64x1xi1> to vector<64x128xi1>
    %broadcast_in_dim3A_830 = vector.shape_cast %sub3A : vector<1x128xf32> to vector<1x128xf32>
    %broadcast_in_dim3A_831 = vector.broadcast %broadcast_in_dim3A_830 : vector<1x128xf32> to vector<64x128xf32>
    %broadcast_in_dim3A_832 = vector.broadcast %jit3A_827 : f32 to vector<64x128xf32>
    %select_n3A_833 = arith.select %broadcast_in_dim3A_829, %broadcast_in_dim3A_831, %broadcast_in_dim3A_832 : vector<64x128xi1>, vector<64x128xf32>
    %broadcast_in_dim3A_834 = vector.shape_cast %eq3A_823 : vector<64x1xi1> to vector<64x1xi1>
    %broadcast_in_dim3A_835 = vector.broadcast %broadcast_in_dim3A_834 : vector<64x1xi1> to vector<64x128xi1>
    %broadcast_in_dim3A_836 = vector.shape_cast %get3A_78 : vector<1x128xf32> to vector<1x128xf32>
    %broadcast_in_dim3A_837 = vector.broadcast %broadcast_in_dim3A_836 : vector<1x128xf32> to vector<64x128xf32>
    %select_n3A_838 = arith.select %broadcast_in_dim3A_835, %broadcast_in_dim3A_837, %select_n3A_833 : vector<64x128xi1>, vector<64x128xf32>
    %dot_general3A_839 = arith.constant dense<0.000000e+00> : vector<512x128xf32>
    %dot_general3A_840 = tpu.matmul %get3A_88, %select_n3A_838, %dot_general3A_839 {dimension_numbers = #tpu.dot_dimension_numbers<[1], [0], [0], [1], [0, 0, 1, 1], [], []>, transpose_lhs_hint = false} : vector<512x64xf32>, vector<64x128xf32>, vector<512x128xf32> -> vector<512x128xf32>
    %add3A_841 = arith.addf %get3A_91, %dot_general3A_840 : vector<512x128xf32>
    %swap3A_842 = arith.constant 0 : index
    %swap3A_843 = arith.constant 13824 : index
    %swap3A_844 = arith.constant 0 : index
    %swap3A_845 = vector.load %arg9[%swap3A_842, %swap3A_843, %swap3A_844] : memref<1x16384x128xf32, #tpu.memory_space<vmem>>, vector<1x512x128xf32>
    %swap3A_846 = vector.shape_cast %swap3A_845 : vector<1x512x128xf32> to vector<512x128xf32>
    %swap3A_847 = vector.shape_cast %add3A_841 : vector<512x128xf32> to vector<1x512x128xf32>
    tpu.vector_store %arg9[%swap3A_842, %swap3A_843, %swap3A_844], %swap3A_847 {strides = array<i32>} : memref<1x16384x128xf32, #tpu.memory_space<vmem>>, vector<1x512x128xf32>,
    %eq3A_848 = arith.constant 28 : i32
    %eq3A_849 = vector.broadcast %eq3A_848 : i32 to vector<64x1xi32>
    %eq3A_850 = arith.cmpi eq, %iota3A_85, %eq3A_849 : vector<64x1xi32>
    %eq3A_851 = arith.constant 60 : i32
    %eq3A_852 = vector.broadcast %eq3A_851 : i32 to vector<64x1xi32>
    %eq3A_853 = arith.cmpi eq, %iota3A_85, %eq3A_852 : vector<64x1xi32>
    %jit3A_854 = arith.constant 0.000000e+00 : f32
    %broadcast_in_dim3A_855 = vector.shape_cast %eq3A_853 : vector<64x1xi1> to vector<64x1xi1>
    %broadcast_in_dim3A_856 = vector.broadcast %broadcast_in_dim3A_855 : vector<64x1xi1> to vector<64x128xi1>
    %broadcast_in_dim3A_857 = vector.shape_cast %sub3A : vector<1x128xf32> to vector<1x128xf32>
    %broadcast_in_dim3A_858 = vector.broadcast %broadcast_in_dim3A_857 : vector<1x128xf32> to vector<64x128xf32>
    %broadcast_in_dim3A_859 = vector.broadcast %jit3A_854 : f32 to vector<64x128xf32>
    %select_n3A_860 = arith.select %broadcast_in_dim3A_856, %broadcast_in_dim3A_858, %broadcast_in_dim3A_859 : vector<64x128xi1>, vector<64x128xf32>
    %broadcast_in_dim3A_861 = vector.shape_cast %eq3A_850 : vector<64x1xi1> to vector<64x1xi1>
    %broadcast_in_dim3A_862 = vector.broadcast %broadcast_in_dim3A_861 : vector<64x1xi1> to vector<64x128xi1>
    %broadcast_in_dim3A_863 = vector.shape_cast %get3A_78 : vector<1x128xf32> to vector<1x128xf32>
    %broadcast_in_dim3A_864 = vector.broadcast %broadcast_in_dim3A_863 : vector<1x128xf32> to vector<64x128xf32>
    %select_n3A_865 = arith.select %broadcast_in_dim3A_862, %broadcast_in_dim3A_864, %select_n3A_860 : vector<64x128xi1>, vector<64x128xf32>
    %dot_general3A_866 = arith.constant dense<0.000000e+00> : vector<512x128xf32>
    %dot_general3A_867 = tpu.matmul %get3A_88, %select_n3A_865, %dot_general3A_866 {dimension_numbers = #tpu.dot_dimension_numbers<[1], [0], [0], [1], [0, 0, 1, 1], [], []>, transpose_lhs_hint = false} : vector<512x64xf32>, vector<64x128xf32>, vector<512x128xf32> -> vector<512x128xf32>
    %add3A_868 = arith.addf %get3A_91, %dot_general3A_867 : vector<512x128xf32>
    %swap3A_869 = arith.constant 0 : index
    %swap3A_870 = arith.constant 14336 : index
    %swap3A_871 = arith.constant 0 : index
    %swap3A_872 = vector.load %arg9[%swap3A_869, %swap3A_870, %swap3A_871] : memref<1x16384x128xf32, #tpu.memory_space<vmem>>, vector<1x512x128xf32>
    %swap3A_873 = vector.shape_cast %swap3A_872 : vector<1x512x128xf32> to vector<512x128xf32>
    %swap3A_874 = vector.shape_cast %add3A_868 : vector<512x128xf32> to vector<1x512x128xf32>
    tpu.vector_store %arg9[%swap3A_869, %swap3A_870, %swap3A_871], %swap3A_874 {strides = array<i32>} : memref<1x16384x128xf32, #tpu.memory_space<vmem>>, vector<1x512x128xf32>,
    %eq3A_875 = arith.constant 29 : i32
    %eq3A_876 = vector.broadcast %eq3A_875 : i32 to vector<64x1xi32>
    %eq3A_877 = arith.cmpi eq, %iota3A_85, %eq3A_876 : vector<64x1xi32>
    %eq3A_878 = arith.constant 61 : i32
    %eq3A_879 = vector.broadcast %eq3A_878 : i32 to vector<64x1xi32>
    %eq3A_880 = arith.cmpi eq, %iota3A_85, %eq3A_879 : vector<64x1xi32>
    %jit3A_881 = arith.constant 0.000000e+00 : f32
    %broadcast_in_dim3A_882 = vector.shape_cast %eq3A_880 : vector<64x1xi1> to vector<64x1xi1>
    %broadcast_in_dim3A_883 = vector.broadcast %broadcast_in_dim3A_882 : vector<64x1xi1> to vector<64x128xi1>
    %broadcast_in_dim3A_884 = vector.shape_cast %sub3A : vector<1x128xf32> to vector<1x128xf32>
    %broadcast_in_dim3A_885 = vector.broadcast %broadcast_in_dim3A_884 : vector<1x128xf32> to vector<64x128xf32>
    %broadcast_in_dim3A_886 = vector.broadcast %jit3A_881 : f32 to vector<64x128xf32>
    %select_n3A_887 = arith.select %broadcast_in_dim3A_883, %broadcast_in_dim3A_885, %broadcast_in_dim3A_886 : vector<64x128xi1>, vector<64x128xf32>
    %broadcast_in_dim3A_888 = vector.shape_cast %eq3A_877 : vector<64x1xi1> to vector<64x1xi1>
    %broadcast_in_dim3A_889 = vector.broadcast %broadcast_in_dim3A_888 : vector<64x1xi1> to vector<64x128xi1>
    %broadcast_in_dim3A_890 = vector.shape_cast %get3A_78 : vector<1x128xf32> to vector<1x128xf32>
    %broadcast_in_dim3A_891 = vector.broadcast %broadcast_in_dim3A_890 : vector<1x128xf32> to vector<64x128xf32>
    %select_n3A_892 = arith.select %broadcast_in_dim3A_889, %broadcast_in_dim3A_891, %select_n3A_887 : vector<64x128xi1>, vector<64x128xf32>
    %dot_general3A_893 = arith.constant dense<0.000000e+00> : vector<512x128xf32>
    %dot_general3A_894 = tpu.matmul %get3A_88, %select_n3A_892, %dot_general3A_893 {dimension_numbers = #tpu.dot_dimension_numbers<[1], [0], [0], [1], [0, 0, 1, 1], [], []>, transpose_lhs_hint = false} : vector<512x64xf32>, vector<64x128xf32>, vector<512x128xf32> -> vector<512x128xf32>
    %add3A_895 = arith.addf %get3A_91, %dot_general3A_894 : vector<512x128xf32>
    %swap3A_896 = arith.constant 0 : index
    %swap3A_897 = arith.constant 14848 : index
    %swap3A_898 = arith.constant 0 : index
    %swap3A_899 = vector.load %arg9[%swap3A_896, %swap3A_897, %swap3A_898] : memref<1x16384x128xf32, #tpu.memory_space<vmem>>, vector<1x512x128xf32>
    %swap3A_900 = vector.shape_cast %swap3A_899 : vector<1x512x128xf32> to vector<512x128xf32>
    %swap3A_901 = vector.shape_cast %add3A_895 : vector<512x128xf32> to vector<1x512x128xf32>
    tpu.vector_store %arg9[%swap3A_896, %swap3A_897, %swap3A_898], %swap3A_901 {strides = array<i32>} : memref<1x16384x128xf32, #tpu.memory_space<vmem>>, vector<1x512x128xf32>,
    %eq3A_902 = arith.constant 30 : i32
    %eq3A_903 = vector.broadcast %eq3A_902 : i32 to vector<64x1xi32>
    %eq3A_904 = arith.cmpi eq, %iota3A_85, %eq3A_903 : vector<64x1xi32>
    %eq3A_905 = arith.constant 62 : i32
    %eq3A_906 = vector.broadcast %eq3A_905 : i32 to vector<64x1xi32>
    %eq3A_907 = arith.cmpi eq, %iota3A_85, %eq3A_906 : vector<64x1xi32>
    %jit3A_908 = arith.constant 0.000000e+00 : f32
    %broadcast_in_dim3A_909 = vector.shape_cast %eq3A_907 : vector<64x1xi1> to vector<64x1xi1>
    %broadcast_in_dim3A_910 = vector.broadcast %broadcast_in_dim3A_909 : vector<64x1xi1> to vector<64x128xi1>
    %broadcast_in_dim3A_911 = vector.shape_cast %sub3A : vector<1x128xf32> to vector<1x128xf32>
    %broadcast_in_dim3A_912 = vector.broadcast %broadcast_in_dim3A_911 : vector<1x128xf32> to vector<64x128xf32>
    %broadcast_in_dim3A_913 = vector.broadcast %jit3A_908 : f32 to vector<64x128xf32>
    %select_n3A_914 = arith.select %broadcast_in_dim3A_910, %broadcast_in_dim3A_912, %broadcast_in_dim3A_913 : vector<64x128xi1>, vector<64x128xf32>
    %broadcast_in_dim3A_915 = vector.shape_cast %eq3A_904 : vector<64x1xi1> to vector<64x1xi1>
    %broadcast_in_dim3A_916 = vector.broadcast %broadcast_in_dim3A_915 : vector<64x1xi1> to vector<64x128xi1>
    %broadcast_in_dim3A_917 = vector.shape_cast %get3A_78 : vector<1x128xf32> to vector<1x128xf32>
    %broadcast_in_dim3A_918 = vector.broadcast %broadcast_in_dim3A_917 : vector<1x128xf32> to vector<64x128xf32>
    %select_n3A_919 = arith.select %broadcast_in_dim3A_916, %broadcast_in_dim3A_918, %select_n3A_914 : vector<64x128xi1>, vector<64x128xf32>
    %dot_general3A_920 = arith.constant dense<0.000000e+00> : vector<512x128xf32>
    %dot_general3A_921 = tpu.matmul %get3A_88, %select_n3A_919, %dot_general3A_920 {dimension_numbers = #tpu.dot_dimension_numbers<[1], [0], [0], [1], [0, 0, 1, 1], [], []>, transpose_lhs_hint = false} : vector<512x64xf32>, vector<64x128xf32>, vector<512x128xf32> -> vector<512x128xf32>
    %add3A_922 = arith.addf %get3A_91, %dot_general3A_921 : vector<512x128xf32>
    %swap3A_923 = arith.constant 0 : index
    %swap3A_924 = arith.constant 15360 : index
    %swap3A_925 = arith.constant 0 : index
    %swap3A_926 = vector.load %arg9[%swap3A_923, %swap3A_924, %swap3A_925] : memref<1x16384x128xf32, #tpu.memory_space<vmem>>, vector<1x512x128xf32>
    %swap3A_927 = vector.shape_cast %swap3A_926 : vector<1x512x128xf32> to vector<512x128xf32>
    %swap3A_928 = vector.shape_cast %add3A_922 : vector<512x128xf32> to vector<1x512x128xf32>
    tpu.vector_store %arg9[%swap3A_923, %swap3A_924, %swap3A_925], %swap3A_928 {strides = array<i32>} : memref<1x16384x128xf32, #tpu.memory_space<vmem>>, vector<1x512x128xf32>,
    %eq3A_929 = arith.constant 31 : i32
    %eq3A_930 = vector.broadcast %eq3A_929 : i32 to vector<64x1xi32>
    %eq3A_931 = arith.cmpi eq, %iota3A_85, %eq3A_930 : vector<64x1xi32>
    %eq3A_932 = arith.constant 63 : i32
    %eq3A_933 = vector.broadcast %eq3A_932 : i32 to vector<64x1xi32>
    %eq3A_934 = arith.cmpi eq, %iota3A_85, %eq3A_933 : vector<64x1xi32>
    %jit3A_935 = arith.constant 0.000000e+00 : f32
    %broadcast_in_dim3A_936 = vector.shape_cast %eq3A_934 : vector<64x1xi1> to vector<64x1xi1>
    %broadcast_in_dim3A_937 = vector.broadcast %broadcast_in_dim3A_936 : vector<64x1xi1> to vector<64x128xi1>
    %broadcast_in_dim3A_938 = vector.shape_cast %sub3A : vector<1x128xf32> to vector<1x128xf32>
    %broadcast_in_dim3A_939 = vector.broadcast %broadcast_in_dim3A_938 : vector<1x128xf32> to vector<64x128xf32>
    %broadcast_in_dim3A_940 = vector.broadcast %jit3A_935 : f32 to vector<64x128xf32>
    %select_n3A_941 = arith.select %broadcast_in_dim3A_937, %broadcast_in_dim3A_939, %broadcast_in_dim3A_940 : vector<64x128xi1>, vector<64x128xf32>
    %broadcast_in_dim3A_942 = vector.shape_cast %eq3A_931 : vector<64x1xi1> to vector<64x1xi1>
    %broadcast_in_dim3A_943 = vector.broadcast %broadcast_in_dim3A_942 : vector<64x1xi1> to vector<64x128xi1>
    %broadcast_in_dim3A_944 = vector.shape_cast %get3A_78 : vector<1x128xf32> to vector<1x128xf32>
    %broadcast_in_dim3A_945 = vector.broadcast %broadcast_in_dim3A_944 : vector<1x128xf32> to vector<64x128xf32>
    %select_n3A_946 = arith.select %broadcast_in_dim3A_943, %broadcast_in_dim3A_945, %select_n3A_941 : vector<64x128xi1>, vector<64x128xf32>
    %dot_general3A_947 = arith.constant dense<0.000000e+00> : vector<512x128xf32>
    %dot_general3A_948 = tpu.matmul %get3A_88, %select_n3A_946, %dot_general3A_947 {dimension_numbers = #tpu.dot_dimension_numbers<[1], [0], [0], [1], [0, 0, 1, 1], [], []>, transpose_lhs_hint = false} : vector<512x64xf32>, vector<64x128xf32>, vector<512x128xf32> -> vector<512x128xf32>
    %add3A_949 = arith.addf %get3A_91, %dot_general3A_948 : vector<512x128xf32>
    %swap3A_950 = arith.constant 0 : index
    %swap3A_951 = arith.constant 15872 : index
    %swap3A_952 = arith.constant 0 : index
    %swap3A_953 = vector.load %arg9[%swap3A_950, %swap3A_951, %swap3A_952] : memref<1x16384x128xf32, #tpu.memory_space<vmem>>, vector<1x512x128xf32>
    %swap3A_954 = vector.shape_cast %swap3A_953 : vector<1x512x128xf32> to vector<512x128xf32>
    %swap3A_955 = vector.shape_cast %add3A_949 : vector<512x128xf32> to vector<1x512x128xf32>
    tpu.vector_store %arg9[%swap3A_950, %swap3A_951, %swap3A_952], %swap3A_955 {strides = array<i32>} : memref<1x16384x128xf32, #tpu.memory_space<vmem>>, vector<1x512x128xf32>,
    return
  }
  func.func @transform_0(%arg0: i32) -> (i32, i32, i32) {
    %c0_i32 = arith.constant 0 : i32
    %c0_i32_0 = arith.constant 0 : i32
    %c0_i32_1 = arith.constant 0 : i32
    return %arg0, %c0_i32, %c0_i32_0 : i32, i32, i32
  }
  func.func @transform_1(%arg0: i32) -> (i32, i32, i32) {
    %c0_i32 = arith.constant 0 : i32
    %c0_i32_0 = arith.constant 0 : i32
    %c0_i32_1 = arith.constant 0 : i32
    return %arg0, %c0_i32, %c0_i32_0 : i32, i32, i32
  }
  func.func @transform_2(%arg0: i32) -> (i32, i32) {
    %c0_i32 = arith.constant 0 : i32
    %c0_i32_0 = arith.constant 0 : i32
    %c0_i32_1 = arith.constant 0 : i32
    return %c0_i32, %c0_i32_0 : i32, i32
  }
  func.func @transform_3(%arg0: i32) -> (i32, i32) {
    %c0_i32 = arith.constant 0 : i32
    %c0_i32_0 = arith.constant 0 : i32
    %c0_i32_1 = arith.constant 0 : i32
    return %c0_i32, %c0_i32_0 : i32, i32
  }
  func.func @transform_4(%arg0: i32) -> (i32, i32) {
    %c0_i32 = arith.constant 0 : i32
    %c0_i32_0 = arith.constant 0 : i32
    %c0_i32_1 = arith.constant 0 : i32
    return %c0_i32, %c0_i32_0 : i32, i32
  }
  func.func @transform_5(%arg0: i32) -> (i32, i32) {
    %c0_i32 = arith.constant 0 : i32
    %c0_i32_0 = arith.constant 0 : i32
    %c0_i32_1 = arith.constant 0 : i32
    return %c0_i32, %c0_i32_0 : i32, i32
  }
  func.func @transform_6(%arg0: i32) -> (i32, i32) {
    %c0_i32 = arith.constant 0 : i32
    %c0_i32_0 = arith.constant 0 : i32
    %c0_i32_1 = arith.constant 0 : i32
    return %c0_i32, %c0_i32_0 : i32, i32
  }
  func.func @transform_7(%arg0: i32) -> (i32, i32) {
    %c0_i32 = arith.constant 0 : i32
    %c0_i32_0 = arith.constant 0 : i32
    %c0_i32_1 = arith.constant 0 : i32
    return %c0_i32, %c0_i32_0 : i32, i32
  }
  func.func @transform_8(%arg0: i32) -> (i32, i32, i32) {
    %c0_i32 = arith.constant 0 : i32
    %c0_i32_0 = arith.constant 0 : i32
    %c0_i32_1 = arith.constant 0 : i32
    return %arg0, %c0_i32, %c0_i32_0 : i32, i32, i32
  }
}

</mosaic_0001>

<sc_bundles>
// kernel: kernel.4.cloned.1.call-start
scs
__scs_entry_jumppad:
0x0: {  	(pc) =	sbr.rel $0x88, $3  }
0x1: {  	(tag) =	ssettag $0x0;
	lr =	simm.s32 $0x1  }
0x2: {  	[smem:$0x3F98] =	sst lr;
	_ =	strace $0xD0000000  }
0x3: {  	_ = 	snop  }
0x4: {  	_ = 	snop  }
0x5: {  	_ = 	snop  }
0x6: {  	_ = 	snop  }
0x7: {  	_ = 	snop  }
__scs_overlays_trampoline_lowered:
0x8: {  	[smem:$0x3FA7] =	sst s0  }
0x9: {  	[smem:$0x3FA8] =	sst s1  }
0xa: {  	[smem:$0x3FA9] =	sst s2  }
0xb: {  	[smem:$0x3FAA] =	sst s3  }
0xc: {  	[smem:$0x3FAB] =	sst s4  }
0xd: {  	[smem:$0x3FAC] =	sst s5  }
0xe: {  	[smem:$0x3FAD] =	sst s6  }
0xf: {  	[smem:$0x3FAE] =	sst s7  }
0x10: {  	[smem:$0x3FAF] =	sst s8  }
0x11: {  	[smem:$0x3FB0] =	sst s9;
	s0 =	simm.s32 @!p0 $0x0  }
0x12: {  	s1 =	sld [smem:$0x3F96];
	s0 =	simm.s32 @p0 $0x1  }
0x13: {  	[smem:$0x3FB1] =	sst s0;
	s0 =	simm.s32 @!p1 $0x0  }
0x14: {  	s2 =	sld [smem:$0x3F95];
	s0 =	simm.s32 @p1 $0x1  }
0x15: {  	[smem:$0x3FB2] =	sst s0;
	s0 =	simm.s32 @!p2 $0x0  }
0x16: {  	s3 =	sld [smem:$0x3FDB];
	s0 =	simm.s32 @p2 $0x1  }
0x17: {  	s4 =	simm.s32 $0x1BF5;
	[smem:$0x3FB4] =	sst s0  }
0x18: {  	s0 =	sld [smem:$0x3F97];
	_ =	swait.ge [sflag:s4], $0x0  }
0x19: {  	s7 =	sld [smem:$0x3F98]  }
0x1a: {  	s8 =	sadd.s32 $0xFFFFE003, lr  }
0x1b: {  	s9 =	sadd.s32 $0xFFFFFEF7, lr;
	s5 =	simm.s32 $0xFFFFFFFF;
	p2 =	slt.u32 s8, $0xFFFFF086  }
0x1c: {  	p1 =	slt.u32 s9, $0xF7A;
	s5 =	simm.s32 @!p2 $0x0  }
0x1d: {  	s5 =	simm.s32 @p1 $0x1;
	p0 =	seq.s32 s7, s2  }
0x1e: {  	s7 =	smul.u32 @!p0 $0xF7A, s2;
	p2 =	seq.s32 @!p0 s5, $0x0  }
0x1f: {  	s9 =	smul.u32 $0xF7A, s1;
	s8 =	simm.s32 @!p0 $0x1BF5;
	p2 =	por !p2, p0  }
0x20: {  	[sflag:s8] =	ssyncset.s32 @!p0 $0xFFFFF086;
	s6 =	sadd.s32 @!p0 s3, s7;
	s7 =	simm.s32 @!p0 $0x108  }
0x21: {  	s3 =	sadd.s32 s3, s9;
	s6 =	sadd.s32 @!p0 $0x88, s6;
	s7 =	simm.s32 @p2 $0x1082  }
0x22: {  	[simem:s7], [sflag:s8] =	dma.local @!p0 [hbm:s6], $0xF7A  }
0x23: {  	s9 =	sor.u32 $0xD0000000, s2;
	s6 =	simm.s32 $0x108;
	_ =	swait.ge @!p0 [sflag:s8], $0x0  }
0x24: {  	s3 =	sadd.s32 $0x88, s3;
	s6 =	simm.s32 @!p1 $0x1082;
	[sflag:s4] =	ssyncset.s32 $0xFFFFF086  }
0x25: {  	[simem:s6], [sflag:s4] =	dma.local [hbm:s3], $0xF7A  }
0x26: {  	[smem:$0x3F98] =	sst s1;
	(tag) =	ssettag s2;
	_ =	strace s9  }
0x27: {  	s1 =	sld [smem:$0x3FA8]  }
0x28: {  	s2 =	sld [smem:$0x3FA9]  }
0x29: {  	s4 =	sld [smem:$0x3FAB]  }
0x2a: {  	p0 =	seq.s32 s5, $0x0;
	s5 =	sld [smem:$0x3FAC]  }
0x2b: {  	s6 =	sld [smem:$0x3FAD]  }
0x2c: {  	s7 =	sld [smem:$0x3FAE]  }
0x2d: {  	s3 =	simm.s32 $0x108;
	s8 =	sld [smem:$0x3FAF]  }
0x2e: {  	s3 =	simm.s32 @!p0 $0x1082;
	s9 =	sld [smem:$0x3FB0]  }
0x2f: {  	lr =	sadd.s32 s0, s3;
	s0 =	sld [smem:$0x3FA7]  }
0x30: {  	s3 =	sld [smem:$0x3FAA]  }
0x31: {  	[smem:$0x3FB3] =	sst s10  }
0x32: {  	s10 =	sld [smem:$0x3FB1];
	_ =	sdelay $0x3  }
0x33: {  	p0 =	seq.s32 s10, $0x1;
	s10 =	sld [smem:$0x3FB3];
	_ =	sdelay $0x3  }
0x34: {  	[smem:$0x3FB3] =	sst s10  }
0x35: {  	s10 =	sld [smem:$0x3FB2];
	_ =	sdelay $0x3  }
0x36: {  	p1 =	seq.s32 s10, $0x1;
	s10 =	sld [smem:$0x3FB3];
	_ =	sdelay $0x3  }
0x37: {  	[smem:$0x3FB3] =	sst s10  }
0x38: {  	s10 =	sld [smem:$0x3FB4]  }
0x39: {  	_ = 	snop;
	(pc) =	sbr.ind lr, $3  }
0x3a: {  	_ = 	snop  }
0x3b: {  	_ = 	snop  }
0x3c: {  	p2 =	seq.s32 s10, $0x1;
	s10 =	sld [smem:$0x3FB3]  }
0x3d: {  	_ =	shalt  }
0x3e: {  	_ =	shalt  }
0x3f: {  	_ =	shalt  }
0x40: {  	_ =	shalt  }
0x41: {  	_ =	shalt  }
0x42: {  	_ =	shalt  }
0x43: {  	_ =	shalt  }
0x44: {  	_ =	shalt  }
0x45: {  	_ =	shalt  }
0x46: {  	_ =	shalt  }
0x47: {  	_ =	shalt  }
0x48: {  	_ =	shalt  }
0x49: {  	_ =	shalt  }
0x4a: {  	_ =	shalt  }
0x4b: {  	_ =	shalt  }
0x4c: {  	_ =	shalt  }
0x4d: {  	_ =	shalt  }
0x4e: {  	_ =	shalt  }
0x4f: {  	_ =	shalt  }
0x50: {  	_ =	shalt  }
0x51: {  	_ =	shalt  }
0x52: {  	_ =	shalt  }
0x53: {  	_ =	shalt  }
0x54: {  	_ =	shalt  }
0x55: {  	_ =	shalt  }
0x56: {  	_ =	shalt  }
0x57: {  	_ =	shalt  }
0x58: {  	_ =	shalt  }
0x59: {  	_ =	shalt  }
0x5a: {  	_ =	shalt  }
0x5b: {  	_ =	shalt  }
0x5c: {  	_ =	shalt  }
0x5d: {  	_ =	shalt  }
0x5e: {  	_ =	shalt  }
0x5f: {  	_ =	shalt  }
0x60: {  	_ =	shalt  }
0x61: {  	_ =	shalt  }
0x62: {  	_ =	shalt  }
0x63: {  	_ =	shalt  }
0x64: {  	_ =	shalt  }
0x65: {  	_ =	shalt  }
0x66: {  	_ =	shalt  }
0x67: {  	_ =	shalt  }
0x68: {  	_ =	shalt  }
0x69: {  	_ =	shalt  }
0x6a: {  	_ =	shalt  }
0x6b: {  	_ =	shalt  }
0x6c: {  	_ =	shalt  }
0x6d: {  	_ =	shalt  }
0x6e: {  	_ =	shalt  }
0x6f: {  	_ =	shalt  }
0x70: {  	_ =	shalt  }
0x71: {  	_ =	shalt  }
0x72: {  	_ =	shalt  }
0x73: {  	_ =	shalt  }
0x74: {  	_ =	shalt  }
0x75: {  	_ =	shalt  }
0x76: {  	_ =	shalt  }
0x77: {  	_ =	shalt  }
0x78: {  	_ =	shalt  }
0x79: {  	_ =	shalt  }
0x7a: {  	_ =	shalt  }
0x7b: {  	_ =	shalt  }
0x7c: {  	_ =	shalt  }
0x7d: {  	_ =	shalt  }
0x7e: {  	_ =	shalt  }
0x7f: {  	_ =	shalt  }
0x80: {  	_ =	shalt  }
0x81: {  	_ =	shalt  }
0x82: {  	_ =	shalt  }
0x83: {  	_ =	shalt  }
0x84: {  	_ =	shalt  }
0x85: {  	_ =	shalt  }
0x86: {  	_ =	shalt  }
0x87: {  	_ =	shalt  }
.Lfunc_end0:
.L_simem_size_0:
called_computation_lowered:
.L_overlay_start_0:
0x88: {  	s2 =	sld [smem:$0x3FD9]  }
0x89: {  	s3 =	sld [smem:$0x3FFE];
	_ =	sdelay $0x1  }
0x8a: {  	s1 =	srdreg.scid  }
0x8b: {  	s0 =	sand.u32 $0x1, s1  }
0x8c: {  	s15 =	sshll.u32 s0, $0xA;
	s2 =	sadd.s32 s3, s2  }
0x8d: {  	s2 =	sadd.s32 s2, s15  }
0x8e: {  	[smem:$0x3FBF] =	sst s2  }
0x8f: {  	_ = 	snop  }
0x90: {  	s2 =	sld [smem:$0x3FD0];
	_ =	sdelay $0x2  }
0x91: {  	s4 =	simm.s32 $0xA;
	s5 =	simm.s32 $0x10;
	s16 =	sld [smem:$0x3FC5]  }
0x92: {  	[smem:s5], [sflag:s4] =	dma.local [hbm:s2], $0x1  }
0x93: {  	_ =	swait.eq [sflag:s4], $0x1  }
0x94: {  	s17 =	sld [smem:$0x11];
	[sflag:s4] =	ssyncset.done $0x0  }
0x95: {  	s18 =	sld [smem:$0x12];
	[sflag:s4] =	ssyncadd.s32 $0xFFFFFFFF  }
0x96: {  	s19 =	sld [smem:$0x13];
	(tm) =	ssettm $0x1  }
0x97: {  	s6 =	sld [smem:$0x3FFB];
	_ =	sdelay $0x3  }
0x98: {  	_ =	strace s6  }
0x99: {  	s6 =	sld [smem:$0x3FFC];
	_ =	sdelay $0x3  }
0x9a: {  	_ =	strace s6  }
0x9b: {  	s6 =	sld [smem:$0x3FFD];
	_ =	sdelay $0x3  }
0x9c: {  	_ =	strace s6  }
0x9d: {  	_ =	strace $0x8FFFFFFF  }
0x9e: {  	s20 =	sld [smem:$0x3FDB];
	_ =	sdelay $0x1  }
0x9f: {  	s7 =	simm.s32 $_scs_section_size  }
0xa0: {  	s8 =	simm.s32 $_size__tile_overlayer_lowered;
	s9 =	simm.s32 $_tile_overlayer_lowered  }
0xa1: {  	s23 =	simm.s32 $0x1BFF;
	s22 =	sshll.u32 s9, $0x1;
	s6 =	sadd.s32 s7, s20  }
0xa2: {  	s10 =	simm.s32 $0x0;
	s21 =	sshll.u32 s8, $0x1;
	s8 =	sadd.s32 s22, s6  }
0xa3: {  	[timem:s10], [sflag:s23] =	dma.local [hbm:s8], s21  }
0xa4: {  	_ =	swait.ge [sflag:s23], s21  }
0xa5: {  	s7 =	ssub.s32 $0x0, s21;
	[sflag:s23] =	ssyncset.done $0x0  }
0xa6: {  	[sflag:s23] =	ssyncadd.s32 s7;
	_ =	sdelay $0x1  }
0xa7: {  	s24 =	simm.s32 $0x1B8B  }
0xa8: {  	_ =	swait.ge [sflag:s24], $0x1  }
0xa9: {  	[sflag:s24] =	ssyncset.done $0x0  }
0xaa: {  	s25 =	simm.s32 $0x1B8E;
	[sflag:s24] =	ssyncadd.s32 $0xFFFFFFFF  }
0xab: {  	s26 =	simm.s32 $execute0_lowered;
	[smem:$0x3FD2] =	sst s25  }
0xac: {  	s7 =	sshll.u32 s26, $0x1;
	_ =	strace $0x80000046;
	[dreg:$0x1] =	wrdreg $0xFFFFFFFF  }
0xad: {  	s28 =	simm.s32 $_size_execute0_lowered;
	s6 =	sadd.s32 s6, s7;
	[dreg:$0x0] =	wrdreg $0x0  }
0xae: {  	s7 =	sshll.u32 s28, $0x1;
	[dreg:$0x2] =	wrdreg s6  }
0xaf: {  	[dreg:$0x3] =	wrdreg s7  }
0xb0: {  	[dreg:$0x4] =	wrdreg $0xC0  }
0xb1: {  	_ =	task [dreg:s10], $0x5FFFF  }
0xb2: {  	[dreg:$0x1] =	wrdreg $0xFFFFFFFF  }
0xb3: {  	[dreg:$0x0] =	wrdreg $0x60  }
0xb4: {  	[dreg:$0x2] =	wrdreg s16  }
0xb5: {  	[dreg:$0x3] =	wrdreg s17  }
0xb6: {  	[dreg:$0x4] =	wrdreg s18  }
0xb7: {  	[dreg:$0x5] =	wrdreg s19  }
0xb8: {  	[dreg:$0x6] =	wrdreg $0x9  }
0xb9: {  	_ =	task.clear_ibuf [dreg:s10], $0x7FFFF;
	_ =	strace $0x90000046  }
0xba: {  	s29 =	simm.s32 $0x9;
	_ =	strace $0x80000048  }
0xbb: {  	_ =	swait.ge [sflag:s29], $0x1  }
0xbc: {  	[sflag:s29] =	ssyncadd.s32 $0xFFFFFFFF  }
0xbd: {  	_ =	strace $0x90000048  }
0xbe: {  	_ =	sfence  }
0xbf: {  	s30 =	sld [smem:$0x0];
	_ =	sdelay $0x2  }
0xc0: {  	s31 =	sshll.u32 s1, $0xD;
	s1 =	sshrl.u32 s1, $0x2  }
0xc1: {  	s3 =	sand.u32 $0x4000, s31;
	s1 =	sadd.s32 s1, s30  }
0xc2: {  	s0 =	sor.u32 s3, s0;
	s1 =	sshll.u32 s1, $0x11  }
0xc3: {  	s0 =	sor.u32 s1, s0  }
0xc4: {  	s0 =	sadd.s32 $0x8F2B, s0  }
0xc5: {  	[sflag:s0] =	ssyncadd.remote.s32 $0x1  }
0xc6: {  	_ =	sfence.sel $0xFFFF  }
0xc7: {  	[dreg:$0x0] =	wrdreg $0xFFFFFFFF;
	(pc) =	sbr.abs _section_cstart, $3  }
0xc8: {  	[dreg:$0x1] =	wrdreg $0xFFFFFFFF  }
0xc9: {  	_ =	task.clear_ibuf [dreg:s10], $0x2FFFF;
	_ =	strace $0x9FFFFFFF  }
0xca: {  	(tm) =	ssettm $0x7FFFFFFF  }
0xcb: {  	_ =	shalt  }
tec
execute0_lowered:
.L_overlay_start_1:
0x0: {  	(tag) =	ssettag $0x1  }
0x1: {  	s0 =	rddreg [dreg:$0x0]  }
0x2: {  	s1 =	rddreg [dreg:$0x1]  }
0x3: {  	s3 =	rddreg [dreg:$0x2]  }
0x4: {  	s5 =	rddreg [dreg:$0x3]  }
0x5: {  	s2 =	srdreg.scid;
	s7 =	stileid.u32;
	s30 =	simm.s32 $0x2  }
0x6: {  	s31 =	simm.s32 $0x80;
	s4 =	sand.u32 $0x1, s2;
	s2 =	simm.s32 $0x0  }
0x7: {  	s7 =	sshll.u32 s7, $0x1;
	s6 =	ssub.s32 $0x2, s4;
	[smem:$0x7FF] =	sst s2  }
0x8: {  	s7 =	sor.u32 s4, s7;
	s8 =	sshrl.u32 s6, $0x1;
	_ =	strace $0x80000047  }
0x9: {  	s4 =	sshll.u32 s7, $0x4;
	s9 =	sshll.u32 s7, $0x9;
	s6 =	ssub.s32 s6, s8  }
0xa: {  	s0 =	sadd.s32 s0, s4;
	s8 =	sshll.u32 s7, $0xD;
	s16 =	sadd.s32 s3, s9  }
0xb: {  	s17 =	sor.u32 $0x10, s9;
	s18 =	sadd.s32 s5, s9;
	s21 =	sor.u32 $0x20, s9  }
0xc: {  	s22 =	sor.u32 $0x30, s9;
	s23 =	sor.u32 $0x40, s9;
	[dreg:$0x5] =	wrdreg s0  }
0xd: {  	s24 =	sor.u32 $0x50, s9;
	s25 =	sor.u32 $0x60, s9;
	[dreg:$0x6] =	wrdreg s16  }
0xe: {  	s26 =	sor.u32 $0x70, s9;
	s4 =	sadd.s32 s1, s8;
	[dreg:$0x7] =	wrdreg s18  }
0xf: {  	s20 =	sadd.s32 s3, s17;
	s0 =	sadd.s32 s5, s17;
	s11 =	sadd.s32 s3, s21  }
0x10: {  	s12 =	sadd.s32 s5, s21;
	s13 =	sadd.s32 s3, s22;
	s14 =	sadd.s32 s5, s22  }
0x11: {  	s15 =	sadd.s32 s3, s23;
	s16 =	sadd.s32 s5, s23;
	s17 =	sadd.s32 s3, s24  }
0x12: {  	s18 =	sadd.s32 s5, s24;
	s21 =	sadd.s32 s3, s26;
	s22 =	sadd.s32 s5, s26  }
0x13: {  	s24 =	smax.u32 s6, $0x1;
	s1 =	simm.s32 $0x10000;
	[dreg:$0x9] =	wrdreg s20  }
0x14: {  	s6 =	simm.s32 $0x0;
	s19 =	sadd.s32 $0x40000, s4;
	[dreg:$0xa] =	wrdreg s0  }
0x15: {  	s10 =	sadd.s32 $0x80000, s4;
	s20 =	sadd.s32 s5, s25;
	s23 =	sadd.s32 $0xC0000, s4  }
0x16: {  	s26 =	sadd.s32 $0x140000, s4;
	s28 =	sadd.s32 $0x180000, s4;
	s29 =	sadd.s32 $0x1C0000, s4  }
0x17: {  	s0 =	simm.s32 $0x400;
	s5 =	simm.s32 $0x1;
	[dreg:$0x8] =	wrdreg s19  }
0x18: {  	v1 =	vimm.s32 $0x1;
	v0 =	vmov s7;
	s19 =	sadd.s32 s3, s25;
	s25 =	sadd.s32 $0x100000, s4;
	s3 =	simm.s32 $0x10200  }
.LBB2_1:
0x19: {  	s7 =	rddreg [dreg:$0x5]  }
0x1a: {  	[tilespmem:s2], [sflag:$0x2] =	stream.linear.gather [hbm4b:s7+s2], $0x80, $0x38;
	[tilespmem:$0x10400] =	vst v63  }
0x1b: {  	_ =	swait.ge [sflag:s30], $0x80  }
0x1c: {  	[sflag:s30] =	ssyncset.done $0x0  }
0x1d: {  	[sflag:s30] =	ssyncadd.s32 $0xFFFFFF80  }
0x1e: {  	v2 =	vld [tilespmem:$0x0]  }
0x1f: {  	v3 =	vld [tilespmem:$0x10]  }
0x20: {  	v5 =	vld [tilespmem:$0x60]  }
0x21: {  	v6 =	vld [tilespmem:$0x70]  }
0x22: {  	v4 =	vld [tilespmem:$0x20]  }
0x23: {  	v7 =	vld [tilespmem:$0x30]  }
0x24: {  	v8 =	vld [tilespmem:$0x40]  }
0x25: {  	v9 =	vld [tilespmem:$0x50];
	[tilespmem:s0+$0x3E0] =	vst v5  }
0x26: {  	[tilespmem:s0+$0x3F0] =	vst v6  }
0x27: {  	[tilespmem:s0+$0xFFFFFC20] =	vst v4  }
0x28: {  	[tilespmem:s0+$0xFFFFFC00] =	vst v2  }
0x29: {  	[tilespmem:s0+$0xFFFFFC40] =	vst v8  }
0x2a: {  	[tilespmem:s0+$0xFFFFFC50] =	vst v9  }
0x2b: {  	[tilespmem:s0+$0xFFFFFC60] =	vst v5  }
0x2c: {  	[tilespmem:s0+$0xFFFFFC70] =	vst v6  }
0x2d: {  	[tilespmem:s0+$0xFFFFFC80] =	vst v2  }
0x2e: {  	[tilespmem:s0+$0xFFFFFC90] =	vst v3  }
0x2f: {  	[tilespmem:s0+$0xFFFFFCA0] =	vst v4  }
0x30: {  	[tilespmem:s0+$0xFFFFFCB0] =	vst v7  }
0x31: {  	[tilespmem:s0+$0xFFFFFCC0] =	vst v8  }
0x32: {  	[tilespmem:s0+$0xFFFFFCD0] =	vst v9  }
0x33: {  	[tilespmem:s0+$0xFFFFFCE0] =	vst v5  }
0x34: {  	[tilespmem:s0+$0xFFFFFCF0] =	vst v6  }
0x35: {  	[tilespmem:s0+$0xFFFFFD00] =	vst v2  }
0x36: {  	[tilespmem:s0+$0xFFFFFD10] =	vst v3  }
0x37: {  	[tilespmem:s0+$0xFFFFFD20] =	vst v4  }
0x38: {  	[tilespmem:s0+$0xFFFFFD30] =	vst v7  }
0x39: {  	[tilespmem:s0+$0xFFFFFD40] =	vst v8  }
0x3a: {  	[tilespmem:s0+$0xFFFFFD50] =	vst v9  }
0x3b: {  	[tilespmem:s0+$0xFFFFFD60] =	vst v5  }
0x3c: {  	[tilespmem:s0+$0xFFFFFD70] =	vst v6  }
0x3d: {  	[tilespmem:s0+$0xFFFFFD80] =	vst v2  }
0x3e: {  	[tilespmem:s0+$0xFFFFFD90] =	vst v3  }
0x3f: {  	[tilespmem:s0+$0xFFFFFDA0] =	vst v4  }
0x40: {  	[tilespmem:s0+$0xFFFFFDB0] =	vst v7  }
0x41: {  	[tilespmem:s0+$0xFFFFFDC0] =	vst v8  }
0x42: {  	[tilespmem:s0+$0xFFFFFDD0] =	vst v9  }
0x43: {  	[tilespmem:s0+$0xFFFFFDE0] =	vst v5  }
0x44: {  	[tilespmem:s0+$0xFFFFFDF0] =	vst v6  }
0x45: {  	[tilespmem:s0+$0xFFFFFE00] =	vst v2  }
0x46: {  	[tilespmem:s0+$0xFFFFFE10] =	vst v3  }
0x47: {  	[tilespmem:s0+$0xFFFFFE20] =	vst v4  }
0x48: {  	[tilespmem:s0+$0xFFFFFE30] =	vst v7  }
0x49: {  	[tilespmem:s0+$0xFFFFFE40] =	vst v8  }
0x4a: {  	[tilespmem:s0+$0xFFFFFE50] =	vst v9  }
0x4b: {  	[tilespmem:s0+$0xFFFFFE60] =	vst v5  }
0x4c: {  	[tilespmem:s0+$0xFFFFFE70] =	vst v6  }
0x4d: {  	[tilespmem:s0+$0xFFFFFE80] =	vst v2  }
0x4e: {  	[tilespmem:s0+$0xFFFFFE90] =	vst v3  }
0x4f: {  	[tilespmem:s0+$0xFFFFFEA0] =	vst v4  }
0x50: {  	[tilespmem:s0+$0xFFFFFEB0] =	vst v7  }
0x51: {  	[tilespmem:s0+$0xFFFFFEC0] =	vst v8  }
0x52: {  	[tilespmem:s0+$0xFFFFFED0] =	vst v9  }
0x53: {  	[tilespmem:s0+$0xFFFFFEE0] =	vst v5  }
0x54: {  	[tilespmem:s0+$0xFFFFFEF0] =	vst v6  }
0x55: {  	[tilespmem:s0+$0xFFFFFF00] =	vst v2  }
0x56: {  	[tilespmem:s0+$0xFFFFFF10] =	vst v3  }
0x57: {  	[tilespmem:s0+$0xFFFFFF20] =	vst v4  }
0x58: {  	[tilespmem:s0+$0xFFFFFF30] =	vst v7  }
0x59: {  	[tilespmem:s0+$0xFFFFFF40] =	vst v8  }
0x5a: {  	[tilespmem:s0+$0xFFFFFF50] =	vst v9  }
0x5b: {  	[tilespmem:s0+$0xFFFFFF60] =	vst v5  }
0x5c: {  	[tilespmem:s0+$0xFFFFFF70] =	vst v6  }
0x5d: {  	[tilespmem:s0+$0xFFFFFF80] =	vst v2  }
0x5e: {  	[tilespmem:s0+$0xFFFFFF90] =	vst v3  }
0x5f: {  	[tilespmem:s0+$0xFFFFFFA0] =	vst v4  }
0x60: {  	[tilespmem:s0+$0xFFFFFFB0] =	vst v7  }
0x61: {  	[tilespmem:s0+$0xFFFFFFC0] =	vst v8  }
0x62: {  	[tilespmem:s0+$0xFFFFFFD0] =	vst v9  }
0x63: {  	[tilespmem:s0+$0xFFFFFFE0] =	vst v5  }
0x64: {  	[tilespmem:s0+$0xFFFFFFF0] =	vst v6  }
0x65: {  	[tilespmem:s0+$0x0] =	vst v2  }
0x66: {  	[tilespmem:s0+$0x10] =	vst v3  }
0x67: {  	[tilespmem:s0+$0x20] =	vst v4  }
0x68: {  	[tilespmem:s0+$0x30] =	vst v7  }
0x69: {  	[tilespmem:s0+$0x40] =	vst v8  }
0x6a: {  	[tilespmem:s0+$0x50] =	vst v9  }
0x6b: {  	[tilespmem:s0+$0x60] =	vst v5  }
0x6c: {  	[tilespmem:s0+$0x70] =	vst v6  }
0x6d: {  	[tilespmem:s0+$0x80] =	vst v2  }
0x6e: {  	[tilespmem:s0+$0x90] =	vst v3  }
0x6f: {  	[tilespmem:s0+$0xA0] =	vst v4  }
0x70: {  	[tilespmem:s0+$0xB0] =	vst v7  }
0x71: {  	[tilespmem:s0+$0xC0] =	vst v8  }
0x72: {  	[tilespmem:s0+$0xD0] =	vst v9  }
0x73: {  	[tilespmem:s0+$0xE0] =	vst v5  }
0x74: {  	[tilespmem:s0+$0xF0] =	vst v6  }
0x75: {  	[tilespmem:s0+$0x100] =	vst v2  }
0x76: {  	[tilespmem:s0+$0x110] =	vst v3  }
0x77: {  	[tilespmem:s0+$0x120] =	vst v4  }
0x78: {  	[tilespmem:s0+$0x130] =	vst v7  }
0x79: {  	[tilespmem:s0+$0x140] =	vst v8  }
0x7a: {  	[tilespmem:s0+$0x150] =	vst v9  }
0x7b: {  	[tilespmem:s0+$0x160] =	vst v5  }
0x7c: {  	[tilespmem:s0+$0x170] =	vst v6  }
0x7d: {  	[tilespmem:s0+$0x180] =	vst v2  }
0x7e: {  	[tilespmem:s0+$0x190] =	vst v3  }
0x7f: {  	[tilespmem:s0+$0x1A0] =	vst v4  }
0x80: {  	[tilespmem:s0+$0x1B0] =	vst v7  }
0x81: {  	[tilespmem:s0+$0x1C0] =	vst v8  }
0x82: {  	[tilespmem:s0+$0x1D0] =	vst v9  }
0x83: {  	[tilespmem:s0+$0x1E0] =	vst v5  }
0x84: {  	[tilespmem:s0+$0x1F0] =	vst v6  }
0x85: {  	[tilespmem:s0+$0x200] =	vst v2  }
0x86: {  	[tilespmem:s0+$0x210] =	vst v3  }
0x87: {  	[tilespmem:s0+$0x220] =	vst v4  }
0x88: {  	[tilespmem:s0+$0x230] =	vst v7  }
0x89: {  	[tilespmem:s0+$0x240] =	vst v8  }
0x8a: {  	[tilespmem:s0+$0x250] =	vst v9  }
0x8b: {  	[tilespmem:s0+$0x260] =	vst v5  }
0x8c: {  	[tilespmem:s0+$0x270] =	vst v6  }
0x8d: {  	[tilespmem:s0+$0x280] =	vst v2  }
0x8e: {  	[tilespmem:s0+$0x290] =	vst v3  }
0x8f: {  	[tilespmem:s0+$0x2A0] =	vst v4  }
0x90: {  	[tilespmem:s0+$0x2B0] =	vst v7  }
0x91: {  	[tilespmem:s0+$0x2C0] =	vst v8  }
0x92: {  	[tilespmem:s0+$0x2D0] =	vst v9  }
0x93: {  	[tilespmem:s0+$0x2E0] =	vst v5  }
0x94: {  	[tilespmem:s0+$0x2F0] =	vst v6  }
0x95: {  	[tilespmem:s0+$0x300] =	vst v2  }
0x96: {  	[tilespmem:s0+$0x310] =	vst v3  }
0x97: {  	[tilespmem:s0+$0x320] =	vst v4  }
0x98: {  	[tilespmem:s0+$0x330] =	vst v7  }
0x99: {  	[tilespmem:s0+$0x340] =	vst v8  }
0x9a: {  	[tilespmem:s0+$0x350] =	vst v9  }
0x9b: {  	[tilespmem:s0+$0x360] =	vst v5  }
0x9c: {  	[tilespmem:s0+$0x370] =	vst v6  }
0x9d: {  	[tilespmem:s0+$0x380] =	vst v2  }
0x9e: {  	[tilespmem:s0+$0x390] =	vst v3  }
0x9f: {  	[tilespmem:s0+$0x3A0] =	vst v4  }
0xa0: {  	[tilespmem:s0+$0x3B0] =	vst v7  }
0xa1: {  	[tilespmem:s0+$0x3C0] =	vst v8  }
0xa2: {  	[tilespmem:s0+$0xFFFFFC10] =	vst v3  }
0xa3: {  	[tilespmem:s0+$0xFFFFFC30] =	vst v7  }
0xa4: {  	s9 =	simm.s32 $0x0;
	s8 =	simm.s32 $0x400;
	s7 =	simm.s32 $0x40;
	[tilespmem:s0+$0x3D0] =	vst v9  }
.LBB2_2:
0xa5: {  	p0 =	sne.s32 s7, $0x7C0;
	[tilespmem:s9+$0x10200] =	vst v1  }
0xa6: {  	s8 =	sadd.s32 $0x800, s8;
	[tilespmem:s9+$0x10000] =	vst v0  }
0xa7: {  	[tilespmem:s8+$0x3E0] =	vst v5  }
0xa8: {  	[tilespmem:s8+$0x3F0] =	vst v6  }
0xa9: {  	[tilespmem:s8+$0xFFFFFC20] =	vst v4  }
0xaa: {  	[tilespmem:s8+$0xFFFFFC00] =	vst v2  }
0xab: {  	[tilespmem:s8+$0xFFFFFC40] =	vst v8  }
0xac: {  	[tilespmem:s8+$0xFFFFFC50] =	vst v9  }
0xad: {  	[tilespmem:s8+$0xFFFFFC60] =	vst v5  }
0xae: {  	[tilespmem:s8+$0xFFFFFC70] =	vst v6  }
0xaf: {  	[tilespmem:s8+$0xFFFFFC80] =	vst v2  }
0xb0: {  	[tilespmem:s8+$0xFFFFFC90] =	vst v3  }
0xb1: {  	[tilespmem:s8+$0xFFFFFCA0] =	vst v4  }
0xb2: {  	[tilespmem:s8+$0xFFFFFCB0] =	vst v7  }
0xb3: {  	[tilespmem:s8+$0xFFFFFCC0] =	vst v8  }
0xb4: {  	[tilespmem:s8+$0xFFFFFCD0] =	vst v9  }
0xb5: {  	[tilespmem:s8+$0xFFFFFCE0] =	vst v5  }
0xb6: {  	[tilespmem:s8+$0xFFFFFCF0] =	vst v6  }
0xb7: {  	[tilespmem:s8+$0xFFFFFD00] =	vst v2  }
0xb8: {  	[tilespmem:s8+$0xFFFFFD10] =	vst v3  }
0xb9: {  	[tilespmem:s8+$0xFFFFFD20] =	vst v4  }
0xba: {  	[tilespmem:s8+$0xFFFFFD30] =	vst v7  }
0xbb: {  	[tilespmem:s8+$0xFFFFFD40] =	vst v8  }
0xbc: {  	[tilespmem:s8+$0xFFFFFD50] =	vst v9  }
0xbd: {  	[tilespmem:s8+$0xFFFFFD60] =	vst v5  }
0xbe: {  	[tilespmem:s8+$0xFFFFFD70] =	vst v6  }
0xbf: {  	[tilespmem:s8+$0xFFFFFD80] =	vst v2  }
0xc0: {  	[tilespmem:s8+$0xFFFFFD90] =	vst v3  }
0xc1: {  	[tilespmem:s8+$0xFFFFFDA0] =	vst v4  }
0xc2: {  	[tilespmem:s8+$0xFFFFFDB0] =	vst v7  }
0xc3: {  	[tilespmem:s8+$0xFFFFFDC0] =	vst v8  }
0xc4: {  	[tilespmem:s8+$0xFFFFFDD0] =	vst v9  }
0xc5: {  	[tilespmem:s8+$0xFFFFFDE0] =	vst v5  }
0xc6: {  	[tilespmem:s8+$0xFFFFFDF0] =	vst v6  }
0xc7: {  	[tilespmem:s8+$0xFFFFFE00] =	vst v2  }
0xc8: {  	[tilespmem:s8+$0xFFFFFE10] =	vst v3  }
0xc9: {  	[tilespmem:s8+$0xFFFFFE20] =	vst v4  }
0xca: {  	[tilespmem:s8+$0xFFFFFE30] =	vst v7  }
0xcb: {  	[tilespmem:s8+$0xFFFFFE40] =	vst v8  }
0xcc: {  	[tilespmem:s8+$0xFFFFFE50] =	vst v9  }
0xcd: {  	[tilespmem:s8+$0xFFFFFE60] =	vst v5  }
0xce: {  	[tilespmem:s8+$0xFFFFFE70] =	vst v6  }
0xcf: {  	[tilespmem:s8+$0xFFFFFE80] =	vst v2  }
0xd0: {  	[tilespmem:s8+$0xFFFFFE90] =	vst v3  }
0xd1: {  	[tilespmem:s8+$0xFFFFFEA0] =	vst v4  }
0xd2: {  	[tilespmem:s8+$0xFFFFFEB0] =	vst v7  }
0xd3: {  	[tilespmem:s8+$0xFFFFFEC0] =	vst v8  }
0xd4: {  	[tilespmem:s8+$0xFFFFFED0] =	vst v9  }
0xd5: {  	[tilespmem:s8+$0xFFFFFEE0] =	vst v5  }
0xd6: {  	[tilespmem:s8+$0xFFFFFEF0] =	vst v6  }
0xd7: {  	[tilespmem:s8+$0xFFFFFF00] =	vst v2  }
0xd8: {  	[tilespmem:s8+$0xFFFFFF10] =	vst v3  }
0xd9: {  	[tilespmem:s8+$0xFFFFFF20] =	vst v4  }
0xda: {  	[tilespmem:s8+$0xFFFFFF30] =	vst v7  }
0xdb: {  	[tilespmem:s8+$0xFFFFFF40] =	vst v8  }
0xdc: {  	[tilespmem:s8+$0xFFFFFF50] =	vst v9  }
0xdd: {  	[tilespmem:s8+$0xFFFFFF60] =	vst v5  }
0xde: {  	[tilespmem:s8+$0xFFFFFF70] =	vst v6  }
0xdf: {  	[tilespmem:s8+$0xFFFFFF80] =	vst v2  }
0xe0: {  	[tilespmem:s8+$0xFFFFFF90] =	vst v3  }
0xe1: {  	[tilespmem:s8+$0xFFFFFFA0] =	vst v4  }
0xe2: {  	[tilespmem:s8+$0xFFFFFFB0] =	vst v7  }
0xe3: {  	[tilespmem:s8+$0xFFFFFFC0] =	vst v8  }
0xe4: {  	[tilespmem:s8+$0xFFFFFFD0] =	vst v9  }
0xe5: {  	[tilespmem:s8+$0xFFFFFFE0] =	vst v5  }
0xe6: {  	[tilespmem:s8+$0xFFFFFFF0] =	vst v6  }
0xe7: {  	[tilespmem:s8+$0x0] =	vst v2  }
0xe8: {  	[tilespmem:s8+$0x10] =	vst v3  }
0xe9: {  	[tilespmem:s8+$0x20] =	vst v4  }
0xea: {  	[tilespmem:s8+$0x30] =	vst v7  }
0xeb: {  	[tilespmem:s8+$0x40] =	vst v8  }
0xec: {  	[tilespmem:s8+$0x50] =	vst v9  }
0xed: {  	[tilespmem:s8+$0x60] =	vst v5  }
0xee: {  	[tilespmem:s8+$0x70] =	vst v6  }
0xef: {  	[tilespmem:s8+$0x80] =	vst v2  }
0xf0: {  	[tilespmem:s8+$0x90] =	vst v3  }
0xf1: {  	[tilespmem:s8+$0xA0] =	vst v4  }
0xf2: {  	[tilespmem:s8+$0xB0] =	vst v7  }
0xf3: {  	[tilespmem:s8+$0xC0] =	vst v8  }
0xf4: {  	[tilespmem:s8+$0xD0] =	vst v9  }
0xf5: {  	[tilespmem:s8+$0xE0] =	vst v5  }
0xf6: {  	[tilespmem:s8+$0xF0] =	vst v6  }
0xf7: {  	[tilespmem:s8+$0x100] =	vst v2  }
0xf8: {  	[tilespmem:s8+$0x110] =	vst v3  }
0xf9: {  	[tilespmem:s8+$0x120] =	vst v4  }
0xfa: {  	[tilespmem:s8+$0x130] =	vst v7  }
0xfb: {  	[tilespmem:s8+$0x140] =	vst v8  }
0xfc: {  	[tilespmem:s8+$0x150] =	vst v9  }
0xfd: {  	[tilespmem:s8+$0x160] =	vst v5  }
0xfe: {  	[tilespmem:s8+$0x170] =	vst v6  }
0xff: {  	[tilespmem:s8+$0x180] =	vst v2  }
0x100: {  	[tilespmem:s8+$0x190] =	vst v3  }
0x101: {  	[tilespmem:s8+$0x1A0] =	vst v4  }
0x102: {  	[tilespmem:s8+$0x1B0] =	vst v7  }
0x103: {  	[tilespmem:s8+$0x1C0] =	vst v8  }
0x104: {  	[tilespmem:s8+$0x1D0] =	vst v9  }
0x105: {  	[tilespmem:s8+$0x1E0] =	vst v5  }
0x106: {  	[tilespmem:s8+$0x1F0] =	vst v6  }
0x107: {  	[tilespmem:s8+$0x200] =	vst v2  }
0x108: {  	[tilespmem:s8+$0x210] =	vst v3  }
0x109: {  	[tilespmem:s8+$0x220] =	vst v4  }
0x10a: {  	[tilespmem:s8+$0x230] =	vst v7  }
0x10b: {  	[tilespmem:s8+$0x240] =	vst v8  }
0x10c: {  	[tilespmem:s8+$0x250] =	vst v9  }
0x10d: {  	[tilespmem:s8+$0x260] =	vst v5  }
0x10e: {  	[tilespmem:s8+$0x270] =	vst v6  }
0x10f: {  	[tilespmem:s8+$0x280] =	vst v2  }
0x110: {  	[tilespmem:s8+$0x290] =	vst v3  }
0x111: {  	[tilespmem:s8+$0x2A0] =	vst v4  }
0x112: {  	[tilespmem:s8+$0x2B0] =	vst v7  }
0x113: {  	[tilespmem:s8+$0x2C0] =	vst v8  }
0x114: {  	[tilespmem:s8+$0x2D0] =	vst v9  }
0x115: {  	[tilespmem:s8+$0x2E0] =	vst v5  }
0x116: {  	[tilespmem:s8+$0x2F0] =	vst v6  }
0x117: {  	[tilespmem:s8+$0x300] =	vst v2  }
0x118: {  	[tilespmem:s8+$0x310] =	vst v3  }
0x119: {  	[tilespmem:s8+$0x320] =	vst v4  }
0x11a: {  	[tilespmem:s8+$0x330] =	vst v7  }
0x11b: {  	[tilespmem:s8+$0x340] =	vst v8  }
0x11c: {  	[tilespmem:s8+$0x350] =	vst v9  }
0x11d: {  	[tilespmem:s8+$0x360] =	vst v5  }
0x11e: {  	[tilespmem:s8+$0x370] =	vst v6  }
0x11f: {  	[tilespmem:s8+$0x380] =	vst v2  }
0x120: {  	[tilespmem:s8+$0x390] =	vst v3  }
0x121: {  	[tilespmem:s8+$0x3A0] =	vst v4  }
.Ltmp0:
0x122: {  	[tilespmem:s8+$0x3B0] =	vst v7;
	(pc) =	sbr.rel @p0 .LBB2_2-.Ltmp0, $4  }
0x123: {  	[tilespmem:s8+$0x3C0] =	vst v8  }
0x124: {  	[tilespmem:s8+$0xFFFFFC10] =	vst v3  }
0x125: {  	[tilespmem:s8+$0xFFFFFC30] =	vst v7  }
0x126: {  	s9 =	sshra.s32 s7, $0x2;
	s7 =	sadd.s32 $0x40, s7;
	[tilespmem:s8+$0x3D0] =	vst v9  }
0x127: {  	[tilespmem:s9+$0x10200] =	vst v1  }
0x128: {  	[tilespmem:s9+$0x10000] =	vst v0  }
0x129: {  	[hbm4b:s4+s2] =	stream.linear.scatter [tilespmem:s2], [sflag:$0x1], $0x10000, $0x38;
	[tilespmem:$0x10400] =	vst v63  }
0x12a: {  	s7 =	rddreg [dreg:$0x6]  }
0x12b: {  	[hbm4b:s7+s31] =	stream.strided.scatter [tilespmem:s1], [sflag:$0x1], $0x200, s0, s31, $0x38;
	[tilespmem:$0x10400] =	vst v63  }
0x12c: {  	s8 =	rddreg [dreg:$0x7]  }
0x12d: {  	[hbm4b:s8+s31] =	stream.strided.scatter [tilespmem:s3], [sflag:$0x1], $0x200, s0, s31, $0x38;
	[tilespmem:$0x10400] =	vst v63  }
0x12e: {  	s9 =	rddreg [dreg:$0x8]  }
0x12f: {  	[hbm4b:s9+s2] =	stream.linear.scatter [tilespmem:s2], [sflag:$0x1], $0x10000, $0x38;
	[tilespmem:$0x10400] =	vst v63  }
0x130: {  	s8 =	rddreg [dreg:$0x9]  }
0x131: {  	[hbm4b:s8+s31] =	stream.strided.scatter [tilespmem:s1], [sflag:$0x1], $0x200, s0, s31, $0x38;
	[tilespmem:$0x10400] =	vst v63  }
0x132: {  	s9 =	rddreg [dreg:$0xa]  }
0x133: {  	[hbm4b:s9+s31] =	stream.strided.scatter [tilespmem:s3], [sflag:$0x1], $0x200, s0, s31, $0x38;
	[tilespmem:$0x10400] =	vst v63  }
0x134: {  	_ = 	snop  }
0x135: {  	[hbm4b:s10+s2] =	stream.linear.scatter [tilespmem:s2], [sflag:$0x1], $0x10000, $0x38;
	[tilespmem:$0x10400] =	vst v63  }
0x136: {  	_ = 	snop  }
0x137: {  	[hbm4b:s11+s31] =	stream.strided.scatter [tilespmem:s1], [sflag:$0x1], $0x200, s0, s31, $0x38;
	[tilespmem:$0x10400] =	vst v63  }
0x138: {  	_ = 	snop  }
0x139: {  	[hbm4b:s12+s31] =	stream.strided.scatter [tilespmem:s3], [sflag:$0x1], $0x200, s0, s31, $0x38;
	[tilespmem:$0x10400] =	vst v63  }
0x13a: {  	_ = 	snop  }
0x13b: {  	[hbm4b:s23+s2] =	stream.linear.scatter [tilespmem:s2], [sflag:$0x1], $0x10000, $0x38;
	[tilespmem:$0x10400] =	vst v63  }
0x13c: {  	_ = 	snop  }
0x13d: {  	[hbm4b:s13+s31] =	stream.strided.scatter [tilespmem:s1], [sflag:$0x1], $0x200, s0, s31, $0x38;
	[tilespmem:$0x10400] =	vst v63  }
0x13e: {  	_ = 	snop  }
0x13f: {  	[hbm4b:s14+s31] =	stream.strided.scatter [tilespmem:s3], [sflag:$0x1], $0x200, s0, s31, $0x38;
	[tilespmem:$0x10400] =	vst v63  }
0x140: {  	_ = 	snop  }
0x141: {  	[hbm4b:s25+s2] =	stream.linear.scatter [tilespmem:s2], [sflag:$0x1], $0x10000, $0x38;
	[tilespmem:$0x10400] =	vst v63  }
0x142: {  	_ = 	snop  }
0x143: {  	[hbm4b:s15+s31] =	stream.strided.scatter [tilespmem:s1], [sflag:$0x1], $0x200, s0, s31, $0x38;
	[tilespmem:$0x10400] =	vst v63  }
0x144: {  	_ = 	snop  }
0x145: {  	[hbm4b:s16+s31] =	stream.strided.scatter [tilespmem:s3], [sflag:$0x1], $0x200, s0, s31, $0x38;
	[tilespmem:$0x10400] =	vst v63  }
0x146: {  	_ = 	snop  }
0x147: {  	[hbm4b:s26+s2] =	stream.linear.scatter [tilespmem:s2], [sflag:$0x1], $0x10000, $0x38;
	[tilespmem:$0x10400] =	vst v63  }
0x148: {  	_ = 	snop  }
0x149: {  	[hbm4b:s17+s31] =	stream.strided.scatter [tilespmem:s1], [sflag:$0x1], $0x200, s0, s31, $0x38;
	[tilespmem:$0x10400] =	vst v63  }
0x14a: {  	_ = 	snop  }
0x14b: {  	[hbm4b:s18+s31] =	stream.strided.scatter [tilespmem:s3], [sflag:$0x1], $0x200, s0, s31, $0x38;
	[tilespmem:$0x10400] =	vst v63  }
0x14c: {  	_ = 	snop  }
0x14d: {  	[hbm4b:s28+s2] =	stream.linear.scatter [tilespmem:s2], [sflag:$0x1], $0x10000, $0x38;
	[tilespmem:$0x10400] =	vst v63  }
0x14e: {  	_ = 	snop  }
0x14f: {  	[hbm4b:s19+s31] =	stream.strided.scatter [tilespmem:s1], [sflag:$0x1], $0x200, s0, s31, $0x38;
	[tilespmem:$0x10400] =	vst v63  }
0x150: {  	_ = 	snop  }
0x151: {  	[hbm4b:s20+s31] =	stream.strided.scatter [tilespmem:s3], [sflag:$0x1], $0x200, s0, s31, $0x38;
	[tilespmem:$0x10400] =	vst v63  }
0x152: {  	_ = 	snop  }
0x153: {  	[hbm4b:s29+s2] =	stream.linear.scatter [tilespmem:s2], [sflag:$0x1], $0x10000, $0x38;
	[tilespmem:$0x10400] =	vst v63  }
0x154: {  	_ = 	snop  }
0x155: {  	[hbm4b:s21+s31] =	stream.strided.scatter [tilespmem:s1], [sflag:$0x1], $0x200, s0, s31, $0x38;
	[tilespmem:$0x10400] =	vst v63  }
0x156: {  	_ = 	snop  }
0x157: {  	[hbm4b:s22+s31] =	stream.strided.scatter [tilespmem:s3], [sflag:$0x1], $0x200, s0, s31, $0x38;
	[tilespmem:$0x10400] =	vst v63  }
0x158: {  	_ =	swait.ge [sflag:s5], $0x10000  }
0x159: {  	[sflag:s5] =	ssyncset.done $0x0  }
0x15a: {  	[sflag:s5] =	ssyncadd.s32 $0xFFFF0000  }
0x15b: {  	_ =	swait.ge [sflag:s5], $0x200  }
0x15c: {  	[sflag:s5] =	ssyncset.done $0x0  }
0x15d: {  	[sflag:s5] =	ssyncadd.s32 $0xFFFFFE00  }
0x15e: {  	_ =	swait.ge [sflag:s5], $0x200  }
0x15f: {  	[sflag:s5] =	ssyncset.done $0x0  }
0x160: {  	[sflag:s5] =	ssyncadd.s32 $0xFFFFFE00  }
0x161: {  	_ =	swait.ge [sflag:s5], $0x10000  }
0x162: {  	[sflag:s5] =	ssyncset.done $0x0  }
0x163: {  	[sflag:s5] =	ssyncadd.s32 $0xFFFF0000  }
0x164: {  	_ =	swait.ge [sflag:s5], $0x200  }
0x165: {  	[sflag:s5] =	ssyncset.done $0x0  }
0x166: {  	[sflag:s5] =	ssyncadd.s32 $0xFFFFFE00  }
0x167: {  	_ =	swait.ge [sflag:s5], $0x200  }
0x168: {  	[sflag:s5] =	ssyncset.done $0x0  }
0x169: {  	[sflag:s5] =	ssyncadd.s32 $0xFFFFFE00  }
0x16a: {  	_ =	swait.ge [sflag:s5], $0x10000  }
0x16b: {  	[sflag:s5] =	ssyncset.done $0x0  }
0x16c: {  	[sflag:s5] =	ssyncadd.s32 $0xFFFF0000  }
0x16d: {  	_ =	swait.ge [sflag:s5], $0x200  }
0x16e: {  	[sflag:s5] =	ssyncset.done $0x0  }
0x16f: {  	[sflag:s5] =	ssyncadd.s32 $0xFFFFFE00  }
0x170: {  	_ =	swait.ge [sflag:s5], $0x200  }
0x171: {  	[sflag:s5] =	ssyncset.done $0x0  }
0x172: {  	[sflag:s5] =	ssyncadd.s32 $0xFFFFFE00  }
0x173: {  	_ =	swait.ge [sflag:s5], $0x10000  }
0x174: {  	[sflag:s5] =	ssyncset.done $0x0  }
0x175: {  	[sflag:s5] =	ssyncadd.s32 $0xFFFF0000  }
0x176: {  	_ =	swait.ge [sflag:s5], $0x200  }
0x177: {  	[sflag:s5] =	ssyncset.done $0x0  }
0x178: {  	[sflag:s5] =	ssyncadd.s32 $0xFFFFFE00  }
0x179: {  	_ =	swait.ge [sflag:s5], $0x200  }
0x17a: {  	[sflag:s5] =	ssyncset.done $0x0  }
0x17b: {  	[sflag:s5] =	ssyncadd.s32 $0xFFFFFE00  }
0x17c: {  	_ =	swait.ge [sflag:s5], $0x10000  }
0x17d: {  	[sflag:s5] =	ssyncset.done $0x0  }
0x17e: {  	[sflag:s5] =	ssyncadd.s32 $0xFFFF0000  }
0x17f: {  	_ =	swait.ge [sflag:s5], $0x200  }
0x180: {  	[sflag:s5] =	ssyncset.done $0x0  }
0x181: {  	[sflag:s5] =	ssyncadd.s32 $0xFFFFFE00  }
0x182: {  	_ =	swait.ge [sflag:s5], $0x200  }
0x183: {  	[sflag:s5] =	ssyncset.done $0x0  }
0x184: {  	[sflag:s5] =	ssyncadd.s32 $0xFFFFFE00  }
0x185: {  	_ =	swait.ge [sflag:s5], $0x10000  }
0x186: {  	[sflag:s5] =	ssyncset.done $0x0  }
0x187: {  	[sflag:s5] =	ssyncadd.s32 $0xFFFF0000  }
0x188: {  	_ =	swait.ge [sflag:s5], $0x200  }
0x189: {  	[sflag:s5] =	ssyncset.done $0x0  }
0x18a: {  	[sflag:s5] =	ssyncadd.s32 $0xFFFFFE00  }
0x18b: {  	_ =	swait.ge [sflag:s5], $0x200  }
0x18c: {  	[sflag:s5] =	ssyncset.done $0x0  }
0x18d: {  	[sflag:s5] =	ssyncadd.s32 $0xFFFFFE00  }
0x18e: {  	_ =	swait.ge [sflag:s5], $0x10000  }
0x18f: {  	[sflag:s5] =	ssyncset.done $0x0  }
0x190: {  	[sflag:s5] =	ssyncadd.s32 $0xFFFF0000  }
0x191: {  	_ =	swait.ge [sflag:s5], $0x200  }
0x192: {  	[sflag:s5] =	ssyncset.done $0x0  }
0x193: {  	[sflag:s5] =	ssyncadd.s32 $0xFFFFFE00  }
0x194: {  	_ =	swait.ge [sflag:s5], $0x200  }
0x195: {  	[sflag:s5] =	ssyncset.done $0x0  }
0x196: {  	[sflag:s5] =	ssyncadd.s32 $0xFFFFFE00  }
0x197: {  	_ =	swait.ge [sflag:s5], $0x10000  }
0x198: {  	[sflag:s5] =	ssyncset.done $0x0  }
0x199: {  	s6 =	sadd.s32 $0x1, s6;
	[sflag:s5] =	ssyncadd.s32 $0xFFFF0000  }
0x19a: {  	p0 =	sne.s32 s6, s24;
	_ =	swait.ge [sflag:s5], $0x200  }
.Ltmp1:
0x19b: {  	[sflag:s5] =	ssyncset.done $0x0;
	(pc) =	sbr.rel @p0 .LBB2_1-.Ltmp1, $4  }
0x19c: {  	[sflag:s5] =	ssyncadd.s32 $0xFFFFFE00  }
0x19d: {  	_ =	swait.ge [sflag:s5], $0x200  }
0x19e: {  	[sflag:s5] =	ssyncset.done $0x0  }
0x19f: {  	[sflag:s5] =	ssyncadd.s32 $0xFFFFFE00  }
0x1a0: {  	_ =	sfence.sel $0x180000  }
0x1a1: {  	[bflag:$0x0] =	sbarrier.arrive $0xFFFF  }
0x1a2: {  	_ =	strace $0x90000047  }
0x1a3: {  	s0 =	stileid.u32;
	[bflag:$0x2] =	sbarrier.arrive $0xFFFF  }
0x1a4: {  	p0 =	sne.s32 s0, $0x0;
	s0 =	rddreg [dreg:$0x4]  }
0x1a5: {  	s0 =	sadd.s32 @!p0 $0x100000, s0  }
0x1a6: {  	[sflag:s0] =	ssyncadd.tile.s32 @!p0 $0x1;
	_ =	shalt  }
.Lfunc_end2:
_tile_overlayer_lowered:
.L_overlay_start_2:
0x1a7: {  	(tag) =	ssettag $0x2  }
0x1a8: {  	s0 =	rddreg [dreg:$0x0];
	s2 =	stileid.u32  }
0x1a9: {  	s1 =	rddreg [dreg:$0x1];
	p0 =	sne.s32 s2, $0x0  }
0x1aa: {  	s3 =	rddreg [dreg:$0x2];
	[bflag:$0x3] =	sbarrier.arrive $0xFFFF;
	s2 =	simm.s32 @!p0 $0x1C02  }
0x1ab: {  	[timem:s3], [sflag:s2] =	dma.local @!p0 [hbm:s0], s1  }
0x1ac: {  	s0 =	simm.s32 @!p0 $0x2  }
0x1ad: {  	_ =	swait.ge @!p0 [sflag:s0], s1  }
0x1ae: {  	s1 =	ssub.s32 @!p0 $0x0, s1;
	[sflag:s0] =	ssyncset.done @!p0 $0x0  }
0x1af: {  	[sflag:s0] =	ssyncadd.s32 @!p0 s1  }
0x1b0: {  	[bflag:$0x3] =	sbarrier.arrive $0xFFFF  }
0x1b1: {  	_ =	shalt  }

</sc_bundles>
